<compile_context>
chip_gen: v7x
topology: tpu7x:2x2x1
jax: 0.10.2.dev20260603
libtpu: 0.0.44.dev20260713+nightly
codegen_flags: <defaults>
</compile_context>

<pallas_src>
import functools

import jax
import jax.numpy as jnp
from jax import lax
from jax.experimental import pallas as pl
from jax.experimental.pallas import tpu as pltpu
from jax.experimental.pallas import tpu_sc as plsc

B, S, FI, K, OF = 8, 1024, 64, 32, 128
N = B * S
RTOT = B * S * K
RB = 512
TS = 128
NT = S // TS
EPS = 1e-5
CC = (((1,), (1,)), ((), ()))


def _knn_body(xfull_ref, xblk_ref, sqrow_ref, sqcol_ref, gidx_ref):
    b = pl.program_id(0)
    samb = xfull_ref[0]
    blk = xblk_ref[0]
    g = lax.dot_general(blk, samb, CC, preferred_element_type=jnp.float32)
    d = sqcol_ref[...] + sqrow_ref[0] - 2.0 * g
    neg = -d
    iotaj = lax.broadcasted_iota(jnp.int32, (RB, S), 1)
    cols = []
    for _ in range(K):
        m = jnp.max(neg, axis=1, keepdims=True)
        cand = jnp.where(neg == m, iotaj, S * 2)
        jstar = jnp.min(cand, axis=1, keepdims=True)
        cols.append(jstar)
        neg = jnp.where(iotaj == jstar, -jnp.inf, neg)
    gidx_ref[...] = jnp.concatenate(cols, axis=1) + b * S


def _knn_call(x, sqrow, sqcol):
    nrb = S // RB
    return pl.pallas_call(
        _knn_body,
        grid=(B, nrb),
        in_specs=[
            pl.BlockSpec((1, S, FI), lambda b, rb: (b, 0, 0)),
            pl.BlockSpec((1, RB, FI), lambda b, rb: (b, rb, 0)),
            pl.BlockSpec((1, 1, S), lambda b, rb: (b, 0, 0)),
            pl.BlockSpec((RB, 1), lambda b, rb: (b * nrb + rb, 0)),
        ],
        out_specs=pl.BlockSpec((RB, K), lambda b, rb: (b * nrb + rb, 0)),
        out_shape=jax.ShapeDtypeStruct((N, K), jnp.int32),
        compiler_params=pltpu.CompilerParams(
            dimension_semantics=("arbitrary", "arbitrary")),
    )(x, x, sqrow, sqcol)


SC_NC, SC_NS = 2, 16
NW = SC_NC * SC_NS
ROWS_W = RTOT // NW
CH = 512
NCH = ROWS_W // CH


def _sc_gather(xflat, gidx):
    mesh = plsc.VectorSubcoreMesh(core_axis_name="c", subcore_axis_name="s",
                                  num_cores=SC_NC, num_subcores=SC_NS)

    @functools.partial(
        pl.kernel,
        out_type=jax.ShapeDtypeStruct((RTOT, FI), jnp.float32),
        mesh=mesh,
        compiler_params=pltpu.CompilerParams(use_tc_tiling_on_sc=False),
        scratch_types=[
            pltpu.VMEM((ROWS_W,), jnp.int32),
            pltpu.VMEM((2, CH, FI), jnp.float32),
            pltpu.SemaphoreType.DMA,
            pltpu.SemaphoreType.DMA,
            pltpu.SemaphoreType.DMA,
            pltpu.SemaphoreType.DMA,
        ],
    )
    def gather_k(x_hbm, gidx_hbm, out_hbm, idx_v, rows_v, sg0, sg1, sw0, sw1):
        wid = lax.axis_index("s") * SC_NC + lax.axis_index("c")
        base = wid * ROWS_W
        pltpu.sync_copy(gidx_hbm.at[pl.ds(base, ROWS_W)], idx_v)
        sg = (sg0, sg1)
        sw = (sw0, sw1)

        def g_issue(c):
            return pltpu.async_copy(
                x_hbm.at[idx_v.at[pl.ds(c * CH, CH)]], rows_v.at[c % 2],
                sg[c % 2])

        gcp = [None] * NCH
        gcp[0] = g_issue(0)
        if NCH > 1:
            gcp[1] = g_issue(1)
        for c in range(NCH):
            gcp[c].wait()
            w = pltpu.async_copy(rows_v.at[c % 2],
                                 out_hbm.at[pl.ds(base + c * CH, CH)],
                                 sw[c % 2])
            w.wait()
            if c + 2 < NCH:
                gcp[c + 2] = g_issue(c + 2)

    return gather_k(xflat, gidx)


def _layer1(xt_ref, xg_ref, w1_ref, b1_ref):
    xt = xt_ref[...]
    h = jnp.concatenate([xt, xt - xg_ref[...]], axis=1)
    return lax.dot_general(h, w1_ref[...], CC,
                           preferred_element_type=jnp.float32) + b1_ref[...]


def _seg_sums(h):
    h3 = h.reshape(TS, K, OF)
    return jnp.sum(h3, axis=1), jnp.sum(h3 * h3, axis=1)


def _alpha_beta(s1_ref, s2_ref, g_ref, bt_ref):
    cnt = float(B * K * OF)
    mean = jnp.sum(s1_ref[...], axis=1, keepdims=True) / cnt
    ex2 = jnp.sum(s2_ref[...], axis=1, keepdims=True) / cnt
    var = ex2 - mean * mean
    inv = lax.rsqrt(var + EPS)
    alpha = inv * g_ref[...]
    beta = bt_ref[...] - mean * alpha
    return alpha.reshape(TS, 1, 1), beta.reshape(TS, 1, 1)


def _bn_relu(h, a3, b3):
    h3 = h.reshape(TS, K, OF)
    return jnp.maximum(h3 * a3 + b3, 0.0)


def _accum(b, ps, pq, a_ref, b_ref):
    @pl.when(b == 0)
    def _():
        a_ref[...] = ps
        b_ref[...] = pq

    @pl.when(b > 0)
    def _():
        a_ref[...] += ps
        b_ref[...] += pq


_XT_SPEC = pl.BlockSpec((TS * K, FI), lambda t, b: (t % (N // (TS * K)), 0))
_XG_SPEC = pl.BlockSpec((TS * K, FI), lambda t, b: (b * NT + t, 0))
_H2_SPEC = pl.BlockSpec((TS * K, OF), lambda t, b: (b * NT + t, 0))
_ST_SPEC = pl.BlockSpec((TS, OF), lambda t, b: (t, 0))
_GB_SPEC = pl.BlockSpec((TS, 1), lambda t, b: (t, 0))


def _const2(shape):
    return pl.BlockSpec(shape, lambda t, b: (0, 0))


_STATS_SHAPE = [jax.ShapeDtypeStruct((S, OF), jnp.float32),
                jax.ShapeDtypeStruct((S, OF), jnp.float32)]
_SEM = ("arbitrary", "arbitrary")


def _p1_body(xt_ref, xg_ref, w1_ref, b1_ref, s1_ref, s2_ref):
    h1 = _layer1(xt_ref, xg_ref, w1_ref, b1_ref)
    ps, pq = _seg_sums(h1)
    _accum(pl.program_id(1), ps, pq, s1_ref, s2_ref)


def _p1_call(xflat, xg, w1, b1row):
    return pl.pallas_call(
        _p1_body,
        grid=(NT, B),
        in_specs=[_XT_SPEC, _XG_SPEC, _const2((OF, 2 * FI)), _const2((1, OF))],
        out_specs=[_ST_SPEC, _ST_SPEC],
        out_shape=_STATS_SHAPE,
        compiler_params=pltpu.CompilerParams(dimension_semantics=_SEM),
    )(xflat, xg, w1, b1row)


def _p2_body(xt_ref, xg_ref, w1_ref, b1_ref, s1_ref, s2_ref, g_ref, bt_ref,
             w2_ref, b2_ref, h2_ref, t1_ref, t2_ref):
    h1 = _layer1(xt_ref, xg_ref, w1_ref, b1_ref)
    a3, b3 = _alpha_beta(s1_ref, s2_ref, g_ref, bt_ref)
    r1 = _bn_relu(h1, a3, b3).reshape(TS * K, OF)
    h2 = lax.dot_general(r1, w2_ref[...], CC,
                         preferred_element_type=jnp.float32) + b2_ref[...]
    h2_ref[...] = h2
    ps, pq = _seg_sums(h2)
    _accum(pl.program_id(1), ps, pq, t1_ref, t2_ref)


def _p2_call(xflat, xg, w1, b1row, s1, s2, gcol, bcol, w2, b2row):
    return pl.pallas_call(
        _p2_body,
        grid=(NT, B),
        in_specs=[_XT_SPEC, _XG_SPEC, _const2((OF, 2 * FI)), _const2((1, OF)),
                  _ST_SPEC, _ST_SPEC, _GB_SPEC, _GB_SPEC,
                  _const2((OF, OF)), _const2((1, OF))],
        out_specs=[_H2_SPEC, _ST_SPEC, _ST_SPEC],
        out_shape=[jax.ShapeDtypeStruct((RTOT, OF), jnp.float32)]
                  + _STATS_SHAPE,
        compiler_params=pltpu.CompilerParams(dimension_semantics=_SEM),
    )(xflat, xg, w1, b1row, s1, s2, gcol, bcol, w2, b2row)


def _p3_body(h2_ref, t1_ref, t2_ref, g_ref, bt_ref, out_ref):
    a3, b3 = _alpha_beta(t1_ref, t2_ref, g_ref, bt_ref)
    v3 = _bn_relu(h2_ref[...], a3, b3)
    out_ref[0] = jnp.max(v3, axis=1)


def _p3_call(h2, t1, t2, gcol, bcol):
    return pl.pallas_call(
        _p3_body,
        grid=(NT, B),
        in_specs=[_H2_SPEC, _ST_SPEC, _ST_SPEC, _GB_SPEC, _GB_SPEC],
        out_specs=pl.BlockSpec((1, TS, OF), lambda t, b: (b, t, 0)),
        out_shape=jax.ShapeDtypeStruct((B, S, OF), jnp.float32),
        compiler_params=pltpu.CompilerParams(dimension_semantics=_SEM),
    )(h2, t1, t2, gcol, bcol)


def kernel(x, W1, b1, W2, b2, gamma, beta):
    xflat = x.reshape(N, FI)
    sq = jnp.sum(x * x, axis=-1)
    sqrow = sq.reshape(B, 1, S)
    sqcol = sq.reshape(N, 1)
    b1row = b1.reshape(1, OF)
    b2row = b2.reshape(1, OF)
    gcol = gamma.reshape(S, 1)
    bcol = beta.reshape(S, 1)
    gidx = _knn_call(x, sqrow, sqcol)
    xg = _sc_gather(xflat, gidx.reshape(RTOT))
    s1, s2 = _p1_call(xflat, xg, W1, b1row)
    h2, t1, t2 = _p2_call(xflat, xg, W1, b1row, s1, s2, gcol, bcol, W2, b2row)
    return _p3_call(h2, t1, t2, gcol, bcol)

# --- scband reference (transcript-rebuilt; emitter-appended) ---
"""Pipeline reference for scband-pose-net-26096221291161 (READ-ONLY COPY).

The authoritative reference and input builder live on the scoring server;
editing this copy changes nothing except your own understanding.
"""

import jax, jax.numpy as jnp
import numpy as np

B, S, FI, K, OF = 8, 1024, 64, 32, 128

def setup_inputs(seed: int = 0) -> dict:
    key = jax.random.key(seed)
    k0, k1, k2, k3, k4 = jax.random.split(key, 5)
    x = jax.random.normal(k0, (B, S, FI), dtype=jnp.float32)
    lim1 = 1.0 / np.sqrt(2 * FI)
    W1 = jax.random.uniform(k1, (OF, 2 * FI), minval=-lim1, maxval=lim1, dtype=jnp.float32)
    b1 = jax.random.uniform(k2, (OF,), minval=-lim1, maxval=lim1, dtype=jnp.float32)
    lim2 = 1.0 / np.sqrt(OF)
    W2 = jax.random.uniform(k3, (OF, OF), minval=-lim2, maxval=lim2, dtype=jnp.float32)
    b2 = jax.random.uniform(k4, (OF,), minval=-lim2, maxval=lim2, dtype=jnp.float32)
    gamma = jnp.ones((S,), dtype=jnp.float32)
    beta = jnp.zeros((S,), dtype=jnp.float32)
    return {"x": x, "W1": W1, "b1": b1, "W2": W2, "b2": b2, "gamma": gamma, "beta": beta}

def _bn(h, gamma, beta, eps=1e-5):
    # training-mode BatchNorm2d with channels = sam_num (axis 1); biased variance
    m = jnp.mean(h, axis=(0, 2, 3), keepdims=True)
    v = jnp.var(h, axis=(0, 2, 3), keepdims=True)
    hn = (h - m) / jnp.sqrt(v + eps)
    return hn * gamma[None, :, None, None] + beta[None, :, None, None]

def reference(x, W1, b1, W2, b2, gamma, beta):
    # SampGroup.forward with sam_num >= 500 -> sam_point = x (FPS skipped)
    sam = x
    # knn: exact k-NN by squared Euclidean distance (sklearn NearestNeighbors equivalent)
    sq = jnp.sum(sam * sam, axis=-1)
    d = sq[:, :, None] + sq[:, None, :] - 2.0 * jnp.einsum('bif,bjf->bij', sam, sam)
    _, idx = jax.lax.top_k(-d, K)  # [B,S,K] neighbor indices (includes self)
    gro = jax.vmap(lambda s, i: s[i])(sam, idx)  # gather neighbor features [B,S,K,FI]
    # faithful to torch: sam_point.repeat(1,k,1,1).view(B,S,k,FI)
    sam_t = jnp.tile(sam, (1, K, 1, 1)).reshape(B, S, K, FI)
    nkd = sam_t - gro
    h = jnp.concatenate([sam_t, nkd], axis=3)  # [B,S,K,2*FI]
    h = jnp.einsum('bskf,of->bsko', h, W1) + b1
    h = jax.nn.relu(_bn(h, gamma, beta))
    h = jnp.einsum('bskf,of->bsko', h, W2) + b2
    h = jax.nn.relu(_bn(h, gamma, beta))
    # MaxPool2d((k,1)) over the neighbor axis
    out = jnp.max(h, axis=2).reshape(B, S, OF)
    return out

if __name__ == "__main__":
    import jax
    _d = setup_inputs()
    print(jax.jit(kernel)(*tuple(_d.values())))

</pallas_src>

<mosaic_0001>
#map = affine_map<(d0, d1) -> (0, 0)>
#map1 = affine_map<(d0, d1) -> (0)>
module attributes {stable_mosaic.version = 14 : i64} {
  func.func @gather_k(%arg0: i32, %arg1: i32, %arg2: memref<8192x64xf32, #tpu.memory_space<hbm>>, %arg3: memref<262144xi32, #tpu.memory_space<hbm>>, %arg4: memref<262144x64xf32, #tpu.memory_space<hbm>>, %arg5: memref<8192xi32, #tpu.memory_space<vmem>>, %arg6: memref<2x512x64xf32, #tpu.memory_space<vmem>>, %arg7: memref<!tpu.dma_semaphore, #tpu.memory_space<semaphore_mem>>, %arg8: memref<!tpu.dma_semaphore, #tpu.memory_space<semaphore_mem>>, %arg9: memref<!tpu.dma_semaphore, #tpu.memory_space<semaphore_mem>>, %arg10: memref<!tpu.dma_semaphore, #tpu.memory_space<semaphore_mem>>) attributes {dimension_semantics = [#tpu.dimension_semantics<core_parallel>, #tpu.dimension_semantics<subcore_parallel>], iteration_bounds = array<i64: 2, 16>, scalar_prefetch = 0 : i64, scratch_operands = 6 : i64, tpu.core_type = #tpu.core_type<sc_vector_subcore>, window_params = [{transform_indices = #map}, {transform_indices = #map1}, {transform_indices = #map}]} {
    %mul3A = arith.constant 2 : i32
    %mul3A_0 = arith.muli %arg1, %mul3A : i32
    %add3A = arith.addi %mul3A_0, %arg0 : i32
    %mul3A_1 = arith.constant 8192 : i32
    %mul3A_2 = arith.muli %add3A, %mul3A_1 : i32
    "tpu.region"() ({
      %run_scoped3A = tpu.sem_alloc : memref<!tpu.dma_semaphore, #tpu.memory_space<semaphore_mem>>
      %dma_start3A_769 = tpu.memref_slice %arg3[%mul3A_2] : memref<262144xi32, #tpu.memory_space<hbm>> -> memref<8192xi32, #tpu.memory_space<hbm>>
      %dma_start3A_770 = tpu.memref_slice %arg3[%mul3A_2] : memref<262144xi32, #tpu.memory_space<hbm>> -> memref<8192xi32, #tpu.memory_space<hbm>>
      tpu.enqueue_dma source(%dma_start3A_770 : memref<8192xi32, #tpu.memory_space<hbm>>) target(%arg5 : memref<8192xi32, #tpu.memory_space<vmem>>) target_semaphore(%run_scoped3A : memref<!tpu.dma_semaphore, #tpu.memory_space<semaphore_mem>>)
      %dma_wait3A_771 = tpu.memref_slice %arg3[%mul3A_2] : memref<262144xi32, #tpu.memory_space<hbm>> -> memref<8192xi32, #tpu.memory_space<hbm>>
      %dma_wait3A_772 = tpu.memref_slice %arg3[%mul3A_2] : memref<262144xi32, #tpu.memory_space<hbm>> -> memref<8192xi32, #tpu.memory_space<hbm>>
      tpu.wait_dma2 semaphore(%run_scoped3A : memref<!tpu.dma_semaphore, #tpu.memory_space<semaphore_mem>>) src(%dma_wait3A_772 : memref<8192xi32, #tpu.memory_space<hbm>>) dst(%arg5 : memref<8192xi32, #tpu.memory_space<vmem>>)
      tpu.yield
    }) : () -> ()
    %dma_start3A = arith.constant 0 : i32
    %dma_start3A_3 = arith.constant 0 : i32
    %dma_start3A_4 = arith.constant 0 : i32
    %dma_start3A_5 = tpu.memref_slice %arg6[%dma_start3A, %dma_start3A_3, %dma_start3A_4] : memref<2x512x64xf32, #tpu.memory_space<vmem>> -> memref<1x512x64xf32, #tpu.memory_space<vmem>>
    %dma_start3A_6 = tpu.memref_squeeze %dma_start3A_5 : memref<1x512x64xf32, #tpu.memory_space<vmem>> -> memref<512x64xf32, #tpu.memory_space<vmem>>
    %dma_start3A_7 = arith.constant 0 : i32
    %dma_start3A_8 = tpu.memref_slice %arg5[%dma_start3A_7] : memref<8192xi32, #tpu.memory_space<vmem>> -> memref<512xi32, #tpu.memory_space<vmem>>
    %dma_start3A_9 = arith.constant 0 : i32
    %dma_start3A_10 = arith.constant 0 : i32
    %dma_start3A_11 = tpu.memref_slice %arg2[%dma_start3A_9, %dma_start3A_10] : memref<8192x64xf32, #tpu.memory_space<hbm>> -> memref<8192x64xf32, #tpu.memory_space<hbm>>
    tpu.enqueue_indirect_dma source(%dma_start3A_11 : memref<8192x64xf32, #tpu.memory_space<hbm>>) target(%dma_start3A_6 : memref<512x64xf32, #tpu.memory_space<vmem>>) offsets(%dma_start3A_8 : memref<512xi32, #tpu.memory_space<vmem>>) semaphore(%arg7 : memref<!tpu.dma_semaphore, #tpu.memory_space<semaphore_mem>>)
    %dma_start3A_12 = arith.constant 1 : i32
    %dma_start3A_13 = arith.constant 0 : i32
    %dma_start3A_14 = arith.constant 0 : i32
    %dma_start3A_15 = tpu.memref_slice %arg6[%dma_start3A_12, %dma_start3A_13, %dma_start3A_14] : memref<2x512x64xf32, #tpu.memory_space<vmem>> -> memref<1x512x64xf32, #tpu.memory_space<vmem>>
    %dma_start3A_16 = tpu.memref_squeeze %dma_start3A_15 : memref<1x512x64xf32, #tpu.memory_space<vmem>> -> memref<512x64xf32, #tpu.memory_space<vmem>>
    %dma_start3A_17 = arith.constant 512 : i32
    %dma_start3A_18 = tpu.memref_slice %arg5[%dma_start3A_17] : memref<8192xi32, #tpu.memory_space<vmem>> -> memref<512xi32, #tpu.memory_space<vmem>>
    %dma_start3A_19 = arith.constant 0 : i32
    %dma_start3A_20 = arith.constant 0 : i32
    %dma_start3A_21 = tpu.memref_slice %arg2[%dma_start3A_19, %dma_start3A_20] : memref<8192x64xf32, #tpu.memory_space<hbm>> -> memref<8192x64xf32, #tpu.memory_space<hbm>>
    tpu.enqueue_indirect_dma source(%dma_start3A_21 : memref<8192x64xf32, #tpu.memory_space<hbm>>) target(%dma_start3A_16 : memref<512x64xf32, #tpu.memory_space<vmem>>) offsets(%dma_start3A_18 : memref<512xi32, #tpu.memory_space<vmem>>) semaphore(%arg8 : memref<!tpu.dma_semaphore, #tpu.memory_space<semaphore_mem>>)
    %dma_wait3A = arith.constant 0 : i32
    %dma_wait3A_22 = arith.constant 0 : i32
    %dma_wait3A_23 = arith.constant 0 : i32
    %dma_wait3A_24 = tpu.memref_slice %arg6[%dma_wait3A, %dma_wait3A_22, %dma_wait3A_23] : memref<2x512x64xf32, #tpu.memory_space<vmem>> -> memref<1x512x64xf32, #tpu.memory_space<vmem>>
    %dma_wait3A_25 = tpu.memref_squeeze %dma_wait3A_24 : memref<1x512x64xf32, #tpu.memory_space<vmem>> -> memref<512x64xf32, #tpu.memory_space<vmem>>
    %dma_wait3A_26 = arith.constant 0 : i32
    %dma_wait3A_27 = tpu.memref_slice %arg5[%dma_wait3A_26] : memref<8192xi32, #tpu.memory_space<vmem>> -> memref<512xi32, #tpu.memory_space<vmem>>
    %dma_wait3A_28 = arith.constant 0 : i32
    %dma_wait3A_29 = arith.constant 0 : i32
    %dma_wait3A_30 = tpu.memref_slice %arg2[%dma_wait3A_28, %dma_wait3A_29] : memref<8192x64xf32, #tpu.memory_space<hbm>> -> memref<8192x64xf32, #tpu.memory_space<hbm>>
    tpu.wait_indirect_dma semaphore(%arg7 : memref<!tpu.dma_semaphore, #tpu.memory_space<semaphore_mem>>) src(%dma_wait3A_30 : memref<8192x64xf32, #tpu.memory_space<hbm>>) dst(%dma_wait3A_25 : memref<512x64xf32, #tpu.memory_space<vmem>>)
    %add3A_31 = arith.constant 0 : i32
    %add3A_32 = arith.addi %mul3A_2, %add3A_31 : i32
    %dma_start3A_33 = arith.constant 0 : i32
    %dma_start3A_34 = arith.constant 0 : i32
    %dma_start3A_35 = arith.constant 0 : i32
    %dma_start3A_36 = tpu.memref_slice %arg6[%dma_start3A_33, %dma_start3A_34, %dma_start3A_35] : memref<2x512x64xf32, #tpu.memory_space<vmem>> -> memref<1x512x64xf32, #tpu.memory_space<vmem>>
    %dma_start3A_37 = tpu.memref_squeeze %dma_start3A_36 : memref<1x512x64xf32, #tpu.memory_space<vmem>> -> memref<512x64xf32, #tpu.memory_space<vmem>>
    %dma_start3A_38 = arith.constant 0 : i32
    %dma_start3A_39 = tpu.memref_slice %arg4[%add3A_32, %dma_start3A_38] : memref<262144x64xf32, #tpu.memory_space<hbm>> -> memref<512x64xf32, #tpu.memory_space<hbm>>
    %dma_start3A_40 = arith.constant 0 : i32
    %dma_start3A_41 = tpu.memref_slice %arg4[%add3A_32, %dma_start3A_40] : memref<262144x64xf32, #tpu.memory_space<hbm>> -> memref<512x64xf32, #tpu.memory_space<hbm>>
    %dma_start3A_42 = arith.constant 0 : i32
    %dma_start3A_43 = arith.constant 0 : i32
    %dma_start3A_44 = tpu.memref_slice %arg6[%dma_start3A_33, %dma_start3A_42, %dma_start3A_43] : memref<2x512x64xf32, #tpu.memory_space<vmem>> -> memref<1x512x64xf32, #tpu.memory_space<vmem>>
    %dma_start3A_45 = tpu.memref_squeeze %dma_start3A_44 : memref<1x512x64xf32, #tpu.memory_space<vmem>> -> memref<512x64xf32, #tpu.memory_space<vmem>>
    tpu.enqueue_dma source(%dma_start3A_45 : memref<512x64xf32, #tpu.memory_space<vmem>>) target(%dma_start3A_41 : memref<512x64xf32, #tpu.memory_space<hbm>>) target_semaphore(%arg9 : memref<!tpu.dma_semaphore, #tpu.memory_space<semaphore_mem>>)
    %dma_wait3A_46 = arith.constant 0 : i32
    %dma_wait3A_47 = arith.constant 0 : i32
    %dma_wait3A_48 = arith.constant 0 : i32
    %dma_wait3A_49 = tpu.memref_slice %arg6[%dma_wait3A_46, %dma_wait3A_47, %dma_wait3A_48] : memref<2x512x64xf32, #tpu.memory_space<vmem>> -> memref<1x512x64xf32, #tpu.memory_space<vmem>>
    %dma_wait3A_50 = tpu.memref_squeeze %dma_wait3A_49 : memref<1x512x64xf32, #tpu.memory_space<vmem>> -> memref<512x64xf32, #tpu.memory_space<vmem>>
    %dma_wait3A_51 = arith.constant 0 : i32
    %dma_wait3A_52 = tpu.memref_slice %arg4[%add3A_32, %dma_wait3A_51] : memref<262144x64xf32, #tpu.memory_space<hbm>> -> memref<512x64xf32, #tpu.memory_space<hbm>>
    %dma_wait3A_53 = arith.constant 0 : i32
    %dma_wait3A_54 = tpu.memref_slice %arg4[%add3A_32, %dma_wait3A_53] : memref<262144x64xf32, #tpu.memory_space<hbm>> -> memref<512x64xf32, #tpu.memory_space<hbm>>
    %dma_wait3A_55 = arith.constant 0 : i32
    %dma_wait3A_56 = arith.constant 0 : i32
    %dma_wait3A_57 = tpu.memref_slice %arg6[%dma_wait3A_46, %dma_wait3A_55, %dma_wait3A_56] : memref<2x512x64xf32, #tpu.memory_space<vmem>> -> memref<1x512x64xf32, #tpu.memory_space<vmem>>
    %dma_wait3A_58 = tpu.memref_squeeze %dma_wait3A_57 : memref<1x512x64xf32, #tpu.memory_space<vmem>> -> memref<512x64xf32, #tpu.memory_space<vmem>>
    tpu.wait_dma2 semaphore(%arg9 : memref<!tpu.dma_semaphore, #tpu.memory_space<semaphore_mem>>) src(%dma_wait3A_58 : memref<512x64xf32, #tpu.memory_space<vmem>>) dst(%dma_wait3A_54 : memref<512x64xf32, #tpu.memory_space<hbm>>)
    %dma_start3A_59 = arith.constant 0 : i32
    %dma_start3A_60 = arith.constant 0 : i32
    %dma_start3A_61 = arith.constant 0 : i32
    %dma_start3A_62 = tpu.memref_slice %arg6[%dma_start3A_59, %dma_start3A_60, %dma_start3A_61] : memref<2x512x64xf32, #tpu.memory_space<vmem>> -> memref<1x512x64xf32, #tpu.memory_space<vmem>>
    %dma_start3A_63 = tpu.memref_squeeze %dma_start3A_62 : memref<1x512x64xf32, #tpu.memory_space<vmem>> -> memref<512x64xf32, #tpu.memory_space<vmem>>
    %dma_start3A_64 = arith.constant 1024 : i32
    %dma_start3A_65 = tpu.memref_slice %arg5[%dma_start3A_64] : memref<8192xi32, #tpu.memory_space<vmem>> -> memref<512xi32, #tpu.memory_space<vmem>>
    %dma_start3A_66 = arith.constant 0 : i32
    %dma_start3A_67 = arith.constant 0 : i32
    %dma_start3A_68 = tpu.memref_slice %arg2[%dma_start3A_66, %dma_start3A_67] : memref<8192x64xf32, #tpu.memory_space<hbm>> -> memref<8192x64xf32, #tpu.memory_space<hbm>>
    tpu.enqueue_indirect_dma source(%dma_start3A_68 : memref<8192x64xf32, #tpu.memory_space<hbm>>) target(%dma_start3A_63 : memref<512x64xf32, #tpu.memory_space<vmem>>) offsets(%dma_start3A_65 : memref<512xi32, #tpu.memory_space<vmem>>) semaphore(%arg7 : memref<!tpu.dma_semaphore, #tpu.memory_space<semaphore_mem>>)
    %dma_wait3A_69 = arith.constant 1 : i32
    %dma_wait3A_70 = arith.constant 0 : i32
    %dma_wait3A_71 = arith.constant 0 : i32
    %dma_wait3A_72 = tpu.memref_slice %arg6[%dma_wait3A_69, %dma_wait3A_70, %dma_wait3A_71] : memref<2x512x64xf32, #tpu.memory_space<vmem>> -> memref<1x512x64xf32, #tpu.memory_space<vmem>>
    %dma_wait3A_73 = tpu.memref_squeeze %dma_wait3A_72 : memref<1x512x64xf32, #tpu.memory_space<vmem>> -> memref<512x64xf32, #tpu.memory_space<vmem>>
    %dma_wait3A_74 = arith.constant 512 : i32
    %dma_wait3A_75 = tpu.memref_slice %arg5[%dma_wait3A_74] : memref<8192xi32, #tpu.memory_space<vmem>> -> memref<512xi32, #tpu.memory_space<vmem>>
    %dma_wait3A_76 = arith.constant 0 : i32
    %dma_wait3A_77 = arith.constant 0 : i32
    %dma_wait3A_78 = tpu.memref_slice %arg2[%dma_wait3A_76, %dma_wait3A_77] : memref<8192x64xf32, #tpu.memory_space<hbm>> -> memref<8192x64xf32, #tpu.memory_space<hbm>>
    tpu.wait_indirect_dma semaphore(%arg8 : memref<!tpu.dma_semaphore, #tpu.memory_space<semaphore_mem>>) src(%dma_wait3A_78 : memref<8192x64xf32, #tpu.memory_space<hbm>>) dst(%dma_wait3A_73 : memref<512x64xf32, #tpu.memory_space<vmem>>)
    %add3A_79 = arith.constant 512 : i32
    %add3A_80 = arith.addi %mul3A_2, %add3A_79 : i32
    %dma_start3A_81 = arith.constant 1 : i32
    %dma_start3A_82 = arith.constant 0 : i32
    %dma_start3A_83 = arith.constant 0 : i32
    %dma_start3A_84 = tpu.memref_slice %arg6[%dma_start3A_81, %dma_start3A_82, %dma_start3A_83] : memref<2x512x64xf32, #tpu.memory_space<vmem>> -> memref<1x512x64xf32, #tpu.memory_space<vmem>>
    %dma_start3A_85 = tpu.memref_squeeze %dma_start3A_84 : memref<1x512x64xf32, #tpu.memory_space<vmem>> -> memref<512x64xf32, #tpu.memory_space<vmem>>
    %dma_start3A_86 = arith.constant 0 : i32
    %dma_start3A_87 = tpu.memref_slice %arg4[%add3A_80, %dma_start3A_86] : memref<262144x64xf32, #tpu.memory_space<hbm>> -> memref<512x64xf32, #tpu.memory_space<hbm>>
    %dma_start3A_88 = arith.constant 0 : i32
    %dma_start3A_89 = tpu.memref_slice %arg4[%add3A_80, %dma_start3A_88] : memref<262144x64xf32, #tpu.memory_space<hbm>> -> memref<512x64xf32, #tpu.memory_space<hbm>>
    %dma_start3A_90 = arith.constant 0 : i32
    %dma_start3A_91 = arith.constant 0 : i32
    %dma_start3A_92 = tpu.memref_slice %arg6[%dma_start3A_81, %dma_start3A_90, %dma_start3A_91] : memref<2x512x64xf32, #tpu.memory_space<vmem>> -> memref<1x512x64xf32, #tpu.memory_space<vmem>>
    %dma_start3A_93 = tpu.memref_squeeze %dma_start3A_92 : memref<1x512x64xf32, #tpu.memory_space<vmem>> -> memref<512x64xf32, #tpu.memory_space<vmem>>
    tpu.enqueue_dma source(%dma_start3A_93 : memref<512x64xf32, #tpu.memory_space<vmem>>) target(%dma_start3A_89 : memref<512x64xf32, #tpu.memory_space<hbm>>) target_semaphore(%arg10 : memref<!tpu.dma_semaphore, #tpu.memory_space<semaphore_mem>>)
    %dma_wait3A_94 = arith.constant 1 : i32
    %dma_wait3A_95 = arith.constant 0 : i32
    %dma_wait3A_96 = arith.constant 0 : i32
    %dma_wait3A_97 = tpu.memref_slice %arg6[%dma_wait3A_94, %dma_wait3A_95, %dma_wait3A_96] : memref<2x512x64xf32, #tpu.memory_space<vmem>> -> memref<1x512x64xf32, #tpu.memory_space<vmem>>
    %dma_wait3A_98 = tpu.memref_squeeze %dma_wait3A_97 : memref<1x512x64xf32, #tpu.memory_space<vmem>> -> memref<512x64xf32, #tpu.memory_space<vmem>>
    %dma_wait3A_99 = arith.constant 0 : i32
    %dma_wait3A_100 = tpu.memref_slice %arg4[%add3A_80, %dma_wait3A_99] : memref<262144x64xf32, #tpu.memory_space<hbm>> -> memref<512x64xf32, #tpu.memory_space<hbm>>
    %dma_wait3A_101 = arith.constant 0 : i32
    %dma_wait3A_102 = tpu.memref_slice %arg4[%add3A_80, %dma_wait3A_101] : memref<262144x64xf32, #tpu.memory_space<hbm>> -> memref<512x64xf32, #tpu.memory_space<hbm>>
    %dma_wait3A_103 = arith.constant 0 : i32
    %dma_wait3A_104 = arith.constant 0 : i32
    %dma_wait3A_105 = tpu.memref_slice %arg6[%dma_wait3A_94, %dma_wait3A_103, %dma_wait3A_104] : memref<2x512x64xf32, #tpu.memory_space<vmem>> -> memref<1x512x64xf32, #tpu.memory_space<vmem>>
    %dma_wait3A_106 = tpu.memref_squeeze %dma_wait3A_105 : memref<1x512x64xf32, #tpu.memory_space<vmem>> -> memref<512x64xf32, #tpu.memory_space<vmem>>
    tpu.wait_dma2 semaphore(%arg10 : memref<!tpu.dma_semaphore, #tpu.memory_space<semaphore_mem>>) src(%dma_wait3A_106 : memref<512x64xf32, #tpu.memory_space<vmem>>) dst(%dma_wait3A_102 : memref<512x64xf32, #tpu.memory_space<hbm>>)
    %dma_start3A_107 = arith.constant 1 : i32
    %dma_start3A_108 = arith.constant 0 : i32
    %dma_start3A_109 = arith.constant 0 : i32
    %dma_start3A_110 = tpu.memref_slice %arg6[%dma_start3A_107, %dma_start3A_108, %dma_start3A_109] : memref<2x512x64xf32, #tpu.memory_space<vmem>> -> memref<1x512x64xf32, #tpu.memory_space<vmem>>
    %dma_start3A_111 = tpu.memref_squeeze %dma_start3A_110 : memref<1x512x64xf32, #tpu.memory_space<vmem>> -> memref<512x64xf32, #tpu.memory_space<vmem>>
    %dma_start3A_112 = arith.constant 1536 : i32
    %dma_start3A_113 = tpu.memref_slice %arg5[%dma_start3A_112] : memref<8192xi32, #tpu.memory_space<vmem>> -> memref<512xi32, #tpu.memory_space<vmem>>
    %dma_start3A_114 = arith.constant 0 : i32
    %dma_start3A_115 = arith.constant 0 : i32
    %dma_start3A_116 = tpu.memref_slice %arg2[%dma_start3A_114, %dma_start3A_115] : memref<8192x64xf32, #tpu.memory_space<hbm>> -> memref<8192x64xf32, #tpu.memory_space<hbm>>
    tpu.enqueue_indirect_dma source(%dma_start3A_116 : memref<8192x64xf32, #tpu.memory_space<hbm>>) target(%dma_start3A_111 : memref<512x64xf32, #tpu.memory_space<vmem>>) offsets(%dma_start3A_113 : memref<512xi32, #tpu.memory_space<vmem>>) semaphore(%arg8 : memref<!tpu.dma_semaphore, #tpu.memory_space<semaphore_mem>>)
    %dma_wait3A_117 = arith.constant 0 : i32
    %dma_wait3A_118 = arith.constant 0 : i32
    %dma_wait3A_119 = arith.constant 0 : i32
    %dma_wait3A_120 = tpu.memref_slice %arg6[%dma_wait3A_117, %dma_wait3A_118, %dma_wait3A_119] : memref<2x512x64xf32, #tpu.memory_space<vmem>> -> memref<1x512x64xf32, #tpu.memory_space<vmem>>
    %dma_wait3A_121 = tpu.memref_squeeze %dma_wait3A_120 : memref<1x512x64xf32, #tpu.memory_space<vmem>> -> memref<512x64xf32, #tpu.memory_space<vmem>>
    %dma_wait3A_122 = arith.constant 1024 : i32
    %dma_wait3A_123 = tpu.memref_slice %arg5[%dma_wait3A_122] : memref<8192xi32, #tpu.memory_space<vmem>> -> memref<512xi32, #tpu.memory_space<vmem>>
    %dma_wait3A_124 = arith.constant 0 : i32
    %dma_wait3A_125 = arith.constant 0 : i32
    %dma_wait3A_126 = tpu.memref_slice %arg2[%dma_wait3A_124, %dma_wait3A_125] : memref<8192x64xf32, #tpu.memory_space<hbm>> -> memref<8192x64xf32, #tpu.memory_space<hbm>>
    tpu.wait_indirect_dma semaphore(%arg7 : memref<!tpu.dma_semaphore, #tpu.memory_space<semaphore_mem>>) src(%dma_wait3A_126 : memref<8192x64xf32, #tpu.memory_space<hbm>>) dst(%dma_wait3A_121 : memref<512x64xf32, #tpu.memory_space<vmem>>)
    %add3A_127 = arith.constant 1024 : i32
    %add3A_128 = arith.addi %mul3A_2, %add3A_127 : i32
    %dma_start3A_129 = arith.constant 0 : i32
    %dma_start3A_130 = arith.constant 0 : i32
    %dma_start3A_131 = arith.constant 0 : i32
    %dma_start3A_132 = tpu.memref_slice %arg6[%dma_start3A_129, %dma_start3A_130, %dma_start3A_131] : memref<2x512x64xf32, #tpu.memory_space<vmem>> -> memref<1x512x64xf32, #tpu.memory_space<vmem>>
    %dma_start3A_133 = tpu.memref_squeeze %dma_start3A_132 : memref<1x512x64xf32, #tpu.memory_space<vmem>> -> memref<512x64xf32, #tpu.memory_space<vmem>>
    %dma_start3A_134 = arith.constant 0 : i32
    %dma_start3A_135 = tpu.memref_slice %arg4[%add3A_128, %dma_start3A_134] : memref<262144x64xf32, #tpu.memory_space<hbm>> -> memref<512x64xf32, #tpu.memory_space<hbm>>
    %dma_start3A_136 = arith.constant 0 : i32
    %dma_start3A_137 = tpu.memref_slice %arg4[%add3A_128, %dma_start3A_136] : memref<262144x64xf32, #tpu.memory_space<hbm>> -> memref<512x64xf32, #tpu.memory_space<hbm>>
    %dma_start3A_138 = arith.constant 0 : i32
    %dma_start3A_139 = arith.constant 0 : i32
    %dma_start3A_140 = tpu.memref_slice %arg6[%dma_start3A_129, %dma_start3A_138, %dma_start3A_139] : memref<2x512x64xf32, #tpu.memory_space<vmem>> -> memref<1x512x64xf32, #tpu.memory_space<vmem>>
    %dma_start3A_141 = tpu.memref_squeeze %dma_start3A_140 : memref<1x512x64xf32, #tpu.memory_space<vmem>> -> memref<512x64xf32, #tpu.memory_space<vmem>>
    tpu.enqueue_dma source(%dma_start3A_141 : memref<512x64xf32, #tpu.memory_space<vmem>>) target(%dma_start3A_137 : memref<512x64xf32, #tpu.memory_space<hbm>>) target_semaphore(%arg9 : memref<!tpu.dma_semaphore, #tpu.memory_space<semaphore_mem>>)
    %dma_wait3A_142 = arith.constant 0 : i32
    %dma_wait3A_143 = arith.constant 0 : i32
    %dma_wait3A_144 = arith.constant 0 : i32
    %dma_wait3A_145 = tpu.memref_slice %arg6[%dma_wait3A_142, %dma_wait3A_143, %dma_wait3A_144] : memref<2x512x64xf32, #tpu.memory_space<vmem>> -> memref<1x512x64xf32, #tpu.memory_space<vmem>>
    %dma_wait3A_146 = tpu.memref_squeeze %dma_wait3A_145 : memref<1x512x64xf32, #tpu.memory_space<vmem>> -> memref<512x64xf32, #tpu.memory_space<vmem>>
    %dma_wait3A_147 = arith.constant 0 : i32
    %dma_wait3A_148 = tpu.memref_slice %arg4[%add3A_128, %dma_wait3A_147] : memref<262144x64xf32, #tpu.memory_space<hbm>> -> memref<512x64xf32, #tpu.memory_space<hbm>>
    %dma_wait3A_149 = arith.constant 0 : i32
    %dma_wait3A_150 = tpu.memref_slice %arg4[%add3A_128, %dma_wait3A_149] : memref<262144x64xf32, #tpu.memory_space<hbm>> -> memref<512x64xf32, #tpu.memory_space<hbm>>
    %dma_wait3A_151 = arith.constant 0 : i32
    %dma_wait3A_152 = arith.constant 0 : i32
    %dma_wait3A_153 = tpu.memref_slice %arg6[%dma_wait3A_142, %dma_wait3A_151, %dma_wait3A_152] : memref<2x512x64xf32, #tpu.memory_space<vmem>> -> memref<1x512x64xf32, #tpu.memory_space<vmem>>
    %dma_wait3A_154 = tpu.memref_squeeze %dma_wait3A_153 : memref<1x512x64xf32, #tpu.memory_space<vmem>> -> memref<512x64xf32, #tpu.memory_space<vmem>>
    tpu.wait_dma2 semaphore(%arg9 : memref<!tpu.dma_semaphore, #tpu.memory_space<semaphore_mem>>) src(%dma_wait3A_154 : memref<512x64xf32, #tpu.memory_space<vmem>>) dst(%dma_wait3A_150 : memref<512x64xf32, #tpu.memory_space<hbm>>)
    %dma_start3A_155 = arith.constant 0 : i32
    %dma_start3A_156 = arith.constant 0 : i32
    %dma_start3A_157 = arith.constant 0 : i32
    %dma_start3A_158 = tpu.memref_slice %arg6[%dma_start3A_155, %dma_start3A_156, %dma_start3A_157] : memref<2x512x64xf32, #tpu.memory_space<vmem>> -> memref<1x512x64xf32, #tpu.memory_space<vmem>>
    %dma_start3A_159 = tpu.memref_squeeze %dma_start3A_158 : memref<1x512x64xf32, #tpu.memory_space<vmem>> -> memref<512x64xf32, #tpu.memory_space<vmem>>
    %dma_start3A_160 = arith.constant 2048 : i32
    %dma_start3A_161 = tpu.memref_slice %arg5[%dma_start3A_160] : memref<8192xi32, #tpu.memory_space<vmem>> -> memref<512xi32, #tpu.memory_space<vmem>>
    %dma_start3A_162 = arith.constant 0 : i32
    %dma_start3A_163 = arith.constant 0 : i32
    %dma_start3A_164 = tpu.memref_slice %arg2[%dma_start3A_162, %dma_start3A_163] : memref<8192x64xf32, #tpu.memory_space<hbm>> -> memref<8192x64xf32, #tpu.memory_space<hbm>>
    tpu.enqueue_indirect_dma source(%dma_start3A_164 : memref<8192x64xf32, #tpu.memory_space<hbm>>) target(%dma_start3A_159 : memref<512x64xf32, #tpu.memory_space<vmem>>) offsets(%dma_start3A_161 : memref<512xi32, #tpu.memory_space<vmem>>) semaphore(%arg7 : memref<!tpu.dma_semaphore, #tpu.memory_space<semaphore_mem>>)
    %dma_wait3A_165 = arith.constant 1 : i32
    %dma_wait3A_166 = arith.constant 0 : i32
    %dma_wait3A_167 = arith.constant 0 : i32
    %dma_wait3A_168 = tpu.memref_slice %arg6[%dma_wait3A_165, %dma_wait3A_166, %dma_wait3A_167] : memref<2x512x64xf32, #tpu.memory_space<vmem>> -> memref<1x512x64xf32, #tpu.memory_space<vmem>>
    %dma_wait3A_169 = tpu.memref_squeeze %dma_wait3A_168 : memref<1x512x64xf32, #tpu.memory_space<vmem>> -> memref<512x64xf32, #tpu.memory_space<vmem>>
    %dma_wait3A_170 = arith.constant 1536 : i32
    %dma_wait3A_171 = tpu.memref_slice %arg5[%dma_wait3A_170] : memref<8192xi32, #tpu.memory_space<vmem>> -> memref<512xi32, #tpu.memory_space<vmem>>
    %dma_wait3A_172 = arith.constant 0 : i32
    %dma_wait3A_173 = arith.constant 0 : i32
    %dma_wait3A_174 = tpu.memref_slice %arg2[%dma_wait3A_172, %dma_wait3A_173] : memref<8192x64xf32, #tpu.memory_space<hbm>> -> memref<8192x64xf32, #tpu.memory_space<hbm>>
    tpu.wait_indirect_dma semaphore(%arg8 : memref<!tpu.dma_semaphore, #tpu.memory_space<semaphore_mem>>) src(%dma_wait3A_174 : memref<8192x64xf32, #tpu.memory_space<hbm>>) dst(%dma_wait3A_169 : memref<512x64xf32, #tpu.memory_space<vmem>>)
    %add3A_175 = arith.constant 1536 : i32
    %add3A_176 = arith.addi %mul3A_2, %add3A_175 : i32
    %dma_start3A_177 = arith.constant 1 : i32
    %dma_start3A_178 = arith.constant 0 : i32
    %dma_start3A_179 = arith.constant 0 : i32
    %dma_start3A_180 = tpu.memref_slice %arg6[%dma_start3A_177, %dma_start3A_178, %dma_start3A_179] : memref<2x512x64xf32, #tpu.memory_space<vmem>> -> memref<1x512x64xf32, #tpu.memory_space<vmem>>
    %dma_start3A_181 = tpu.memref_squeeze %dma_start3A_180 : memref<1x512x64xf32, #tpu.memory_space<vmem>> -> memref<512x64xf32, #tpu.memory_space<vmem>>
    %dma_start3A_182 = arith.constant 0 : i32
    %dma_start3A_183 = tpu.memref_slice %arg4[%add3A_176, %dma_start3A_182] : memref<262144x64xf32, #tpu.memory_space<hbm>> -> memref<512x64xf32, #tpu.memory_space<hbm>>
    %dma_start3A_184 = arith.constant 0 : i32
    %dma_start3A_185 = tpu.memref_slice %arg4[%add3A_176, %dma_start3A_184] : memref<262144x64xf32, #tpu.memory_space<hbm>> -> memref<512x64xf32, #tpu.memory_space<hbm>>
    %dma_start3A_186 = arith.constant 0 : i32
    %dma_start3A_187 = arith.constant 0 : i32
    %dma_start3A_188 = tpu.memref_slice %arg6[%dma_start3A_177, %dma_start3A_186, %dma_start3A_187] : memref<2x512x64xf32, #tpu.memory_space<vmem>> -> memref<1x512x64xf32, #tpu.memory_space<vmem>>
    %dma_start3A_189 = tpu.memref_squeeze %dma_start3A_188 : memref<1x512x64xf32, #tpu.memory_space<vmem>> -> memref<512x64xf32, #tpu.memory_space<vmem>>
    tpu.enqueue_dma source(%dma_start3A_189 : memref<512x64xf32, #tpu.memory_space<vmem>>) target(%dma_start3A_185 : memref<512x64xf32, #tpu.memory_space<hbm>>) target_semaphore(%arg10 : memref<!tpu.dma_semaphore, #tpu.memory_space<semaphore_mem>>)
    %dma_wait3A_190 = arith.constant 1 : i32
    %dma_wait3A_191 = arith.constant 0 : i32
    %dma_wait3A_192 = arith.constant 0 : i32
    %dma_wait3A_193 = tpu.memref_slice %arg6[%dma_wait3A_190, %dma_wait3A_191, %dma_wait3A_192] : memref<2x512x64xf32, #tpu.memory_space<vmem>> -> memref<1x512x64xf32, #tpu.memory_space<vmem>>
    %dma_wait3A_194 = tpu.memref_squeeze %dma_wait3A_193 : memref<1x512x64xf32, #tpu.memory_space<vmem>> -> memref<512x64xf32, #tpu.memory_space<vmem>>
    %dma_wait3A_195 = arith.constant 0 : i32
    %dma_wait3A_196 = tpu.memref_slice %arg4[%add3A_176, %dma_wait3A_195] : memref<262144x64xf32, #tpu.memory_space<hbm>> -> memref<512x64xf32, #tpu.memory_space<hbm>>
    %dma_wait3A_197 = arith.constant 0 : i32
    %dma_wait3A_198 = tpu.memref_slice %arg4[%add3A_176, %dma_wait3A_197] : memref<262144x64xf32, #tpu.memory_space<hbm>> -> memref<512x64xf32, #tpu.memory_space<hbm>>
    %dma_wait3A_199 = arith.constant 0 : i32
    %dma_wait3A_200 = arith.constant 0 : i32
    %dma_wait3A_201 = tpu.memref_slice %arg6[%dma_wait3A_190, %dma_wait3A_199, %dma_wait3A_200] : memref<2x512x64xf32, #tpu.memory_space<vmem>> -> memref<1x512x64xf32, #tpu.memory_space<vmem>>
    %dma_wait3A_202 = tpu.memref_squeeze %dma_wait3A_201 : memref<1x512x64xf32, #tpu.memory_space<vmem>> -> memref<512x64xf32, #tpu.memory_space<vmem>>
    tpu.wait_dma2 semaphore(%arg10 : memref<!tpu.dma_semaphore, #tpu.memory_space<semaphore_mem>>) src(%dma_wait3A_202 : memref<512x64xf32, #tpu.memory_space<vmem>>) dst(%dma_wait3A_198 : memref<512x64xf32, #tpu.memory_space<hbm>>)
    %dma_start3A_203 = arith.constant 1 : i32
    %dma_start3A_204 = arith.constant 0 : i32
    %dma_start3A_205 = arith.constant 0 : i32
    %dma_start3A_206 = tpu.memref_slice %arg6[%dma_start3A_203, %dma_start3A_204, %dma_start3A_205] : memref<2x512x64xf32, #tpu.memory_space<vmem>> -> memref<1x512x64xf32, #tpu.memory_space<vmem>>
    %dma_start3A_207 = tpu.memref_squeeze %dma_start3A_206 : memref<1x512x64xf32, #tpu.memory_space<vmem>> -> memref<512x64xf32, #tpu.memory_space<vmem>>
    %dma_start3A_208 = arith.constant 2560 : i32
    %dma_start3A_209 = tpu.memref_slice %arg5[%dma_start3A_208] : memref<8192xi32, #tpu.memory_space<vmem>> -> memref<512xi32, #tpu.memory_space<vmem>>
    %dma_start3A_210 = arith.constant 0 : i32
    %dma_start3A_211 = arith.constant 0 : i32
    %dma_start3A_212 = tpu.memref_slice %arg2[%dma_start3A_210, %dma_start3A_211] : memref<8192x64xf32, #tpu.memory_space<hbm>> -> memref<8192x64xf32, #tpu.memory_space<hbm>>
    tpu.enqueue_indirect_dma source(%dma_start3A_212 : memref<8192x64xf32, #tpu.memory_space<hbm>>) target(%dma_start3A_207 : memref<512x64xf32, #tpu.memory_space<vmem>>) offsets(%dma_start3A_209 : memref<512xi32, #tpu.memory_space<vmem>>) semaphore(%arg8 : memref<!tpu.dma_semaphore, #tpu.memory_space<semaphore_mem>>)
    %dma_wait3A_213 = arith.constant 0 : i32
    %dma_wait3A_214 = arith.constant 0 : i32
    %dma_wait3A_215 = arith.constant 0 : i32
    %dma_wait3A_216 = tpu.memref_slice %arg6[%dma_wait3A_213, %dma_wait3A_214, %dma_wait3A_215] : memref<2x512x64xf32, #tpu.memory_space<vmem>> -> memref<1x512x64xf32, #tpu.memory_space<vmem>>
    %dma_wait3A_217 = tpu.memref_squeeze %dma_wait3A_216 : memref<1x512x64xf32, #tpu.memory_space<vmem>> -> memref<512x64xf32, #tpu.memory_space<vmem>>
    %dma_wait3A_218 = arith.constant 2048 : i32
    %dma_wait3A_219 = tpu.memref_slice %arg5[%dma_wait3A_218] : memref<8192xi32, #tpu.memory_space<vmem>> -> memref<512xi32, #tpu.memory_space<vmem>>
    %dma_wait3A_220 = arith.constant 0 : i32
    %dma_wait3A_221 = arith.constant 0 : i32
    %dma_wait3A_222 = tpu.memref_slice %arg2[%dma_wait3A_220, %dma_wait3A_221] : memref<8192x64xf32, #tpu.memory_space<hbm>> -> memref<8192x64xf32, #tpu.memory_space<hbm>>
    tpu.wait_indirect_dma semaphore(%arg7 : memref<!tpu.dma_semaphore, #tpu.memory_space<semaphore_mem>>) src(%dma_wait3A_222 : memref<8192x64xf32, #tpu.memory_space<hbm>>) dst(%dma_wait3A_217 : memref<512x64xf32, #tpu.memory_space<vmem>>)
    %add3A_223 = arith.constant 2048 : i32
    %add3A_224 = arith.addi %mul3A_2, %add3A_223 : i32
    %dma_start3A_225 = arith.constant 0 : i32
    %dma_start3A_226 = arith.constant 0 : i32
    %dma_start3A_227 = arith.constant 0 : i32
    %dma_start3A_228 = tpu.memref_slice %arg6[%dma_start3A_225, %dma_start3A_226, %dma_start3A_227] : memref<2x512x64xf32, #tpu.memory_space<vmem>> -> memref<1x512x64xf32, #tpu.memory_space<vmem>>
    %dma_start3A_229 = tpu.memref_squeeze %dma_start3A_228 : memref<1x512x64xf32, #tpu.memory_space<vmem>> -> memref<512x64xf32, #tpu.memory_space<vmem>>
    %dma_start3A_230 = arith.constant 0 : i32
    %dma_start3A_231 = tpu.memref_slice %arg4[%add3A_224, %dma_start3A_230] : memref<262144x64xf32, #tpu.memory_space<hbm>> -> memref<512x64xf32, #tpu.memory_space<hbm>>
    %dma_start3A_232 = arith.constant 0 : i32
    %dma_start3A_233 = tpu.memref_slice %arg4[%add3A_224, %dma_start3A_232] : memref<262144x64xf32, #tpu.memory_space<hbm>> -> memref<512x64xf32, #tpu.memory_space<hbm>>
    %dma_start3A_234 = arith.constant 0 : i32
    %dma_start3A_235 = arith.constant 0 : i32
    %dma_start3A_236 = tpu.memref_slice %arg6[%dma_start3A_225, %dma_start3A_234, %dma_start3A_235] : memref<2x512x64xf32, #tpu.memory_space<vmem>> -> memref<1x512x64xf32, #tpu.memory_space<vmem>>
    %dma_start3A_237 = tpu.memref_squeeze %dma_start3A_236 : memref<1x512x64xf32, #tpu.memory_space<vmem>> -> memref<512x64xf32, #tpu.memory_space<vmem>>
    tpu.enqueue_dma source(%dma_start3A_237 : memref<512x64xf32, #tpu.memory_space<vmem>>) target(%dma_start3A_233 : memref<512x64xf32, #tpu.memory_space<hbm>>) target_semaphore(%arg9 : memref<!tpu.dma_semaphore, #tpu.memory_space<semaphore_mem>>)
    %dma_wait3A_238 = arith.constant 0 : i32
    %dma_wait3A_239 = arith.constant 0 : i32
    %dma_wait3A_240 = arith.constant 0 : i32
    %dma_wait3A_241 = tpu.memref_slice %arg6[%dma_wait3A_238, %dma_wait3A_239, %dma_wait3A_240] : memref<2x512x64xf32, #tpu.memory_space<vmem>> -> memref<1x512x64xf32, #tpu.memory_space<vmem>>
    %dma_wait3A_242 = tpu.memref_squeeze %dma_wait3A_241 : memref<1x512x64xf32, #tpu.memory_space<vmem>> -> memref<512x64xf32, #tpu.memory_space<vmem>>
    %dma_wait3A_243 = arith.constant 0 : i32
    %dma_wait3A_244 = tpu.memref_slice %arg4[%add3A_224, %dma_wait3A_243] : memref<262144x64xf32, #tpu.memory_space<hbm>> -> memref<512x64xf32, #tpu.memory_space<hbm>>
    %dma_wait3A_245 = arith.constant 0 : i32
    %dma_wait3A_246 = tpu.memref_slice %arg4[%add3A_224, %dma_wait3A_245] : memref<262144x64xf32, #tpu.memory_space<hbm>> -> memref<512x64xf32, #tpu.memory_space<hbm>>
    %dma_wait3A_247 = arith.constant 0 : i32
    %dma_wait3A_248 = arith.constant 0 : i32
    %dma_wait3A_249 = tpu.memref_slice %arg6[%dma_wait3A_238, %dma_wait3A_247, %dma_wait3A_248] : memref<2x512x64xf32, #tpu.memory_space<vmem>> -> memref<1x512x64xf32, #tpu.memory_space<vmem>>
    %dma_wait3A_250 = tpu.memref_squeeze %dma_wait3A_249 : memref<1x512x64xf32, #tpu.memory_space<vmem>> -> memref<512x64xf32, #tpu.memory_space<vmem>>
    tpu.wait_dma2 semaphore(%arg9 : memref<!tpu.dma_semaphore, #tpu.memory_space<semaphore_mem>>) src(%dma_wait3A_250 : memref<512x64xf32, #tpu.memory_space<vmem>>) dst(%dma_wait3A_246 : memref<512x64xf32, #tpu.memory_space<hbm>>)
    %dma_start3A_251 = arith.constant 0 : i32
    %dma_start3A_252 = arith.constant 0 : i32
    %dma_start3A_253 = arith.constant 0 : i32
    %dma_start3A_254 = tpu.memref_slice %arg6[%dma_start3A_251, %dma_start3A_252, %dma_start3A_253] : memref<2x512x64xf32, #tpu.memory_space<vmem>> -> memref<1x512x64xf32, #tpu.memory_space<vmem>>
    %dma_start3A_255 = tpu.memref_squeeze %dma_start3A_254 : memref<1x512x64xf32, #tpu.memory_space<vmem>> -> memref<512x64xf32, #tpu.memory_space<vmem>>
    %dma_start3A_256 = arith.constant 3072 : i32
    %dma_start3A_257 = tpu.memref_slice %arg5[%dma_start3A_256] : memref<8192xi32, #tpu.memory_space<vmem>> -> memref<512xi32, #tpu.memory_space<vmem>>
    %dma_start3A_258 = arith.constant 0 : i32
    %dma_start3A_259 = arith.constant 0 : i32
    %dma_start3A_260 = tpu.memref_slice %arg2[%dma_start3A_258, %dma_start3A_259] : memref<8192x64xf32, #tpu.memory_space<hbm>> -> memref<8192x64xf32, #tpu.memory_space<hbm>>
    tpu.enqueue_indirect_dma source(%dma_start3A_260 : memref<8192x64xf32, #tpu.memory_space<hbm>>) target(%dma_start3A_255 : memref<512x64xf32, #tpu.memory_space<vmem>>) offsets(%dma_start3A_257 : memref<512xi32, #tpu.memory_space<vmem>>) semaphore(%arg7 : memref<!tpu.dma_semaphore, #tpu.memory_space<semaphore_mem>>)
    %dma_wait3A_261 = arith.constant 1 : i32
    %dma_wait3A_262 = arith.constant 0 : i32
    %dma_wait3A_263 = arith.constant 0 : i32
    %dma_wait3A_264 = tpu.memref_slice %arg6[%dma_wait3A_261, %dma_wait3A_262, %dma_wait3A_263] : memref<2x512x64xf32, #tpu.memory_space<vmem>> -> memref<1x512x64xf32, #tpu.memory_space<vmem>>
    %dma_wait3A_265 = tpu.memref_squeeze %dma_wait3A_264 : memref<1x512x64xf32, #tpu.memory_space<vmem>> -> memref<512x64xf32, #tpu.memory_space<vmem>>
    %dma_wait3A_266 = arith.constant 2560 : i32
    %dma_wait3A_267 = tpu.memref_slice %arg5[%dma_wait3A_266] : memref<8192xi32, #tpu.memory_space<vmem>> -> memref<512xi32, #tpu.memory_space<vmem>>
    %dma_wait3A_268 = arith.constant 0 : i32
    %dma_wait3A_269 = arith.constant 0 : i32
    %dma_wait3A_270 = tpu.memref_slice %arg2[%dma_wait3A_268, %dma_wait3A_269] : memref<8192x64xf32, #tpu.memory_space<hbm>> -> memref<8192x64xf32, #tpu.memory_space<hbm>>
    tpu.wait_indirect_dma semaphore(%arg8 : memref<!tpu.dma_semaphore, #tpu.memory_space<semaphore_mem>>) src(%dma_wait3A_270 : memref<8192x64xf32, #tpu.memory_space<hbm>>) dst(%dma_wait3A_265 : memref<512x64xf32, #tpu.memory_space<vmem>>)
    %add3A_271 = arith.constant 2560 : i32
    %add3A_272 = arith.addi %mul3A_2, %add3A_271 : i32
    %dma_start3A_273 = arith.constant 1 : i32
    %dma_start3A_274 = arith.constant 0 : i32
    %dma_start3A_275 = arith.constant 0 : i32
    %dma_start3A_276 = tpu.memref_slice %arg6[%dma_start3A_273, %dma_start3A_274, %dma_start3A_275] : memref<2x512x64xf32, #tpu.memory_space<vmem>> -> memref<1x512x64xf32, #tpu.memory_space<vmem>>
    %dma_start3A_277 = tpu.memref_squeeze %dma_start3A_276 : memref<1x512x64xf32, #tpu.memory_space<vmem>> -> memref<512x64xf32, #tpu.memory_space<vmem>>
    %dma_start3A_278 = arith.constant 0 : i32
    %dma_start3A_279 = tpu.memref_slice %arg4[%add3A_272, %dma_start3A_278] : memref<262144x64xf32, #tpu.memory_space<hbm>> -> memref<512x64xf32, #tpu.memory_space<hbm>>
    %dma_start3A_280 = arith.constant 0 : i32
    %dma_start3A_281 = tpu.memref_slice %arg4[%add3A_272, %dma_start3A_280] : memref<262144x64xf32, #tpu.memory_space<hbm>> -> memref<512x64xf32, #tpu.memory_space<hbm>>
    %dma_start3A_282 = arith.constant 0 : i32
    %dma_start3A_283 = arith.constant 0 : i32
    %dma_start3A_284 = tpu.memref_slice %arg6[%dma_start3A_273, %dma_start3A_282, %dma_start3A_283] : memref<2x512x64xf32, #tpu.memory_space<vmem>> -> memref<1x512x64xf32, #tpu.memory_space<vmem>>
    %dma_start3A_285 = tpu.memref_squeeze %dma_start3A_284 : memref<1x512x64xf32, #tpu.memory_space<vmem>> -> memref<512x64xf32, #tpu.memory_space<vmem>>
    tpu.enqueue_dma source(%dma_start3A_285 : memref<512x64xf32, #tpu.memory_space<vmem>>) target(%dma_start3A_281 : memref<512x64xf32, #tpu.memory_space<hbm>>) target_semaphore(%arg10 : memref<!tpu.dma_semaphore, #tpu.memory_space<semaphore_mem>>)
    %dma_wait3A_286 = arith.constant 1 : i32
    %dma_wait3A_287 = arith.constant 0 : i32
    %dma_wait3A_288 = arith.constant 0 : i32
    %dma_wait3A_289 = tpu.memref_slice %arg6[%dma_wait3A_286, %dma_wait3A_287, %dma_wait3A_288] : memref<2x512x64xf32, #tpu.memory_space<vmem>> -> memref<1x512x64xf32, #tpu.memory_space<vmem>>
    %dma_wait3A_290 = tpu.memref_squeeze %dma_wait3A_289 : memref<1x512x64xf32, #tpu.memory_space<vmem>> -> memref<512x64xf32, #tpu.memory_space<vmem>>
    %dma_wait3A_291 = arith.constant 0 : i32
    %dma_wait3A_292 = tpu.memref_slice %arg4[%add3A_272, %dma_wait3A_291] : memref<262144x64xf32, #tpu.memory_space<hbm>> -> memref<512x64xf32, #tpu.memory_space<hbm>>
    %dma_wait3A_293 = arith.constant 0 : i32
    %dma_wait3A_294 = tpu.memref_slice %arg4[%add3A_272, %dma_wait3A_293] : memref<262144x64xf32, #tpu.memory_space<hbm>> -> memref<512x64xf32, #tpu.memory_space<hbm>>
    %dma_wait3A_295 = arith.constant 0 : i32
    %dma_wait3A_296 = arith.constant 0 : i32
    %dma_wait3A_297 = tpu.memref_slice %arg6[%dma_wait3A_286, %dma_wait3A_295, %dma_wait3A_296] : memref<2x512x64xf32, #tpu.memory_space<vmem>> -> memref<1x512x64xf32, #tpu.memory_space<vmem>>
    %dma_wait3A_298 = tpu.memref_squeeze %dma_wait3A_297 : memref<1x512x64xf32, #tpu.memory_space<vmem>> -> memref<512x64xf32, #tpu.memory_space<vmem>>
    tpu.wait_dma2 semaphore(%arg10 : memref<!tpu.dma_semaphore, #tpu.memory_space<semaphore_mem>>) src(%dma_wait3A_298 : memref<512x64xf32, #tpu.memory_space<vmem>>) dst(%dma_wait3A_294 : memref<512x64xf32, #tpu.memory_space<hbm>>)
    %dma_start3A_299 = arith.constant 1 : i32
    %dma_start3A_300 = arith.constant 0 : i32
    %dma_start3A_301 = arith.constant 0 : i32
    %dma_start3A_302 = tpu.memref_slice %arg6[%dma_start3A_299, %dma_start3A_300, %dma_start3A_301] : memref<2x512x64xf32, #tpu.memory_space<vmem>> -> memref<1x512x64xf32, #tpu.memory_space<vmem>>
    %dma_start3A_303 = tpu.memref_squeeze %dma_start3A_302 : memref<1x512x64xf32, #tpu.memory_space<vmem>> -> memref<512x64xf32, #tpu.memory_space<vmem>>
    %dma_start3A_304 = arith.constant 3584 : i32
    %dma_start3A_305 = tpu.memref_slice %arg5[%dma_start3A_304] : memref<8192xi32, #tpu.memory_space<vmem>> -> memref<512xi32, #tpu.memory_space<vmem>>
    %dma_start3A_306 = arith.constant 0 : i32
    %dma_start3A_307 = arith.constant 0 : i32
    %dma_start3A_308 = tpu.memref_slice %arg2[%dma_start3A_306, %dma_start3A_307] : memref<8192x64xf32, #tpu.memory_space<hbm>> -> memref<8192x64xf32, #tpu.memory_space<hbm>>
    tpu.enqueue_indirect_dma source(%dma_start3A_308 : memref<8192x64xf32, #tpu.memory_space<hbm>>) target(%dma_start3A_303 : memref<512x64xf32, #tpu.memory_space<vmem>>) offsets(%dma_start3A_305 : memref<512xi32, #tpu.memory_space<vmem>>) semaphore(%arg8 : memref<!tpu.dma_semaphore, #tpu.memory_space<semaphore_mem>>)
    %dma_wait3A_309 = arith.constant 0 : i32
    %dma_wait3A_310 = arith.constant 0 : i32
    %dma_wait3A_311 = arith.constant 0 : i32
    %dma_wait3A_312 = tpu.memref_slice %arg6[%dma_wait3A_309, %dma_wait3A_310, %dma_wait3A_311] : memref<2x512x64xf32, #tpu.memory_space<vmem>> -> memref<1x512x64xf32, #tpu.memory_space<vmem>>
    %dma_wait3A_313 = tpu.memref_squeeze %dma_wait3A_312 : memref<1x512x64xf32, #tpu.memory_space<vmem>> -> memref<512x64xf32, #tpu.memory_space<vmem>>
    %dma_wait3A_314 = arith.constant 3072 : i32
    %dma_wait3A_315 = tpu.memref_slice %arg5[%dma_wait3A_314] : memref<8192xi32, #tpu.memory_space<vmem>> -> memref<512xi32, #tpu.memory_space<vmem>>
    %dma_wait3A_316 = arith.constant 0 : i32
    %dma_wait3A_317 = arith.constant 0 : i32
    %dma_wait3A_318 = tpu.memref_slice %arg2[%dma_wait3A_316, %dma_wait3A_317] : memref<8192x64xf32, #tpu.memory_space<hbm>> -> memref<8192x64xf32, #tpu.memory_space<hbm>>
    tpu.wait_indirect_dma semaphore(%arg7 : memref<!tpu.dma_semaphore, #tpu.memory_space<semaphore_mem>>) src(%dma_wait3A_318 : memref<8192x64xf32, #tpu.memory_space<hbm>>) dst(%dma_wait3A_313 : memref<512x64xf32, #tpu.memory_space<vmem>>)
    %add3A_319 = arith.constant 3072 : i32
    %add3A_320 = arith.addi %mul3A_2, %add3A_319 : i32
    %dma_start3A_321 = arith.constant 0 : i32
    %dma_start3A_322 = arith.constant 0 : i32
    %dma_start3A_323 = arith.constant 0 : i32
    %dma_start3A_324 = tpu.memref_slice %arg6[%dma_start3A_321, %dma_start3A_322, %dma_start3A_323] : memref<2x512x64xf32, #tpu.memory_space<vmem>> -> memref<1x512x64xf32, #tpu.memory_space<vmem>>
    %dma_start3A_325 = tpu.memref_squeeze %dma_start3A_324 : memref<1x512x64xf32, #tpu.memory_space<vmem>> -> memref<512x64xf32, #tpu.memory_space<vmem>>
    %dma_start3A_326 = arith.constant 0 : i32
    %dma_start3A_327 = tpu.memref_slice %arg4[%add3A_320, %dma_start3A_326] : memref<262144x64xf32, #tpu.memory_space<hbm>> -> memref<512x64xf32, #tpu.memory_space<hbm>>
    %dma_start3A_328 = arith.constant 0 : i32
    %dma_start3A_329 = tpu.memref_slice %arg4[%add3A_320, %dma_start3A_328] : memref<262144x64xf32, #tpu.memory_space<hbm>> -> memref<512x64xf32, #tpu.memory_space<hbm>>
    %dma_start3A_330 = arith.constant 0 : i32
    %dma_start3A_331 = arith.constant 0 : i32
    %dma_start3A_332 = tpu.memref_slice %arg6[%dma_start3A_321, %dma_start3A_330, %dma_start3A_331] : memref<2x512x64xf32, #tpu.memory_space<vmem>> -> memref<1x512x64xf32, #tpu.memory_space<vmem>>
    %dma_start3A_333 = tpu.memref_squeeze %dma_start3A_332 : memref<1x512x64xf32, #tpu.memory_space<vmem>> -> memref<512x64xf32, #tpu.memory_space<vmem>>
    tpu.enqueue_dma source(%dma_start3A_333 : memref<512x64xf32, #tpu.memory_space<vmem>>) target(%dma_start3A_329 : memref<512x64xf32, #tpu.memory_space<hbm>>) target_semaphore(%arg9 : memref<!tpu.dma_semaphore, #tpu.memory_space<semaphore_mem>>)
    %dma_wait3A_334 = arith.constant 0 : i32
    %dma_wait3A_335 = arith.constant 0 : i32
    %dma_wait3A_336 = arith.constant 0 : i32
    %dma_wait3A_337 = tpu.memref_slice %arg6[%dma_wait3A_334, %dma_wait3A_335, %dma_wait3A_336] : memref<2x512x64xf32, #tpu.memory_space<vmem>> -> memref<1x512x64xf32, #tpu.memory_space<vmem>>
    %dma_wait3A_338 = tpu.memref_squeeze %dma_wait3A_337 : memref<1x512x64xf32, #tpu.memory_space<vmem>> -> memref<512x64xf32, #tpu.memory_space<vmem>>
    %dma_wait3A_339 = arith.constant 0 : i32
    %dma_wait3A_340 = tpu.memref_slice %arg4[%add3A_320, %dma_wait3A_339] : memref<262144x64xf32, #tpu.memory_space<hbm>> -> memref<512x64xf32, #tpu.memory_space<hbm>>
    %dma_wait3A_341 = arith.constant 0 : i32
    %dma_wait3A_342 = tpu.memref_slice %arg4[%add3A_320, %dma_wait3A_341] : memref<262144x64xf32, #tpu.memory_space<hbm>> -> memref<512x64xf32, #tpu.memory_space<hbm>>
    %dma_wait3A_343 = arith.constant 0 : i32
    %dma_wait3A_344 = arith.constant 0 : i32
    %dma_wait3A_345 = tpu.memref_slice %arg6[%dma_wait3A_334, %dma_wait3A_343, %dma_wait3A_344] : memref<2x512x64xf32, #tpu.memory_space<vmem>> -> memref<1x512x64xf32, #tpu.memory_space<vmem>>
    %dma_wait3A_346 = tpu.memref_squeeze %dma_wait3A_345 : memref<1x512x64xf32, #tpu.memory_space<vmem>> -> memref<512x64xf32, #tpu.memory_space<vmem>>
    tpu.wait_dma2 semaphore(%arg9 : memref<!tpu.dma_semaphore, #tpu.memory_space<semaphore_mem>>) src(%dma_wait3A_346 : memref<512x64xf32, #tpu.memory_space<vmem>>) dst(%dma_wait3A_342 : memref<512x64xf32, #tpu.memory_space<hbm>>)
    %dma_start3A_347 = arith.constant 0 : i32
    %dma_start3A_348 = arith.constant 0 : i32
    %dma_start3A_349 = arith.constant 0 : i32
    %dma_start3A_350 = tpu.memref_slice %arg6[%dma_start3A_347, %dma_start3A_348, %dma_start3A_349] : memref<2x512x64xf32, #tpu.memory_space<vmem>> -> memref<1x512x64xf32, #tpu.memory_space<vmem>>
    %dma_start3A_351 = tpu.memref_squeeze %dma_start3A_350 : memref<1x512x64xf32, #tpu.memory_space<vmem>> -> memref<512x64xf32, #tpu.memory_space<vmem>>
    %dma_start3A_352 = arith.constant 4096 : i32
    %dma_start3A_353 = tpu.memref_slice %arg5[%dma_start3A_352] : memref<8192xi32, #tpu.memory_space<vmem>> -> memref<512xi32, #tpu.memory_space<vmem>>
    %dma_start3A_354 = arith.constant 0 : i32
    %dma_start3A_355 = arith.constant 0 : i32
    %dma_start3A_356 = tpu.memref_slice %arg2[%dma_start3A_354, %dma_start3A_355] : memref<8192x64xf32, #tpu.memory_space<hbm>> -> memref<8192x64xf32, #tpu.memory_space<hbm>>
    tpu.enqueue_indirect_dma source(%dma_start3A_356 : memref<8192x64xf32, #tpu.memory_space<hbm>>) target(%dma_start3A_351 : memref<512x64xf32, #tpu.memory_space<vmem>>) offsets(%dma_start3A_353 : memref<512xi32, #tpu.memory_space<vmem>>) semaphore(%arg7 : memref<!tpu.dma_semaphore, #tpu.memory_space<semaphore_mem>>)
    %dma_wait3A_357 = arith.constant 1 : i32
    %dma_wait3A_358 = arith.constant 0 : i32
    %dma_wait3A_359 = arith.constant 0 : i32
    %dma_wait3A_360 = tpu.memref_slice %arg6[%dma_wait3A_357, %dma_wait3A_358, %dma_wait3A_359] : memref<2x512x64xf32, #tpu.memory_space<vmem>> -> memref<1x512x64xf32, #tpu.memory_space<vmem>>
    %dma_wait3A_361 = tpu.memref_squeeze %dma_wait3A_360 : memref<1x512x64xf32, #tpu.memory_space<vmem>> -> memref<512x64xf32, #tpu.memory_space<vmem>>
    %dma_wait3A_362 = arith.constant 3584 : i32
    %dma_wait3A_363 = tpu.memref_slice %arg5[%dma_wait3A_362] : memref<8192xi32, #tpu.memory_space<vmem>> -> memref<512xi32, #tpu.memory_space<vmem>>
    %dma_wait3A_364 = arith.constant 0 : i32
    %dma_wait3A_365 = arith.constant 0 : i32
    %dma_wait3A_366 = tpu.memref_slice %arg2[%dma_wait3A_364, %dma_wait3A_365] : memref<8192x64xf32, #tpu.memory_space<hbm>> -> memref<8192x64xf32, #tpu.memory_space<hbm>>
    tpu.wait_indirect_dma semaphore(%arg8 : memref<!tpu.dma_semaphore, #tpu.memory_space<semaphore_mem>>) src(%dma_wait3A_366 : memref<8192x64xf32, #tpu.memory_space<hbm>>) dst(%dma_wait3A_361 : memref<512x64xf32, #tpu.memory_space<vmem>>)
    %add3A_367 = arith.constant 3584 : i32
    %add3A_368 = arith.addi %mul3A_2, %add3A_367 : i32
    %dma_start3A_369 = arith.constant 1 : i32
    %dma_start3A_370 = arith.constant 0 : i32
    %dma_start3A_371 = arith.constant 0 : i32
    %dma_start3A_372 = tpu.memref_slice %arg6[%dma_start3A_369, %dma_start3A_370, %dma_start3A_371] : memref<2x512x64xf32, #tpu.memory_space<vmem>> -> memref<1x512x64xf32, #tpu.memory_space<vmem>>
    %dma_start3A_373 = tpu.memref_squeeze %dma_start3A_372 : memref<1x512x64xf32, #tpu.memory_space<vmem>> -> memref<512x64xf32, #tpu.memory_space<vmem>>
    %dma_start3A_374 = arith.constant 0 : i32
    %dma_start3A_375 = tpu.memref_slice %arg4[%add3A_368, %dma_start3A_374] : memref<262144x64xf32, #tpu.memory_space<hbm>> -> memref<512x64xf32, #tpu.memory_space<hbm>>
    %dma_start3A_376 = arith.constant 0 : i32
    %dma_start3A_377 = tpu.memref_slice %arg4[%add3A_368, %dma_start3A_376] : memref<262144x64xf32, #tpu.memory_space<hbm>> -> memref<512x64xf32, #tpu.memory_space<hbm>>
    %dma_start3A_378 = arith.constant 0 : i32
    %dma_start3A_379 = arith.constant 0 : i32
    %dma_start3A_380 = tpu.memref_slice %arg6[%dma_start3A_369, %dma_start3A_378, %dma_start3A_379] : memref<2x512x64xf32, #tpu.memory_space<vmem>> -> memref<1x512x64xf32, #tpu.memory_space<vmem>>
    %dma_start3A_381 = tpu.memref_squeeze %dma_start3A_380 : memref<1x512x64xf32, #tpu.memory_space<vmem>> -> memref<512x64xf32, #tpu.memory_space<vmem>>
    tpu.enqueue_dma source(%dma_start3A_381 : memref<512x64xf32, #tpu.memory_space<vmem>>) target(%dma_start3A_377 : memref<512x64xf32, #tpu.memory_space<hbm>>) target_semaphore(%arg10 : memref<!tpu.dma_semaphore, #tpu.memory_space<semaphore_mem>>)
    %dma_wait3A_382 = arith.constant 1 : i32
    %dma_wait3A_383 = arith.constant 0 : i32
    %dma_wait3A_384 = arith.constant 0 : i32
    %dma_wait3A_385 = tpu.memref_slice %arg6[%dma_wait3A_382, %dma_wait3A_383, %dma_wait3A_384] : memref<2x512x64xf32, #tpu.memory_space<vmem>> -> memref<1x512x64xf32, #tpu.memory_space<vmem>>
    %dma_wait3A_386 = tpu.memref_squeeze %dma_wait3A_385 : memref<1x512x64xf32, #tpu.memory_space<vmem>> -> memref<512x64xf32, #tpu.memory_space<vmem>>
    %dma_wait3A_387 = arith.constant 0 : i32
    %dma_wait3A_388 = tpu.memref_slice %arg4[%add3A_368, %dma_wait3A_387] : memref<262144x64xf32, #tpu.memory_space<hbm>> -> memref<512x64xf32, #tpu.memory_space<hbm>>
    %dma_wait3A_389 = arith.constant 0 : i32
    %dma_wait3A_390 = tpu.memref_slice %arg4[%add3A_368, %dma_wait3A_389] : memref<262144x64xf32, #tpu.memory_space<hbm>> -> memref<512x64xf32, #tpu.memory_space<hbm>>
    %dma_wait3A_391 = arith.constant 0 : i32
    %dma_wait3A_392 = arith.constant 0 : i32
    %dma_wait3A_393 = tpu.memref_slice %arg6[%dma_wait3A_382, %dma_wait3A_391, %dma_wait3A_392] : memref<2x512x64xf32, #tpu.memory_space<vmem>> -> memref<1x512x64xf32, #tpu.memory_space<vmem>>
    %dma_wait3A_394 = tpu.memref_squeeze %dma_wait3A_393 : memref<1x512x64xf32, #tpu.memory_space<vmem>> -> memref<512x64xf32, #tpu.memory_space<vmem>>
    tpu.wait_dma2 semaphore(%arg10 : memref<!tpu.dma_semaphore, #tpu.memory_space<semaphore_mem>>) src(%dma_wait3A_394 : memref<512x64xf32, #tpu.memory_space<vmem>>) dst(%dma_wait3A_390 : memref<512x64xf32, #tpu.memory_space<hbm>>)
    %dma_start3A_395 = arith.constant 1 : i32
    %dma_start3A_396 = arith.constant 0 : i32
    %dma_start3A_397 = arith.constant 0 : i32
    %dma_start3A_398 = tpu.memref_slice %arg6[%dma_start3A_395, %dma_start3A_396, %dma_start3A_397] : memref<2x512x64xf32, #tpu.memory_space<vmem>> -> memref<1x512x64xf32, #tpu.memory_space<vmem>>
    %dma_start3A_399 = tpu.memref_squeeze %dma_start3A_398 : memref<1x512x64xf32, #tpu.memory_space<vmem>> -> memref<512x64xf32, #tpu.memory_space<vmem>>
    %dma_start3A_400 = arith.constant 4608 : i32
    %dma_start3A_401 = tpu.memref_slice %arg5[%dma_start3A_400] : memref<8192xi32, #tpu.memory_space<vmem>> -> memref<512xi32, #tpu.memory_space<vmem>>
    %dma_start3A_402 = arith.constant 0 : i32
    %dma_start3A_403 = arith.constant 0 : i32
    %dma_start3A_404 = tpu.memref_slice %arg2[%dma_start3A_402, %dma_start3A_403] : memref<8192x64xf32, #tpu.memory_space<hbm>> -> memref<8192x64xf32, #tpu.memory_space<hbm>>
    tpu.enqueue_indirect_dma source(%dma_start3A_404 : memref<8192x64xf32, #tpu.memory_space<hbm>>) target(%dma_start3A_399 : memref<512x64xf32, #tpu.memory_space<vmem>>) offsets(%dma_start3A_401 : memref<512xi32, #tpu.memory_space<vmem>>) semaphore(%arg8 : memref<!tpu.dma_semaphore, #tpu.memory_space<semaphore_mem>>)
    %dma_wait3A_405 = arith.constant 0 : i32
    %dma_wait3A_406 = arith.constant 0 : i32
    %dma_wait3A_407 = arith.constant 0 : i32
    %dma_wait3A_408 = tpu.memref_slice %arg6[%dma_wait3A_405, %dma_wait3A_406, %dma_wait3A_407] : memref<2x512x64xf32, #tpu.memory_space<vmem>> -> memref<1x512x64xf32, #tpu.memory_space<vmem>>
    %dma_wait3A_409 = tpu.memref_squeeze %dma_wait3A_408 : memref<1x512x64xf32, #tpu.memory_space<vmem>> -> memref<512x64xf32, #tpu.memory_space<vmem>>
    %dma_wait3A_410 = arith.constant 4096 : i32
    %dma_wait3A_411 = tpu.memref_slice %arg5[%dma_wait3A_410] : memref<8192xi32, #tpu.memory_space<vmem>> -> memref<512xi32, #tpu.memory_space<vmem>>
    %dma_wait3A_412 = arith.constant 0 : i32
    %dma_wait3A_413 = arith.constant 0 : i32
    %dma_wait3A_414 = tpu.memref_slice %arg2[%dma_wait3A_412, %dma_wait3A_413] : memref<8192x64xf32, #tpu.memory_space<hbm>> -> memref<8192x64xf32, #tpu.memory_space<hbm>>
    tpu.wait_indirect_dma semaphore(%arg7 : memref<!tpu.dma_semaphore, #tpu.memory_space<semaphore_mem>>) src(%dma_wait3A_414 : memref<8192x64xf32, #tpu.memory_space<hbm>>) dst(%dma_wait3A_409 : memref<512x64xf32, #tpu.memory_space<vmem>>)
    %add3A_415 = arith.constant 4096 : i32
    %add3A_416 = arith.addi %mul3A_2, %add3A_415 : i32
    %dma_start3A_417 = arith.constant 0 : i32
    %dma_start3A_418 = arith.constant 0 : i32
    %dma_start3A_419 = arith.constant 0 : i32
    %dma_start3A_420 = tpu.memref_slice %arg6[%dma_start3A_417, %dma_start3A_418, %dma_start3A_419] : memref<2x512x64xf32, #tpu.memory_space<vmem>> -> memref<1x512x64xf32, #tpu.memory_space<vmem>>
    %dma_start3A_421 = tpu.memref_squeeze %dma_start3A_420 : memref<1x512x64xf32, #tpu.memory_space<vmem>> -> memref<512x64xf32, #tpu.memory_space<vmem>>
    %dma_start3A_422 = arith.constant 0 : i32
    %dma_start3A_423 = tpu.memref_slice %arg4[%add3A_416, %dma_start3A_422] : memref<262144x64xf32, #tpu.memory_space<hbm>> -> memref<512x64xf32, #tpu.memory_space<hbm>>
    %dma_start3A_424 = arith.constant 0 : i32
    %dma_start3A_425 = tpu.memref_slice %arg4[%add3A_416, %dma_start3A_424] : memref<262144x64xf32, #tpu.memory_space<hbm>> -> memref<512x64xf32, #tpu.memory_space<hbm>>
    %dma_start3A_426 = arith.constant 0 : i32
    %dma_start3A_427 = arith.constant 0 : i32
    %dma_start3A_428 = tpu.memref_slice %arg6[%dma_start3A_417, %dma_start3A_426, %dma_start3A_427] : memref<2x512x64xf32, #tpu.memory_space<vmem>> -> memref<1x512x64xf32, #tpu.memory_space<vmem>>
    %dma_start3A_429 = tpu.memref_squeeze %dma_start3A_428 : memref<1x512x64xf32, #tpu.memory_space<vmem>> -> memref<512x64xf32, #tpu.memory_space<vmem>>
    tpu.enqueue_dma source(%dma_start3A_429 : memref<512x64xf32, #tpu.memory_space<vmem>>) target(%dma_start3A_425 : memref<512x64xf32, #tpu.memory_space<hbm>>) target_semaphore(%arg9 : memref<!tpu.dma_semaphore, #tpu.memory_space<semaphore_mem>>)
    %dma_wait3A_430 = arith.constant 0 : i32
    %dma_wait3A_431 = arith.constant 0 : i32
    %dma_wait3A_432 = arith.constant 0 : i32
    %dma_wait3A_433 = tpu.memref_slice %arg6[%dma_wait3A_430, %dma_wait3A_431, %dma_wait3A_432] : memref<2x512x64xf32, #tpu.memory_space<vmem>> -> memref<1x512x64xf32, #tpu.memory_space<vmem>>
    %dma_wait3A_434 = tpu.memref_squeeze %dma_wait3A_433 : memref<1x512x64xf32, #tpu.memory_space<vmem>> -> memref<512x64xf32, #tpu.memory_space<vmem>>
    %dma_wait3A_435 = arith.constant 0 : i32
    %dma_wait3A_436 = tpu.memref_slice %arg4[%add3A_416, %dma_wait3A_435] : memref<262144x64xf32, #tpu.memory_space<hbm>> -> memref<512x64xf32, #tpu.memory_space<hbm>>
    %dma_wait3A_437 = arith.constant 0 : i32
    %dma_wait3A_438 = tpu.memref_slice %arg4[%add3A_416, %dma_wait3A_437] : memref<262144x64xf32, #tpu.memory_space<hbm>> -> memref<512x64xf32, #tpu.memory_space<hbm>>
    %dma_wait3A_439 = arith.constant 0 : i32
    %dma_wait3A_440 = arith.constant 0 : i32
    %dma_wait3A_441 = tpu.memref_slice %arg6[%dma_wait3A_430, %dma_wait3A_439, %dma_wait3A_440] : memref<2x512x64xf32, #tpu.memory_space<vmem>> -> memref<1x512x64xf32, #tpu.memory_space<vmem>>
    %dma_wait3A_442 = tpu.memref_squeeze %dma_wait3A_441 : memref<1x512x64xf32, #tpu.memory_space<vmem>> -> memref<512x64xf32, #tpu.memory_space<vmem>>
    tpu.wait_dma2 semaphore(%arg9 : memref<!tpu.dma_semaphore, #tpu.memory_space<semaphore_mem>>) src(%dma_wait3A_442 : memref<512x64xf32, #tpu.memory_space<vmem>>) dst(%dma_wait3A_438 : memref<512x64xf32, #tpu.memory_space<hbm>>)
    %dma_start3A_443 = arith.constant 0 : i32
    %dma_start3A_444 = arith.constant 0 : i32
    %dma_start3A_445 = arith.constant 0 : i32
    %dma_start3A_446 = tpu.memref_slice %arg6[%dma_start3A_443, %dma_start3A_444, %dma_start3A_445] : memref<2x512x64xf32, #tpu.memory_space<vmem>> -> memref<1x512x64xf32, #tpu.memory_space<vmem>>
    %dma_start3A_447 = tpu.memref_squeeze %dma_start3A_446 : memref<1x512x64xf32, #tpu.memory_space<vmem>> -> memref<512x64xf32, #tpu.memory_space<vmem>>
    %dma_start3A_448 = arith.constant 5120 : i32
    %dma_start3A_449 = tpu.memref_slice %arg5[%dma_start3A_448] : memref<8192xi32, #tpu.memory_space<vmem>> -> memref<512xi32, #tpu.memory_space<vmem>>
    %dma_start3A_450 = arith.constant 0 : i32
    %dma_start3A_451 = arith.constant 0 : i32
    %dma_start3A_452 = tpu.memref_slice %arg2[%dma_start3A_450, %dma_start3A_451] : memref<8192x64xf32, #tpu.memory_space<hbm>> -> memref<8192x64xf32, #tpu.memory_space<hbm>>
    tpu.enqueue_indirect_dma source(%dma_start3A_452 : memref<8192x64xf32, #tpu.memory_space<hbm>>) target(%dma_start3A_447 : memref<512x64xf32, #tpu.memory_space<vmem>>) offsets(%dma_start3A_449 : memref<512xi32, #tpu.memory_space<vmem>>) semaphore(%arg7 : memref<!tpu.dma_semaphore, #tpu.memory_space<semaphore_mem>>)
    %dma_wait3A_453 = arith.constant 1 : i32
    %dma_wait3A_454 = arith.constant 0 : i32
    %dma_wait3A_455 = arith.constant 0 : i32
    %dma_wait3A_456 = tpu.memref_slice %arg6[%dma_wait3A_453, %dma_wait3A_454, %dma_wait3A_455] : memref<2x512x64xf32, #tpu.memory_space<vmem>> -> memref<1x512x64xf32, #tpu.memory_space<vmem>>
    %dma_wait3A_457 = tpu.memref_squeeze %dma_wait3A_456 : memref<1x512x64xf32, #tpu.memory_space<vmem>> -> memref<512x64xf32, #tpu.memory_space<vmem>>
    %dma_wait3A_458 = arith.constant 4608 : i32
    %dma_wait3A_459 = tpu.memref_slice %arg5[%dma_wait3A_458] : memref<8192xi32, #tpu.memory_space<vmem>> -> memref<512xi32, #tpu.memory_space<vmem>>
    %dma_wait3A_460 = arith.constant 0 : i32
    %dma_wait3A_461 = arith.constant 0 : i32
    %dma_wait3A_462 = tpu.memref_slice %arg2[%dma_wait3A_460, %dma_wait3A_461] : memref<8192x64xf32, #tpu.memory_space<hbm>> -> memref<8192x64xf32, #tpu.memory_space<hbm>>
    tpu.wait_indirect_dma semaphore(%arg8 : memref<!tpu.dma_semaphore, #tpu.memory_space<semaphore_mem>>) src(%dma_wait3A_462 : memref<8192x64xf32, #tpu.memory_space<hbm>>) dst(%dma_wait3A_457 : memref<512x64xf32, #tpu.memory_space<vmem>>)
    %add3A_463 = arith.constant 4608 : i32
    %add3A_464 = arith.addi %mul3A_2, %add3A_463 : i32
    %dma_start3A_465 = arith.constant 1 : i32
    %dma_start3A_466 = arith.constant 0 : i32
    %dma_start3A_467 = arith.constant 0 : i32
    %dma_start3A_468 = tpu.memref_slice %arg6[%dma_start3A_465, %dma_start3A_466, %dma_start3A_467] : memref<2x512x64xf32, #tpu.memory_space<vmem>> -> memref<1x512x64xf32, #tpu.memory_space<vmem>>
    %dma_start3A_469 = tpu.memref_squeeze %dma_start3A_468 : memref<1x512x64xf32, #tpu.memory_space<vmem>> -> memref<512x64xf32, #tpu.memory_space<vmem>>
    %dma_start3A_470 = arith.constant 0 : i32
    %dma_start3A_471 = tpu.memref_slice %arg4[%add3A_464, %dma_start3A_470] : memref<262144x64xf32, #tpu.memory_space<hbm>> -> memref<512x64xf32, #tpu.memory_space<hbm>>
    %dma_start3A_472 = arith.constant 0 : i32
    %dma_start3A_473 = tpu.memref_slice %arg4[%add3A_464, %dma_start3A_472] : memref<262144x64xf32, #tpu.memory_space<hbm>> -> memref<512x64xf32, #tpu.memory_space<hbm>>
    %dma_start3A_474 = arith.constant 0 : i32
    %dma_start3A_475 = arith.constant 0 : i32
    %dma_start3A_476 = tpu.memref_slice %arg6[%dma_start3A_465, %dma_start3A_474, %dma_start3A_475] : memref<2x512x64xf32, #tpu.memory_space<vmem>> -> memref<1x512x64xf32, #tpu.memory_space<vmem>>
    %dma_start3A_477 = tpu.memref_squeeze %dma_start3A_476 : memref<1x512x64xf32, #tpu.memory_space<vmem>> -> memref<512x64xf32, #tpu.memory_space<vmem>>
    tpu.enqueue_dma source(%dma_start3A_477 : memref<512x64xf32, #tpu.memory_space<vmem>>) target(%dma_start3A_473 : memref<512x64xf32, #tpu.memory_space<hbm>>) target_semaphore(%arg10 : memref<!tpu.dma_semaphore, #tpu.memory_space<semaphore_mem>>)
    %dma_wait3A_478 = arith.constant 1 : i32
    %dma_wait3A_479 = arith.constant 0 : i32
    %dma_wait3A_480 = arith.constant 0 : i32
    %dma_wait3A_481 = tpu.memref_slice %arg6[%dma_wait3A_478, %dma_wait3A_479, %dma_wait3A_480] : memref<2x512x64xf32, #tpu.memory_space<vmem>> -> memref<1x512x64xf32, #tpu.memory_space<vmem>>
    %dma_wait3A_482 = tpu.memref_squeeze %dma_wait3A_481 : memref<1x512x64xf32, #tpu.memory_space<vmem>> -> memref<512x64xf32, #tpu.memory_space<vmem>>
    %dma_wait3A_483 = arith.constant 0 : i32
    %dma_wait3A_484 = tpu.memref_slice %arg4[%add3A_464, %dma_wait3A_483] : memref<262144x64xf32, #tpu.memory_space<hbm>> -> memref<512x64xf32, #tpu.memory_space<hbm>>
    %dma_wait3A_485 = arith.constant 0 : i32
    %dma_wait3A_486 = tpu.memref_slice %arg4[%add3A_464, %dma_wait3A_485] : memref<262144x64xf32, #tpu.memory_space<hbm>> -> memref<512x64xf32, #tpu.memory_space<hbm>>
    %dma_wait3A_487 = arith.constant 0 : i32
    %dma_wait3A_488 = arith.constant 0 : i32
    %dma_wait3A_489 = tpu.memref_slice %arg6[%dma_wait3A_478, %dma_wait3A_487, %dma_wait3A_488] : memref<2x512x64xf32, #tpu.memory_space<vmem>> -> memref<1x512x64xf32, #tpu.memory_space<vmem>>
    %dma_wait3A_490 = tpu.memref_squeeze %dma_wait3A_489 : memref<1x512x64xf32, #tpu.memory_space<vmem>> -> memref<512x64xf32, #tpu.memory_space<vmem>>
    tpu.wait_dma2 semaphore(%arg10 : memref<!tpu.dma_semaphore, #tpu.memory_space<semaphore_mem>>) src(%dma_wait3A_490 : memref<512x64xf32, #tpu.memory_space<vmem>>) dst(%dma_wait3A_486 : memref<512x64xf32, #tpu.memory_space<hbm>>)
    %dma_start3A_491 = arith.constant 1 : i32
    %dma_start3A_492 = arith.constant 0 : i32
    %dma_start3A_493 = arith.constant 0 : i32
    %dma_start3A_494 = tpu.memref_slice %arg6[%dma_start3A_491, %dma_start3A_492, %dma_start3A_493] : memref<2x512x64xf32, #tpu.memory_space<vmem>> -> memref<1x512x64xf32, #tpu.memory_space<vmem>>
    %dma_start3A_495 = tpu.memref_squeeze %dma_start3A_494 : memref<1x512x64xf32, #tpu.memory_space<vmem>> -> memref<512x64xf32, #tpu.memory_space<vmem>>
    %dma_start3A_496 = arith.constant 5632 : i32
    %dma_start3A_497 = tpu.memref_slice %arg5[%dma_start3A_496] : memref<8192xi32, #tpu.memory_space<vmem>> -> memref<512xi32, #tpu.memory_space<vmem>>
    %dma_start3A_498 = arith.constant 0 : i32
    %dma_start3A_499 = arith.constant 0 : i32
    %dma_start3A_500 = tpu.memref_slice %arg2[%dma_start3A_498, %dma_start3A_499] : memref<8192x64xf32, #tpu.memory_space<hbm>> -> memref<8192x64xf32, #tpu.memory_space<hbm>>
    tpu.enqueue_indirect_dma source(%dma_start3A_500 : memref<8192x64xf32, #tpu.memory_space<hbm>>) target(%dma_start3A_495 : memref<512x64xf32, #tpu.memory_space<vmem>>) offsets(%dma_start3A_497 : memref<512xi32, #tpu.memory_space<vmem>>) semaphore(%arg8 : memref<!tpu.dma_semaphore, #tpu.memory_space<semaphore_mem>>)
    %dma_wait3A_501 = arith.constant 0 : i32
    %dma_wait3A_502 = arith.constant 0 : i32
    %dma_wait3A_503 = arith.constant 0 : i32
    %dma_wait3A_504 = tpu.memref_slice %arg6[%dma_wait3A_501, %dma_wait3A_502, %dma_wait3A_503] : memref<2x512x64xf32, #tpu.memory_space<vmem>> -> memref<1x512x64xf32, #tpu.memory_space<vmem>>
    %dma_wait3A_505 = tpu.memref_squeeze %dma_wait3A_504 : memref<1x512x64xf32, #tpu.memory_space<vmem>> -> memref<512x64xf32, #tpu.memory_space<vmem>>
    %dma_wait3A_506 = arith.constant 5120 : i32
    %dma_wait3A_507 = tpu.memref_slice %arg5[%dma_wait3A_506] : memref<8192xi32, #tpu.memory_space<vmem>> -> memref<512xi32, #tpu.memory_space<vmem>>
    %dma_wait3A_508 = arith.constant 0 : i32
    %dma_wait3A_509 = arith.constant 0 : i32
    %dma_wait3A_510 = tpu.memref_slice %arg2[%dma_wait3A_508, %dma_wait3A_509] : memref<8192x64xf32, #tpu.memory_space<hbm>> -> memref<8192x64xf32, #tpu.memory_space<hbm>>
    tpu.wait_indirect_dma semaphore(%arg7 : memref<!tpu.dma_semaphore, #tpu.memory_space<semaphore_mem>>) src(%dma_wait3A_510 : memref<8192x64xf32, #tpu.memory_space<hbm>>) dst(%dma_wait3A_505 : memref<512x64xf32, #tpu.memory_space<vmem>>)
    %add3A_511 = arith.constant 5120 : i32
    %add3A_512 = arith.addi %mul3A_2, %add3A_511 : i32
    %dma_start3A_513 = arith.constant 0 : i32
    %dma_start3A_514 = arith.constant 0 : i32
    %dma_start3A_515 = arith.constant 0 : i32
    %dma_start3A_516 = tpu.memref_slice %arg6[%dma_start3A_513, %dma_start3A_514, %dma_start3A_515] : memref<2x512x64xf32, #tpu.memory_space<vmem>> -> memref<1x512x64xf32, #tpu.memory_space<vmem>>
    %dma_start3A_517 = tpu.memref_squeeze %dma_start3A_516 : memref<1x512x64xf32, #tpu.memory_space<vmem>> -> memref<512x64xf32, #tpu.memory_space<vmem>>
    %dma_start3A_518 = arith.constant 0 : i32
    %dma_start3A_519 = tpu.memref_slice %arg4[%add3A_512, %dma_start3A_518] : memref<262144x64xf32, #tpu.memory_space<hbm>> -> memref<512x64xf32, #tpu.memory_space<hbm>>
    %dma_start3A_520 = arith.constant 0 : i32
    %dma_start3A_521 = tpu.memref_slice %arg4[%add3A_512, %dma_start3A_520] : memref<262144x64xf32, #tpu.memory_space<hbm>> -> memref<512x64xf32, #tpu.memory_space<hbm>>
    %dma_start3A_522 = arith.constant 0 : i32
    %dma_start3A_523 = arith.constant 0 : i32
    %dma_start3A_524 = tpu.memref_slice %arg6[%dma_start3A_513, %dma_start3A_522, %dma_start3A_523] : memref<2x512x64xf32, #tpu.memory_space<vmem>> -> memref<1x512x64xf32, #tpu.memory_space<vmem>>
    %dma_start3A_525 = tpu.memref_squeeze %dma_start3A_524 : memref<1x512x64xf32, #tpu.memory_space<vmem>> -> memref<512x64xf32, #tpu.memory_space<vmem>>
    tpu.enqueue_dma source(%dma_start3A_525 : memref<512x64xf32, #tpu.memory_space<vmem>>) target(%dma_start3A_521 : memref<512x64xf32, #tpu.memory_space<hbm>>) target_semaphore(%arg9 : memref<!tpu.dma_semaphore, #tpu.memory_space<semaphore_mem>>)
    %dma_wait3A_526 = arith.constant 0 : i32
    %dma_wait3A_527 = arith.constant 0 : i32
    %dma_wait3A_528 = arith.constant 0 : i32
    %dma_wait3A_529 = tpu.memref_slice %arg6[%dma_wait3A_526, %dma_wait3A_527, %dma_wait3A_528] : memref<2x512x64xf32, #tpu.memory_space<vmem>> -> memref<1x512x64xf32, #tpu.memory_space<vmem>>
    %dma_wait3A_530 = tpu.memref_squeeze %dma_wait3A_529 : memref<1x512x64xf32, #tpu.memory_space<vmem>> -> memref<512x64xf32, #tpu.memory_space<vmem>>
    %dma_wait3A_531 = arith.constant 0 : i32
    %dma_wait3A_532 = tpu.memref_slice %arg4[%add3A_512, %dma_wait3A_531] : memref<262144x64xf32, #tpu.memory_space<hbm>> -> memref<512x64xf32, #tpu.memory_space<hbm>>
    %dma_wait3A_533 = arith.constant 0 : i32
    %dma_wait3A_534 = tpu.memref_slice %arg4[%add3A_512, %dma_wait3A_533] : memref<262144x64xf32, #tpu.memory_space<hbm>> -> memref<512x64xf32, #tpu.memory_space<hbm>>
    %dma_wait3A_535 = arith.constant 0 : i32
    %dma_wait3A_536 = arith.constant 0 : i32
    %dma_wait3A_537 = tpu.memref_slice %arg6[%dma_wait3A_526, %dma_wait3A_535, %dma_wait3A_536] : memref<2x512x64xf32, #tpu.memory_space<vmem>> -> memref<1x512x64xf32, #tpu.memory_space<vmem>>
    %dma_wait3A_538 = tpu.memref_squeeze %dma_wait3A_537 : memref<1x512x64xf32, #tpu.memory_space<vmem>> -> memref<512x64xf32, #tpu.memory_space<vmem>>
    tpu.wait_dma2 semaphore(%arg9 : memref<!tpu.dma_semaphore, #tpu.memory_space<semaphore_mem>>) src(%dma_wait3A_538 : memref<512x64xf32, #tpu.memory_space<vmem>>) dst(%dma_wait3A_534 : memref<512x64xf32, #tpu.memory_space<hbm>>)
    %dma_start3A_539 = arith.constant 0 : i32
    %dma_start3A_540 = arith.constant 0 : i32
    %dma_start3A_541 = arith.constant 0 : i32
    %dma_start3A_542 = tpu.memref_slice %arg6[%dma_start3A_539, %dma_start3A_540, %dma_start3A_541] : memref<2x512x64xf32, #tpu.memory_space<vmem>> -> memref<1x512x64xf32, #tpu.memory_space<vmem>>
    %dma_start3A_543 = tpu.memref_squeeze %dma_start3A_542 : memref<1x512x64xf32, #tpu.memory_space<vmem>> -> memref<512x64xf32, #tpu.memory_space<vmem>>
    %dma_start3A_544 = arith.constant 6144 : i32
    %dma_start3A_545 = tpu.memref_slice %arg5[%dma_start3A_544] : memref<8192xi32, #tpu.memory_space<vmem>> -> memref<512xi32, #tpu.memory_space<vmem>>
    %dma_start3A_546 = arith.constant 0 : i32
    %dma_start3A_547 = arith.constant 0 : i32
    %dma_start3A_548 = tpu.memref_slice %arg2[%dma_start3A_546, %dma_start3A_547] : memref<8192x64xf32, #tpu.memory_space<hbm>> -> memref<8192x64xf32, #tpu.memory_space<hbm>>
    tpu.enqueue_indirect_dma source(%dma_start3A_548 : memref<8192x64xf32, #tpu.memory_space<hbm>>) target(%dma_start3A_543 : memref<512x64xf32, #tpu.memory_space<vmem>>) offsets(%dma_start3A_545 : memref<512xi32, #tpu.memory_space<vmem>>) semaphore(%arg7 : memref<!tpu.dma_semaphore, #tpu.memory_space<semaphore_mem>>)
    %dma_wait3A_549 = arith.constant 1 : i32
    %dma_wait3A_550 = arith.constant 0 : i32
    %dma_wait3A_551 = arith.constant 0 : i32
    %dma_wait3A_552 = tpu.memref_slice %arg6[%dma_wait3A_549, %dma_wait3A_550, %dma_wait3A_551] : memref<2x512x64xf32, #tpu.memory_space<vmem>> -> memref<1x512x64xf32, #tpu.memory_space<vmem>>
    %dma_wait3A_553 = tpu.memref_squeeze %dma_wait3A_552 : memref<1x512x64xf32, #tpu.memory_space<vmem>> -> memref<512x64xf32, #tpu.memory_space<vmem>>
    %dma_wait3A_554 = arith.constant 5632 : i32
    %dma_wait3A_555 = tpu.memref_slice %arg5[%dma_wait3A_554] : memref<8192xi32, #tpu.memory_space<vmem>> -> memref<512xi32, #tpu.memory_space<vmem>>
    %dma_wait3A_556 = arith.constant 0 : i32
    %dma_wait3A_557 = arith.constant 0 : i32
    %dma_wait3A_558 = tpu.memref_slice %arg2[%dma_wait3A_556, %dma_wait3A_557] : memref<8192x64xf32, #tpu.memory_space<hbm>> -> memref<8192x64xf32, #tpu.memory_space<hbm>>
    tpu.wait_indirect_dma semaphore(%arg8 : memref<!tpu.dma_semaphore, #tpu.memory_space<semaphore_mem>>) src(%dma_wait3A_558 : memref<8192x64xf32, #tpu.memory_space<hbm>>) dst(%dma_wait3A_553 : memref<512x64xf32, #tpu.memory_space<vmem>>)
    %add3A_559 = arith.constant 5632 : i32
    %add3A_560 = arith.addi %mul3A_2, %add3A_559 : i32
    %dma_start3A_561 = arith.constant 1 : i32
    %dma_start3A_562 = arith.constant 0 : i32
    %dma_start3A_563 = arith.constant 0 : i32
    %dma_start3A_564 = tpu.memref_slice %arg6[%dma_start3A_561, %dma_start3A_562, %dma_start3A_563] : memref<2x512x64xf32, #tpu.memory_space<vmem>> -> memref<1x512x64xf32, #tpu.memory_space<vmem>>
    %dma_start3A_565 = tpu.memref_squeeze %dma_start3A_564 : memref<1x512x64xf32, #tpu.memory_space<vmem>> -> memref<512x64xf32, #tpu.memory_space<vmem>>
    %dma_start3A_566 = arith.constant 0 : i32
    %dma_start3A_567 = tpu.memref_slice %arg4[%add3A_560, %dma_start3A_566] : memref<262144x64xf32, #tpu.memory_space<hbm>> -> memref<512x64xf32, #tpu.memory_space<hbm>>
    %dma_start3A_568 = arith.constant 0 : i32
    %dma_start3A_569 = tpu.memref_slice %arg4[%add3A_560, %dma_start3A_568] : memref<262144x64xf32, #tpu.memory_space<hbm>> -> memref<512x64xf32, #tpu.memory_space<hbm>>
    %dma_start3A_570 = arith.constant 0 : i32
    %dma_start3A_571 = arith.constant 0 : i32
    %dma_start3A_572 = tpu.memref_slice %arg6[%dma_start3A_561, %dma_start3A_570, %dma_start3A_571] : memref<2x512x64xf32, #tpu.memory_space<vmem>> -> memref<1x512x64xf32, #tpu.memory_space<vmem>>
    %dma_start3A_573 = tpu.memref_squeeze %dma_start3A_572 : memref<1x512x64xf32, #tpu.memory_space<vmem>> -> memref<512x64xf32, #tpu.memory_space<vmem>>
    tpu.enqueue_dma source(%dma_start3A_573 : memref<512x64xf32, #tpu.memory_space<vmem>>) target(%dma_start3A_569 : memref<512x64xf32, #tpu.memory_space<hbm>>) target_semaphore(%arg10 : memref<!tpu.dma_semaphore, #tpu.memory_space<semaphore_mem>>)
    %dma_wait3A_574 = arith.constant 1 : i32
    %dma_wait3A_575 = arith.constant 0 : i32
    %dma_wait3A_576 = arith.constant 0 : i32
    %dma_wait3A_577 = tpu.memref_slice %arg6[%dma_wait3A_574, %dma_wait3A_575, %dma_wait3A_576] : memref<2x512x64xf32, #tpu.memory_space<vmem>> -> memref<1x512x64xf32, #tpu.memory_space<vmem>>
    %dma_wait3A_578 = tpu.memref_squeeze %dma_wait3A_577 : memref<1x512x64xf32, #tpu.memory_space<vmem>> -> memref<512x64xf32, #tpu.memory_space<vmem>>
    %dma_wait3A_579 = arith.constant 0 : i32
    %dma_wait3A_580 = tpu.memref_slice %arg4[%add3A_560, %dma_wait3A_579] : memref<262144x64xf32, #tpu.memory_space<hbm>> -> memref<512x64xf32, #tpu.memory_space<hbm>>
    %dma_wait3A_581 = arith.constant 0 : i32
    %dma_wait3A_582 = tpu.memref_slice %arg4[%add3A_560, %dma_wait3A_581] : memref<262144x64xf32, #tpu.memory_space<hbm>> -> memref<512x64xf32, #tpu.memory_space<hbm>>
    %dma_wait3A_583 = arith.constant 0 : i32
    %dma_wait3A_584 = arith.constant 0 : i32
    %dma_wait3A_585 = tpu.memref_slice %arg6[%dma_wait3A_574, %dma_wait3A_583, %dma_wait3A_584] : memref<2x512x64xf32, #tpu.memory_space<vmem>> -> memref<1x512x64xf32, #tpu.memory_space<vmem>>
    %dma_wait3A_586 = tpu.memref_squeeze %dma_wait3A_585 : memref<1x512x64xf32, #tpu.memory_space<vmem>> -> memref<512x64xf32, #tpu.memory_space<vmem>>
    tpu.wait_dma2 semaphore(%arg10 : memref<!tpu.dma_semaphore, #tpu.memory_space<semaphore_mem>>) src(%dma_wait3A_586 : memref<512x64xf32, #tpu.memory_space<vmem>>) dst(%dma_wait3A_582 : memref<512x64xf32, #tpu.memory_space<hbm>>)
    %dma_start3A_587 = arith.constant 1 : i32
    %dma_start3A_588 = arith.constant 0 : i32
    %dma_start3A_589 = arith.constant 0 : i32
    %dma_start3A_590 = tpu.memref_slice %arg6[%dma_start3A_587, %dma_start3A_588, %dma_start3A_589] : memref<2x512x64xf32, #tpu.memory_space<vmem>> -> memref<1x512x64xf32, #tpu.memory_space<vmem>>
    %dma_start3A_591 = tpu.memref_squeeze %dma_start3A_590 : memref<1x512x64xf32, #tpu.memory_space<vmem>> -> memref<512x64xf32, #tpu.memory_space<vmem>>
    %dma_start3A_592 = arith.constant 6656 : i32
    %dma_start3A_593 = tpu.memref_slice %arg5[%dma_start3A_592] : memref<8192xi32, #tpu.memory_space<vmem>> -> memref<512xi32, #tpu.memory_space<vmem>>
    %dma_start3A_594 = arith.constant 0 : i32
    %dma_start3A_595 = arith.constant 0 : i32
    %dma_start3A_596 = tpu.memref_slice %arg2[%dma_start3A_594, %dma_start3A_595] : memref<8192x64xf32, #tpu.memory_space<hbm>> -> memref<8192x64xf32, #tpu.memory_space<hbm>>
    tpu.enqueue_indirect_dma source(%dma_start3A_596 : memref<8192x64xf32, #tpu.memory_space<hbm>>) target(%dma_start3A_591 : memref<512x64xf32, #tpu.memory_space<vmem>>) offsets(%dma_start3A_593 : memref<512xi32, #tpu.memory_space<vmem>>) semaphore(%arg8 : memref<!tpu.dma_semaphore, #tpu.memory_space<semaphore_mem>>)
    %dma_wait3A_597 = arith.constant 0 : i32
    %dma_wait3A_598 = arith.constant 0 : i32
    %dma_wait3A_599 = arith.constant 0 : i32
    %dma_wait3A_600 = tpu.memref_slice %arg6[%dma_wait3A_597, %dma_wait3A_598, %dma_wait3A_599] : memref<2x512x64xf32, #tpu.memory_space<vmem>> -> memref<1x512x64xf32, #tpu.memory_space<vmem>>
    %dma_wait3A_601 = tpu.memref_squeeze %dma_wait3A_600 : memref<1x512x64xf32, #tpu.memory_space<vmem>> -> memref<512x64xf32, #tpu.memory_space<vmem>>
    %dma_wait3A_602 = arith.constant 6144 : i32
    %dma_wait3A_603 = tpu.memref_slice %arg5[%dma_wait3A_602] : memref<8192xi32, #tpu.memory_space<vmem>> -> memref<512xi32, #tpu.memory_space<vmem>>
    %dma_wait3A_604 = arith.constant 0 : i32
    %dma_wait3A_605 = arith.constant 0 : i32
    %dma_wait3A_606 = tpu.memref_slice %arg2[%dma_wait3A_604, %dma_wait3A_605] : memref<8192x64xf32, #tpu.memory_space<hbm>> -> memref<8192x64xf32, #tpu.memory_space<hbm>>
    tpu.wait_indirect_dma semaphore(%arg7 : memref<!tpu.dma_semaphore, #tpu.memory_space<semaphore_mem>>) src(%dma_wait3A_606 : memref<8192x64xf32, #tpu.memory_space<hbm>>) dst(%dma_wait3A_601 : memref<512x64xf32, #tpu.memory_space<vmem>>)
    %add3A_607 = arith.constant 6144 : i32
    %add3A_608 = arith.addi %mul3A_2, %add3A_607 : i32
    %dma_start3A_609 = arith.constant 0 : i32
    %dma_start3A_610 = arith.constant 0 : i32
    %dma_start3A_611 = arith.constant 0 : i32
    %dma_start3A_612 = tpu.memref_slice %arg6[%dma_start3A_609, %dma_start3A_610, %dma_start3A_611] : memref<2x512x64xf32, #tpu.memory_space<vmem>> -> memref<1x512x64xf32, #tpu.memory_space<vmem>>
    %dma_start3A_613 = tpu.memref_squeeze %dma_start3A_612 : memref<1x512x64xf32, #tpu.memory_space<vmem>> -> memref<512x64xf32, #tpu.memory_space<vmem>>
    %dma_start3A_614 = arith.constant 0 : i32
    %dma_start3A_615 = tpu.memref_slice %arg4[%add3A_608, %dma_start3A_614] : memref<262144x64xf32, #tpu.memory_space<hbm>> -> memref<512x64xf32, #tpu.memory_space<hbm>>
    %dma_start3A_616 = arith.constant 0 : i32
    %dma_start3A_617 = tpu.memref_slice %arg4[%add3A_608, %dma_start3A_616] : memref<262144x64xf32, #tpu.memory_space<hbm>> -> memref<512x64xf32, #tpu.memory_space<hbm>>
    %dma_start3A_618 = arith.constant 0 : i32
    %dma_start3A_619 = arith.constant 0 : i32
    %dma_start3A_620 = tpu.memref_slice %arg6[%dma_start3A_609, %dma_start3A_618, %dma_start3A_619] : memref<2x512x64xf32, #tpu.memory_space<vmem>> -> memref<1x512x64xf32, #tpu.memory_space<vmem>>
    %dma_start3A_621 = tpu.memref_squeeze %dma_start3A_620 : memref<1x512x64xf32, #tpu.memory_space<vmem>> -> memref<512x64xf32, #tpu.memory_space<vmem>>
    tpu.enqueue_dma source(%dma_start3A_621 : memref<512x64xf32, #tpu.memory_space<vmem>>) target(%dma_start3A_617 : memref<512x64xf32, #tpu.memory_space<hbm>>) target_semaphore(%arg9 : memref<!tpu.dma_semaphore, #tpu.memory_space<semaphore_mem>>)
    %dma_wait3A_622 = arith.constant 0 : i32
    %dma_wait3A_623 = arith.constant 0 : i32
    %dma_wait3A_624 = arith.constant 0 : i32
    %dma_wait3A_625 = tpu.memref_slice %arg6[%dma_wait3A_622, %dma_wait3A_623, %dma_wait3A_624] : memref<2x512x64xf32, #tpu.memory_space<vmem>> -> memref<1x512x64xf32, #tpu.memory_space<vmem>>
    %dma_wait3A_626 = tpu.memref_squeeze %dma_wait3A_625 : memref<1x512x64xf32, #tpu.memory_space<vmem>> -> memref<512x64xf32, #tpu.memory_space<vmem>>
    %dma_wait3A_627 = arith.constant 0 : i32
    %dma_wait3A_628 = tpu.memref_slice %arg4[%add3A_608, %dma_wait3A_627] : memref<262144x64xf32, #tpu.memory_space<hbm>> -> memref<512x64xf32, #tpu.memory_space<hbm>>
    %dma_wait3A_629 = arith.constant 0 : i32
    %dma_wait3A_630 = tpu.memref_slice %arg4[%add3A_608, %dma_wait3A_629] : memref<262144x64xf32, #tpu.memory_space<hbm>> -> memref<512x64xf32, #tpu.memory_space<hbm>>
    %dma_wait3A_631 = arith.constant 0 : i32
    %dma_wait3A_632 = arith.constant 0 : i32
    %dma_wait3A_633 = tpu.memref_slice %arg6[%dma_wait3A_622, %dma_wait3A_631, %dma_wait3A_632] : memref<2x512x64xf32, #tpu.memory_space<vmem>> -> memref<1x512x64xf32, #tpu.memory_space<vmem>>
    %dma_wait3A_634 = tpu.memref_squeeze %dma_wait3A_633 : memref<1x512x64xf32, #tpu.memory_space<vmem>> -> memref<512x64xf32, #tpu.memory_space<vmem>>
    tpu.wait_dma2 semaphore(%arg9 : memref<!tpu.dma_semaphore, #tpu.memory_space<semaphore_mem>>) src(%dma_wait3A_634 : memref<512x64xf32, #tpu.memory_space<vmem>>) dst(%dma_wait3A_630 : memref<512x64xf32, #tpu.memory_space<hbm>>)
    %dma_start3A_635 = arith.constant 0 : i32
    %dma_start3A_636 = arith.constant 0 : i32
    %dma_start3A_637 = arith.constant 0 : i32
    %dma_start3A_638 = tpu.memref_slice %arg6[%dma_start3A_635, %dma_start3A_636, %dma_start3A_637] : memref<2x512x64xf32, #tpu.memory_space<vmem>> -> memref<1x512x64xf32, #tpu.memory_space<vmem>>
    %dma_start3A_639 = tpu.memref_squeeze %dma_start3A_638 : memref<1x512x64xf32, #tpu.memory_space<vmem>> -> memref<512x64xf32, #tpu.memory_space<vmem>>
    %dma_start3A_640 = arith.constant 7168 : i32
    %dma_start3A_641 = tpu.memref_slice %arg5[%dma_start3A_640] : memref<8192xi32, #tpu.memory_space<vmem>> -> memref<512xi32, #tpu.memory_space<vmem>>
    %dma_start3A_642 = arith.constant 0 : i32
    %dma_start3A_643 = arith.constant 0 : i32
    %dma_start3A_644 = tpu.memref_slice %arg2[%dma_start3A_642, %dma_start3A_643] : memref<8192x64xf32, #tpu.memory_space<hbm>> -> memref<8192x64xf32, #tpu.memory_space<hbm>>
    tpu.enqueue_indirect_dma source(%dma_start3A_644 : memref<8192x64xf32, #tpu.memory_space<hbm>>) target(%dma_start3A_639 : memref<512x64xf32, #tpu.memory_space<vmem>>) offsets(%dma_start3A_641 : memref<512xi32, #tpu.memory_space<vmem>>) semaphore(%arg7 : memref<!tpu.dma_semaphore, #tpu.memory_space<semaphore_mem>>)
    %dma_wait3A_645 = arith.constant 1 : i32
    %dma_wait3A_646 = arith.constant 0 : i32
    %dma_wait3A_647 = arith.constant 0 : i32
    %dma_wait3A_648 = tpu.memref_slice %arg6[%dma_wait3A_645, %dma_wait3A_646, %dma_wait3A_647] : memref<2x512x64xf32, #tpu.memory_space<vmem>> -> memref<1x512x64xf32, #tpu.memory_space<vmem>>
    %dma_wait3A_649 = tpu.memref_squeeze %dma_wait3A_648 : memref<1x512x64xf32, #tpu.memory_space<vmem>> -> memref<512x64xf32, #tpu.memory_space<vmem>>
    %dma_wait3A_650 = arith.constant 6656 : i32
    %dma_wait3A_651 = tpu.memref_slice %arg5[%dma_wait3A_650] : memref<8192xi32, #tpu.memory_space<vmem>> -> memref<512xi32, #tpu.memory_space<vmem>>
    %dma_wait3A_652 = arith.constant 0 : i32
    %dma_wait3A_653 = arith.constant 0 : i32
    %dma_wait3A_654 = tpu.memref_slice %arg2[%dma_wait3A_652, %dma_wait3A_653] : memref<8192x64xf32, #tpu.memory_space<hbm>> -> memref<8192x64xf32, #tpu.memory_space<hbm>>
    tpu.wait_indirect_dma semaphore(%arg8 : memref<!tpu.dma_semaphore, #tpu.memory_space<semaphore_mem>>) src(%dma_wait3A_654 : memref<8192x64xf32, #tpu.memory_space<hbm>>) dst(%dma_wait3A_649 : memref<512x64xf32, #tpu.memory_space<vmem>>)
    %add3A_655 = arith.constant 6656 : i32
    %add3A_656 = arith.addi %mul3A_2, %add3A_655 : i32
    %dma_start3A_657 = arith.constant 1 : i32
    %dma_start3A_658 = arith.constant 0 : i32
    %dma_start3A_659 = arith.constant 0 : i32
    %dma_start3A_660 = tpu.memref_slice %arg6[%dma_start3A_657, %dma_start3A_658, %dma_start3A_659] : memref<2x512x64xf32, #tpu.memory_space<vmem>> -> memref<1x512x64xf32, #tpu.memory_space<vmem>>
    %dma_start3A_661 = tpu.memref_squeeze %dma_start3A_660 : memref<1x512x64xf32, #tpu.memory_space<vmem>> -> memref<512x64xf32, #tpu.memory_space<vmem>>
    %dma_start3A_662 = arith.constant 0 : i32
    %dma_start3A_663 = tpu.memref_slice %arg4[%add3A_656, %dma_start3A_662] : memref<262144x64xf32, #tpu.memory_space<hbm>> -> memref<512x64xf32, #tpu.memory_space<hbm>>
    %dma_start3A_664 = arith.constant 0 : i32
    %dma_start3A_665 = tpu.memref_slice %arg4[%add3A_656, %dma_start3A_664] : memref<262144x64xf32, #tpu.memory_space<hbm>> -> memref<512x64xf32, #tpu.memory_space<hbm>>
    %dma_start3A_666 = arith.constant 0 : i32
    %dma_start3A_667 = arith.constant 0 : i32
    %dma_start3A_668 = tpu.memref_slice %arg6[%dma_start3A_657, %dma_start3A_666, %dma_start3A_667] : memref<2x512x64xf32, #tpu.memory_space<vmem>> -> memref<1x512x64xf32, #tpu.memory_space<vmem>>
    %dma_start3A_669 = tpu.memref_squeeze %dma_start3A_668 : memref<1x512x64xf32, #tpu.memory_space<vmem>> -> memref<512x64xf32, #tpu.memory_space<vmem>>
    tpu.enqueue_dma source(%dma_start3A_669 : memref<512x64xf32, #tpu.memory_space<vmem>>) target(%dma_start3A_665 : memref<512x64xf32, #tpu.memory_space<hbm>>) target_semaphore(%arg10 : memref<!tpu.dma_semaphore, #tpu.memory_space<semaphore_mem>>)
    %dma_wait3A_670 = arith.constant 1 : i32
    %dma_wait3A_671 = arith.constant 0 : i32
    %dma_wait3A_672 = arith.constant 0 : i32
    %dma_wait3A_673 = tpu.memref_slice %arg6[%dma_wait3A_670, %dma_wait3A_671, %dma_wait3A_672] : memref<2x512x64xf32, #tpu.memory_space<vmem>> -> memref<1x512x64xf32, #tpu.memory_space<vmem>>
    %dma_wait3A_674 = tpu.memref_squeeze %dma_wait3A_673 : memref<1x512x64xf32, #tpu.memory_space<vmem>> -> memref<512x64xf32, #tpu.memory_space<vmem>>
    %dma_wait3A_675 = arith.constant 0 : i32
    %dma_wait3A_676 = tpu.memref_slice %arg4[%add3A_656, %dma_wait3A_675] : memref<262144x64xf32, #tpu.memory_space<hbm>> -> memref<512x64xf32, #tpu.memory_space<hbm>>
    %dma_wait3A_677 = arith.constant 0 : i32
    %dma_wait3A_678 = tpu.memref_slice %arg4[%add3A_656, %dma_wait3A_677] : memref<262144x64xf32, #tpu.memory_space<hbm>> -> memref<512x64xf32, #tpu.memory_space<hbm>>
    %dma_wait3A_679 = arith.constant 0 : i32
    %dma_wait3A_680 = arith.constant 0 : i32
    %dma_wait3A_681 = tpu.memref_slice %arg6[%dma_wait3A_670, %dma_wait3A_679, %dma_wait3A_680] : memref<2x512x64xf32, #tpu.memory_space<vmem>> -> memref<1x512x64xf32, #tpu.memory_space<vmem>>
    %dma_wait3A_682 = tpu.memref_squeeze %dma_wait3A_681 : memref<1x512x64xf32, #tpu.memory_space<vmem>> -> memref<512x64xf32, #tpu.memory_space<vmem>>
    tpu.wait_dma2 semaphore(%arg10 : memref<!tpu.dma_semaphore, #tpu.memory_space<semaphore_mem>>) src(%dma_wait3A_682 : memref<512x64xf32, #tpu.memory_space<vmem>>) dst(%dma_wait3A_678 : memref<512x64xf32, #tpu.memory_space<hbm>>)
    %dma_start3A_683 = arith.constant 1 : i32
    %dma_start3A_684 = arith.constant 0 : i32
    %dma_start3A_685 = arith.constant 0 : i32
    %dma_start3A_686 = tpu.memref_slice %arg6[%dma_start3A_683, %dma_start3A_684, %dma_start3A_685] : memref<2x512x64xf32, #tpu.memory_space<vmem>> -> memref<1x512x64xf32, #tpu.memory_space<vmem>>
    %dma_start3A_687 = tpu.memref_squeeze %dma_start3A_686 : memref<1x512x64xf32, #tpu.memory_space<vmem>> -> memref<512x64xf32, #tpu.memory_space<vmem>>
    %dma_start3A_688 = arith.constant 7680 : i32
    %dma_start3A_689 = tpu.memref_slice %arg5[%dma_start3A_688] : memref<8192xi32, #tpu.memory_space<vmem>> -> memref<512xi32, #tpu.memory_space<vmem>>
    %dma_start3A_690 = arith.constant 0 : i32
    %dma_start3A_691 = arith.constant 0 : i32
    %dma_start3A_692 = tpu.memref_slice %arg2[%dma_start3A_690, %dma_start3A_691] : memref<8192x64xf32, #tpu.memory_space<hbm>> -> memref<8192x64xf32, #tpu.memory_space<hbm>>
    tpu.enqueue_indirect_dma source(%dma_start3A_692 : memref<8192x64xf32, #tpu.memory_space<hbm>>) target(%dma_start3A_687 : memref<512x64xf32, #tpu.memory_space<vmem>>) offsets(%dma_start3A_689 : memref<512xi32, #tpu.memory_space<vmem>>) semaphore(%arg8 : memref<!tpu.dma_semaphore, #tpu.memory_space<semaphore_mem>>)
    %dma_wait3A_693 = arith.constant 0 : i32
    %dma_wait3A_694 = arith.constant 0 : i32
    %dma_wait3A_695 = arith.constant 0 : i32
    %dma_wait3A_696 = tpu.memref_slice %arg6[%dma_wait3A_693, %dma_wait3A_694, %dma_wait3A_695] : memref<2x512x64xf32, #tpu.memory_space<vmem>> -> memref<1x512x64xf32, #tpu.memory_space<vmem>>
    %dma_wait3A_697 = tpu.memref_squeeze %dma_wait3A_696 : memref<1x512x64xf32, #tpu.memory_space<vmem>> -> memref<512x64xf32, #tpu.memory_space<vmem>>
    %dma_wait3A_698 = arith.constant 7168 : i32
    %dma_wait3A_699 = tpu.memref_slice %arg5[%dma_wait3A_698] : memref<8192xi32, #tpu.memory_space<vmem>> -> memref<512xi32, #tpu.memory_space<vmem>>
    %dma_wait3A_700 = arith.constant 0 : i32
    %dma_wait3A_701 = arith.constant 0 : i32
    %dma_wait3A_702 = tpu.memref_slice %arg2[%dma_wait3A_700, %dma_wait3A_701] : memref<8192x64xf32, #tpu.memory_space<hbm>> -> memref<8192x64xf32, #tpu.memory_space<hbm>>
    tpu.wait_indirect_dma semaphore(%arg7 : memref<!tpu.dma_semaphore, #tpu.memory_space<semaphore_mem>>) src(%dma_wait3A_702 : memref<8192x64xf32, #tpu.memory_space<hbm>>) dst(%dma_wait3A_697 : memref<512x64xf32, #tpu.memory_space<vmem>>)
    %add3A_703 = arith.constant 7168 : i32
    %add3A_704 = arith.addi %mul3A_2, %add3A_703 : i32
    %dma_start3A_705 = arith.constant 0 : i32
    %dma_start3A_706 = arith.constant 0 : i32
    %dma_start3A_707 = arith.constant 0 : i32
    %dma_start3A_708 = tpu.memref_slice %arg6[%dma_start3A_705, %dma_start3A_706, %dma_start3A_707] : memref<2x512x64xf32, #tpu.memory_space<vmem>> -> memref<1x512x64xf32, #tpu.memory_space<vmem>>
    %dma_start3A_709 = tpu.memref_squeeze %dma_start3A_708 : memref<1x512x64xf32, #tpu.memory_space<vmem>> -> memref<512x64xf32, #tpu.memory_space<vmem>>
    %dma_start3A_710 = arith.constant 0 : i32
    %dma_start3A_711 = tpu.memref_slice %arg4[%add3A_704, %dma_start3A_710] : memref<262144x64xf32, #tpu.memory_space<hbm>> -> memref<512x64xf32, #tpu.memory_space<hbm>>
    %dma_start3A_712 = arith.constant 0 : i32
    %dma_start3A_713 = tpu.memref_slice %arg4[%add3A_704, %dma_start3A_712] : memref<262144x64xf32, #tpu.memory_space<hbm>> -> memref<512x64xf32, #tpu.memory_space<hbm>>
    %dma_start3A_714 = arith.constant 0 : i32
    %dma_start3A_715 = arith.constant 0 : i32
    %dma_start3A_716 = tpu.memref_slice %arg6[%dma_start3A_705, %dma_start3A_714, %dma_start3A_715] : memref<2x512x64xf32, #tpu.memory_space<vmem>> -> memref<1x512x64xf32, #tpu.memory_space<vmem>>
    %dma_start3A_717 = tpu.memref_squeeze %dma_start3A_716 : memref<1x512x64xf32, #tpu.memory_space<vmem>> -> memref<512x64xf32, #tpu.memory_space<vmem>>
    tpu.enqueue_dma source(%dma_start3A_717 : memref<512x64xf32, #tpu.memory_space<vmem>>) target(%dma_start3A_713 : memref<512x64xf32, #tpu.memory_space<hbm>>) target_semaphore(%arg9 : memref<!tpu.dma_semaphore, #tpu.memory_space<semaphore_mem>>)
    %dma_wait3A_718 = arith.constant 0 : i32
    %dma_wait3A_719 = arith.constant 0 : i32
    %dma_wait3A_720 = arith.constant 0 : i32
    %dma_wait3A_721 = tpu.memref_slice %arg6[%dma_wait3A_718, %dma_wait3A_719, %dma_wait3A_720] : memref<2x512x64xf32, #tpu.memory_space<vmem>> -> memref<1x512x64xf32, #tpu.memory_space<vmem>>
    %dma_wait3A_722 = tpu.memref_squeeze %dma_wait3A_721 : memref<1x512x64xf32, #tpu.memory_space<vmem>> -> memref<512x64xf32, #tpu.memory_space<vmem>>
    %dma_wait3A_723 = arith.constant 0 : i32
    %dma_wait3A_724 = tpu.memref_slice %arg4[%add3A_704, %dma_wait3A_723] : memref<262144x64xf32, #tpu.memory_space<hbm>> -> memref<512x64xf32, #tpu.memory_space<hbm>>
    %dma_wait3A_725 = arith.constant 0 : i32
    %dma_wait3A_726 = tpu.memref_slice %arg4[%add3A_704, %dma_wait3A_725] : memref<262144x64xf32, #tpu.memory_space<hbm>> -> memref<512x64xf32, #tpu.memory_space<hbm>>
    %dma_wait3A_727 = arith.constant 0 : i32
    %dma_wait3A_728 = arith.constant 0 : i32
    %dma_wait3A_729 = tpu.memref_slice %arg6[%dma_wait3A_718, %dma_wait3A_727, %dma_wait3A_728] : memref<2x512x64xf32, #tpu.memory_space<vmem>> -> memref<1x512x64xf32, #tpu.memory_space<vmem>>
    %dma_wait3A_730 = tpu.memref_squeeze %dma_wait3A_729 : memref<1x512x64xf32, #tpu.memory_space<vmem>> -> memref<512x64xf32, #tpu.memory_space<vmem>>
    tpu.wait_dma2 semaphore(%arg9 : memref<!tpu.dma_semaphore, #tpu.memory_space<semaphore_mem>>) src(%dma_wait3A_730 : memref<512x64xf32, #tpu.memory_space<vmem>>) dst(%dma_wait3A_726 : memref<512x64xf32, #tpu.memory_space<hbm>>)
    %dma_wait3A_731 = arith.constant 1 : i32
    %dma_wait3A_732 = arith.constant 0 : i32
    %dma_wait3A_733 = arith.constant 0 : i32
    %dma_wait3A_734 = tpu.memref_slice %arg6[%dma_wait3A_731, %dma_wait3A_732, %dma_wait3A_733] : memref<2x512x64xf32, #tpu.memory_space<vmem>> -> memref<1x512x64xf32, #tpu.memory_space<vmem>>
    %dma_wait3A_735 = tpu.memref_squeeze %dma_wait3A_734 : memref<1x512x64xf32, #tpu.memory_space<vmem>> -> memref<512x64xf32, #tpu.memory_space<vmem>>
    %dma_wait3A_736 = arith.constant 7680 : i32
    %dma_wait3A_737 = tpu.memref_slice %arg5[%dma_wait3A_736] : memref<8192xi32, #tpu.memory_space<vmem>> -> memref<512xi32, #tpu.memory_space<vmem>>
    %dma_wait3A_738 = arith.constant 0 : i32
    %dma_wait3A_739 = arith.constant 0 : i32
    %dma_wait3A_740 = tpu.memref_slice %arg2[%dma_wait3A_738, %dma_wait3A_739] : memref<8192x64xf32, #tpu.memory_space<hbm>> -> memref<8192x64xf32, #tpu.memory_space<hbm>>
    tpu.wait_indirect_dma semaphore(%arg8 : memref<!tpu.dma_semaphore, #tpu.memory_space<semaphore_mem>>) src(%dma_wait3A_740 : memref<8192x64xf32, #tpu.memory_space<hbm>>) dst(%dma_wait3A_735 : memref<512x64xf32, #tpu.memory_space<vmem>>)
    %add3A_741 = arith.constant 7680 : i32
    %add3A_742 = arith.addi %mul3A_2, %add3A_741 : i32
    %dma_start3A_743 = arith.constant 1 : i32
    %dma_start3A_744 = arith.constant 0 : i32
    %dma_start3A_745 = arith.constant 0 : i32
    %dma_start3A_746 = tpu.memref_slice %arg6[%dma_start3A_743, %dma_start3A_744, %dma_start3A_745] : memref<2x512x64xf32, #tpu.memory_space<vmem>> -> memref<1x512x64xf32, #tpu.memory_space<vmem>>
    %dma_start3A_747 = tpu.memref_squeeze %dma_start3A_746 : memref<1x512x64xf32, #tpu.memory_space<vmem>> -> memref<512x64xf32, #tpu.memory_space<vmem>>
    %dma_start3A_748 = arith.constant 0 : i32
    %dma_start3A_749 = tpu.memref_slice %arg4[%add3A_742, %dma_start3A_748] : memref<262144x64xf32, #tpu.memory_space<hbm>> -> memref<512x64xf32, #tpu.memory_space<hbm>>
    %dma_start3A_750 = arith.constant 0 : i32
    %dma_start3A_751 = tpu.memref_slice %arg4[%add3A_742, %dma_start3A_750] : memref<262144x64xf32, #tpu.memory_space<hbm>> -> memref<512x64xf32, #tpu.memory_space<hbm>>
    %dma_start3A_752 = arith.constant 0 : i32
    %dma_start3A_753 = arith.constant 0 : i32
    %dma_start3A_754 = tpu.memref_slice %arg6[%dma_start3A_743, %dma_start3A_752, %dma_start3A_753] : memref<2x512x64xf32, #tpu.memory_space<vmem>> -> memref<1x512x64xf32, #tpu.memory_space<vmem>>
    %dma_start3A_755 = tpu.memref_squeeze %dma_start3A_754 : memref<1x512x64xf32, #tpu.memory_space<vmem>> -> memref<512x64xf32, #tpu.memory_space<vmem>>
    tpu.enqueue_dma source(%dma_start3A_755 : memref<512x64xf32, #tpu.memory_space<vmem>>) target(%dma_start3A_751 : memref<512x64xf32, #tpu.memory_space<hbm>>) target_semaphore(%arg10 : memref<!tpu.dma_semaphore, #tpu.memory_space<semaphore_mem>>)
    %dma_wait3A_756 = arith.constant 1 : i32
    %dma_wait3A_757 = arith.constant 0 : i32
    %dma_wait3A_758 = arith.constant 0 : i32
    %dma_wait3A_759 = tpu.memref_slice %arg6[%dma_wait3A_756, %dma_wait3A_757, %dma_wait3A_758] : memref<2x512x64xf32, #tpu.memory_space<vmem>> -> memref<1x512x64xf32, #tpu.memory_space<vmem>>
    %dma_wait3A_760 = tpu.memref_squeeze %dma_wait3A_759 : memref<1x512x64xf32, #tpu.memory_space<vmem>> -> memref<512x64xf32, #tpu.memory_space<vmem>>
    %dma_wait3A_761 = arith.constant 0 : i32
    %dma_wait3A_762 = tpu.memref_slice %arg4[%add3A_742, %dma_wait3A_761] : memref<262144x64xf32, #tpu.memory_space<hbm>> -> memref<512x64xf32, #tpu.memory_space<hbm>>
    %dma_wait3A_763 = arith.constant 0 : i32
    %dma_wait3A_764 = tpu.memref_slice %arg4[%add3A_742, %dma_wait3A_763] : memref<262144x64xf32, #tpu.memory_space<hbm>> -> memref<512x64xf32, #tpu.memory_space<hbm>>
    %dma_wait3A_765 = arith.constant 0 : i32
    %dma_wait3A_766 = arith.constant 0 : i32
    %dma_wait3A_767 = tpu.memref_slice %arg6[%dma_wait3A_756, %dma_wait3A_765, %dma_wait3A_766] : memref<2x512x64xf32, #tpu.memory_space<vmem>> -> memref<1x512x64xf32, #tpu.memory_space<vmem>>
    %dma_wait3A_768 = tpu.memref_squeeze %dma_wait3A_767 : memref<1x512x64xf32, #tpu.memory_space<vmem>> -> memref<512x64xf32, #tpu.memory_space<vmem>>
    tpu.wait_dma2 semaphore(%arg10 : memref<!tpu.dma_semaphore, #tpu.memory_space<semaphore_mem>>) src(%dma_wait3A_768 : memref<512x64xf32, #tpu.memory_space<vmem>>) dst(%dma_wait3A_764 : memref<512x64xf32, #tpu.memory_space<hbm>>)
    return
  }
}

module attributes {stable_mosaic.version = 14 : i64} {
  func.func @_knn_body(%arg0: i32, %arg1: i32, %arg2: memref<1x1024x64xf32, #tpu.memory_space<vmem>>, %arg3: memref<1x512x64xf32, #tpu.memory_space<vmem>>, %arg4: memref<1x1x1024xf32, #tpu.memory_space<vmem>>, %arg5: memref<512x1xf32, #tpu.memory_space<vmem>>, %arg6: memref<512x32xi32, #tpu.memory_space<vmem>>) attributes {dimension_semantics = [#tpu.dimension_semantics<arbitrary>, #tpu.dimension_semantics<arbitrary>], iteration_bounds = array<i64: 8, 2>, scalar_prefetch = 0 : i64, scratch_operands = 0 : i64, tpu.core_type = #tpu.core_type<tc>, window_params = [{transform_indices = @transform_0, window_bounds = array<i64: 1, 1024, 64>}, {transform_indices = @transform_1, window_bounds = array<i64: 1, 512, 64>}, {transform_indices = @transform_2, window_bounds = array<i64: 1, 1, 1024>}, {transform_indices = @transform_3, window_bounds = array<i64: 512, 1>}, {transform_indices = @transform_4, window_bounds = array<i64: 512, 32>}]} {
    %get3A = arith.constant 0 : index
    %get3A_0 = arith.constant 0 : index
    %get3A_1 = arith.constant 0 : index
    %get3A_2 = vector.load %arg2[%get3A, %get3A_0, %get3A_1] : memref<1x1024x64xf32, #tpu.memory_space<vmem>>, vector<1x1024x64xf32>
    %get3A_3 = vector.shape_cast %get3A_2 : vector<1x1024x64xf32> to vector<1024x64xf32>
    %get3A_4 = arith.constant 0 : index
    %get3A_5 = arith.constant 0 : index
    %get3A_6 = arith.constant 0 : index
    %get3A_7 = vector.load %arg3[%get3A_4, %get3A_5, %get3A_6] : memref<1x512x64xf32, #tpu.memory_space<vmem>>, vector<1x512x64xf32>
    %get3A_8 = vector.shape_cast %get3A_7 : vector<1x512x64xf32> to vector<512x64xf32>
    %dot_general3A = arith.constant dense<0.000000e+00> : vector<512x1024xf32>
    %dot_general3A_9 = tpu.matmul %get3A_8, %get3A_3, %dot_general3A {dimension_numbers = #tpu.dot_dimension_numbers<[1], [1], [0], [0], [0, 0, 1, 0], [], []>, transpose_lhs_hint = false} : vector<512x64xf32>, vector<1024x64xf32>, vector<512x1024xf32> -> vector<512x1024xf32>
    %get3A_10 = arith.constant 0 : index
    %get3A_11 = arith.constant 0 : index
    %get3A_12 = vector.load %arg5[%get3A_10, %get3A_11] : memref<512x1xf32, #tpu.memory_space<vmem>>, vector<512x1xf32>
    %get3A_13 = arith.constant 0 : index
    %get3A_14 = arith.constant 0 : index
    %get3A_15 = arith.constant 0 : index
    %get3A_16 = vector.load %arg4[%get3A_13, %get3A_14, %get3A_15] : memref<1x1x1024xf32, #tpu.memory_space<vmem>>, vector<1x1x1024xf32>
    %get3A_17 = vector.shape_cast %get3A_16 : vector<1x1x1024xf32> to vector<1x1024xf32>
    %add3A = vector.broadcast %get3A_12 : vector<512x1xf32> to vector<512x1024xf32>
    %add3A_18 = vector.broadcast %get3A_17 : vector<1x1024xf32> to vector<512x1024xf32>
    %add3A_19 = arith.addf %add3A, %add3A_18 : vector<512x1024xf32>
    %mul3A = arith.constant 2.000000e+00 : f32
    %mul3A_20 = vector.broadcast %mul3A : f32 to vector<512x1024xf32>
    %mul3A_21 = arith.mulf %mul3A_20, %dot_general3A_9 : vector<512x1024xf32>
    %sub3A = arith.subf %add3A_19, %mul3A_21 : vector<512x1024xf32>
    %neg3A = arith.constant 0.000000e+00 : f32
    %neg3A_22 = vector.broadcast %neg3A : f32 to vector<512x1024xf32>
    %neg3A_23 = arith.subf %neg3A_22, %sub3A : vector<512x1024xf32>
    %iota3A = tpu.iota {dimensions = array<i32: 1>} : vector<512x1024xi32>
    %reduce_max3A = arith.constant dense<0xFF800000> : vector<512xf32>
    %reduce_max3A_24 = vector.multi_reduction <maximumf>, %neg3A_23, %reduce_max3A [1] : vector<512x1024xf32> to vector<512xf32>
    %broadcast_in_dim3A = vector.shape_cast %reduce_max3A_24 : vector<512xf32> to vector<512x1xf32>
    %eq3A = vector.broadcast %broadcast_in_dim3A : vector<512x1xf32> to vector<512x1024xf32>
    %eq3A_25 = arith.cmpf oeq, %neg3A_23, %eq3A : vector<512x1024xf32>
    %jit3A = arith.constant 2048 : i32
    %broadcast_in_dim3A_26 = vector.broadcast %jit3A : i32 to vector<512x1024xi32>
    %select_n3A = arith.select %eq3A_25, %iota3A, %broadcast_in_dim3A_26 : vector<512x1024xi1>, vector<512x1024xi32>
    %reduce_min3A = arith.constant dense<2147483647> : vector<512xi32>
    %reduce_min3A_27 = vector.multi_reduction <minsi>, %select_n3A, %reduce_min3A [1] : vector<512x1024xi32> to vector<512xi32>
    %broadcast_in_dim3A_28 = vector.shape_cast %reduce_min3A_27 : vector<512xi32> to vector<512x1xi32>
    %eq3A_29 = vector.broadcast %broadcast_in_dim3A_28 : vector<512x1xi32> to vector<512x1024xi32>
    %eq3A_30 = arith.cmpi eq, %iota3A, %eq3A_29 : vector<512x1024xi32>
    %jit3A_31 = arith.constant 0xFF800000 : f32
    %broadcast_in_dim3A_32 = vector.broadcast %jit3A_31 : f32 to vector<512x1024xf32>
    %select_n3A_33 = arith.select %eq3A_30, %broadcast_in_dim3A_32, %neg3A_23 : vector<512x1024xi1>, vector<512x1024xf32>
    %reduce_max3A_34 = arith.constant dense<0xFF800000> : vector<512xf32>
    %reduce_max3A_35 = vector.multi_reduction <maximumf>, %select_n3A_33, %reduce_max3A_34 [1] : vector<512x1024xf32> to vector<512xf32>
    %broadcast_in_dim3A_36 = vector.shape_cast %reduce_max3A_35 : vector<512xf32> to vector<512x1xf32>
    %eq3A_37 = vector.broadcast %broadcast_in_dim3A_36 : vector<512x1xf32> to vector<512x1024xf32>
    %eq3A_38 = arith.cmpf oeq, %select_n3A_33, %eq3A_37 : vector<512x1024xf32>
    %jit3A_39 = arith.constant 2048 : i32
    %broadcast_in_dim3A_40 = vector.broadcast %jit3A_39 : i32 to vector<512x1024xi32>
    %select_n3A_41 = arith.select %eq3A_38, %iota3A, %broadcast_in_dim3A_40 : vector<512x1024xi1>, vector<512x1024xi32>
    %reduce_min3A_42 = arith.constant dense<2147483647> : vector<512xi32>
    %reduce_min3A_43 = vector.multi_reduction <minsi>, %select_n3A_41, %reduce_min3A_42 [1] : vector<512x1024xi32> to vector<512xi32>
    %broadcast_in_dim3A_44 = vector.shape_cast %reduce_min3A_43 : vector<512xi32> to vector<512x1xi32>
    %eq3A_45 = vector.broadcast %broadcast_in_dim3A_44 : vector<512x1xi32> to vector<512x1024xi32>
    %eq3A_46 = arith.cmpi eq, %iota3A, %eq3A_45 : vector<512x1024xi32>
    %jit3A_47 = arith.constant 0xFF800000 : f32
    %broadcast_in_dim3A_48 = vector.broadcast %jit3A_47 : f32 to vector<512x1024xf32>
    %select_n3A_49 = arith.select %eq3A_46, %broadcast_in_dim3A_48, %select_n3A_33 : vector<512x1024xi1>, vector<512x1024xf32>
    %reduce_max3A_50 = arith.constant dense<0xFF800000> : vector<512xf32>
    %reduce_max3A_51 = vector.multi_reduction <maximumf>, %select_n3A_49, %reduce_max3A_50 [1] : vector<512x1024xf32> to vector<512xf32>
    %broadcast_in_dim3A_52 = vector.shape_cast %reduce_max3A_51 : vector<512xf32> to vector<512x1xf32>
    %eq3A_53 = vector.broadcast %broadcast_in_dim3A_52 : vector<512x1xf32> to vector<512x1024xf32>
    %eq3A_54 = arith.cmpf oeq, %select_n3A_49, %eq3A_53 : vector<512x1024xf32>
    %jit3A_55 = arith.constant 2048 : i32
    %broadcast_in_dim3A_56 = vector.broadcast %jit3A_55 : i32 to vector<512x1024xi32>
    %select_n3A_57 = arith.select %eq3A_54, %iota3A, %broadcast_in_dim3A_56 : vector<512x1024xi1>, vector<512x1024xi32>
    %reduce_min3A_58 = arith.constant dense<2147483647> : vector<512xi32>
    %reduce_min3A_59 = vector.multi_reduction <minsi>, %select_n3A_57, %reduce_min3A_58 [1] : vector<512x1024xi32> to vector<512xi32>
    %broadcast_in_dim3A_60 = vector.shape_cast %reduce_min3A_59 : vector<512xi32> to vector<512x1xi32>
    %eq3A_61 = vector.broadcast %broadcast_in_dim3A_60 : vector<512x1xi32> to vector<512x1024xi32>
    %eq3A_62 = arith.cmpi eq, %iota3A, %eq3A_61 : vector<512x1024xi32>
    %jit3A_63 = arith.constant 0xFF800000 : f32
    %broadcast_in_dim3A_64 = vector.broadcast %jit3A_63 : f32 to vector<512x1024xf32>
    %select_n3A_65 = arith.select %eq3A_62, %broadcast_in_dim3A_64, %select_n3A_49 : vector<512x1024xi1>, vector<512x1024xf32>
    %reduce_max3A_66 = arith.constant dense<0xFF800000> : vector<512xf32>
    %reduce_max3A_67 = vector.multi_reduction <maximumf>, %select_n3A_65, %reduce_max3A_66 [1] : vector<512x1024xf32> to vector<512xf32>
    %broadcast_in_dim3A_68 = vector.shape_cast %reduce_max3A_67 : vector<512xf32> to vector<512x1xf32>
    %eq3A_69 = vector.broadcast %broadcast_in_dim3A_68 : vector<512x1xf32> to vector<512x1024xf32>
    %eq3A_70 = arith.cmpf oeq, %select_n3A_65, %eq3A_69 : vector<512x1024xf32>
    %jit3A_71 = arith.constant 2048 : i32
    %broadcast_in_dim3A_72 = vector.broadcast %jit3A_71 : i32 to vector<512x1024xi32>
    %select_n3A_73 = arith.select %eq3A_70, %iota3A, %broadcast_in_dim3A_72 : vector<512x1024xi1>, vector<512x1024xi32>
    %reduce_min3A_74 = arith.constant dense<2147483647> : vector<512xi32>
    %reduce_min3A_75 = vector.multi_reduction <minsi>, %select_n3A_73, %reduce_min3A_74 [1] : vector<512x1024xi32> to vector<512xi32>
    %broadcast_in_dim3A_76 = vector.shape_cast %reduce_min3A_75 : vector<512xi32> to vector<512x1xi32>
    %eq3A_77 = vector.broadcast %broadcast_in_dim3A_76 : vector<512x1xi32> to vector<512x1024xi32>
    %eq3A_78 = arith.cmpi eq, %iota3A, %eq3A_77 : vector<512x1024xi32>
    %jit3A_79 = arith.constant 0xFF800000 : f32
    %broadcast_in_dim3A_80 = vector.broadcast %jit3A_79 : f32 to vector<512x1024xf32>
    %select_n3A_81 = arith.select %eq3A_78, %broadcast_in_dim3A_80, %select_n3A_65 : vector<512x1024xi1>, vector<512x1024xf32>
    %reduce_max3A_82 = arith.constant dense<0xFF800000> : vector<512xf32>
    %reduce_max3A_83 = vector.multi_reduction <maximumf>, %select_n3A_81, %reduce_max3A_82 [1] : vector<512x1024xf32> to vector<512xf32>
    %broadcast_in_dim3A_84 = vector.shape_cast %reduce_max3A_83 : vector<512xf32> to vector<512x1xf32>
    %eq3A_85 = vector.broadcast %broadcast_in_dim3A_84 : vector<512x1xf32> to vector<512x1024xf32>
    %eq3A_86 = arith.cmpf oeq, %select_n3A_81, %eq3A_85 : vector<512x1024xf32>
    %jit3A_87 = arith.constant 2048 : i32
    %broadcast_in_dim3A_88 = vector.broadcast %jit3A_87 : i32 to vector<512x1024xi32>
    %select_n3A_89 = arith.select %eq3A_86, %iota3A, %broadcast_in_dim3A_88 : vector<512x1024xi1>, vector<512x1024xi32>
    %reduce_min3A_90 = arith.constant dense<2147483647> : vector<512xi32>
    %reduce_min3A_91 = vector.multi_reduction <minsi>, %select_n3A_89, %reduce_min3A_90 [1] : vector<512x1024xi32> to vector<512xi32>
    %broadcast_in_dim3A_92 = vector.shape_cast %reduce_min3A_91 : vector<512xi32> to vector<512x1xi32>
    %eq3A_93 = vector.broadcast %broadcast_in_dim3A_92 : vector<512x1xi32> to vector<512x1024xi32>
    %eq3A_94 = arith.cmpi eq, %iota3A, %eq3A_93 : vector<512x1024xi32>
    %jit3A_95 = arith.constant 0xFF800000 : f32
    %broadcast_in_dim3A_96 = vector.broadcast %jit3A_95 : f32 to vector<512x1024xf32>
    %select_n3A_97 = arith.select %eq3A_94, %broadcast_in_dim3A_96, %select_n3A_81 : vector<512x1024xi1>, vector<512x1024xf32>
    %reduce_max3A_98 = arith.constant dense<0xFF800000> : vector<512xf32>
    %reduce_max3A_99 = vector.multi_reduction <maximumf>, %select_n3A_97, %reduce_max3A_98 [1] : vector<512x1024xf32> to vector<512xf32>
    %broadcast_in_dim3A_100 = vector.shape_cast %reduce_max3A_99 : vector<512xf32> to vector<512x1xf32>
    %eq3A_101 = vector.broadcast %broadcast_in_dim3A_100 : vector<512x1xf32> to vector<512x1024xf32>
    %eq3A_102 = arith.cmpf oeq, %select_n3A_97, %eq3A_101 : vector<512x1024xf32>
    %jit3A_103 = arith.constant 2048 : i32
    %broadcast_in_dim3A_104 = vector.broadcast %jit3A_103 : i32 to vector<512x1024xi32>
    %select_n3A_105 = arith.select %eq3A_102, %iota3A, %broadcast_in_dim3A_104 : vector<512x1024xi1>, vector<512x1024xi32>
    %reduce_min3A_106 = arith.constant dense<2147483647> : vector<512xi32>
    %reduce_min3A_107 = vector.multi_reduction <minsi>, %select_n3A_105, %reduce_min3A_106 [1] : vector<512x1024xi32> to vector<512xi32>
    %broadcast_in_dim3A_108 = vector.shape_cast %reduce_min3A_107 : vector<512xi32> to vector<512x1xi32>
    %eq3A_109 = vector.broadcast %broadcast_in_dim3A_108 : vector<512x1xi32> to vector<512x1024xi32>
    %eq3A_110 = arith.cmpi eq, %iota3A, %eq3A_109 : vector<512x1024xi32>
    %jit3A_111 = arith.constant 0xFF800000 : f32
    %broadcast_in_dim3A_112 = vector.broadcast %jit3A_111 : f32 to vector<512x1024xf32>
    %select_n3A_113 = arith.select %eq3A_110, %broadcast_in_dim3A_112, %select_n3A_97 : vector<512x1024xi1>, vector<512x1024xf32>
    %reduce_max3A_114 = arith.constant dense<0xFF800000> : vector<512xf32>
    %reduce_max3A_115 = vector.multi_reduction <maximumf>, %select_n3A_113, %reduce_max3A_114 [1] : vector<512x1024xf32> to vector<512xf32>
    %broadcast_in_dim3A_116 = vector.shape_cast %reduce_max3A_115 : vector<512xf32> to vector<512x1xf32>
    %eq3A_117 = vector.broadcast %broadcast_in_dim3A_116 : vector<512x1xf32> to vector<512x1024xf32>
    %eq3A_118 = arith.cmpf oeq, %select_n3A_113, %eq3A_117 : vector<512x1024xf32>
    %jit3A_119 = arith.constant 2048 : i32
    %broadcast_in_dim3A_120 = vector.broadcast %jit3A_119 : i32 to vector<512x1024xi32>
    %select_n3A_121 = arith.select %eq3A_118, %iota3A, %broadcast_in_dim3A_120 : vector<512x1024xi1>, vector<512x1024xi32>
    %reduce_min3A_122 = arith.constant dense<2147483647> : vector<512xi32>
    %reduce_min3A_123 = vector.multi_reduction <minsi>, %select_n3A_121, %reduce_min3A_122 [1] : vector<512x1024xi32> to vector<512xi32>
    %broadcast_in_dim3A_124 = vector.shape_cast %reduce_min3A_123 : vector<512xi32> to vector<512x1xi32>
    %eq3A_125 = vector.broadcast %broadcast_in_dim3A_124 : vector<512x1xi32> to vector<512x1024xi32>
    %eq3A_126 = arith.cmpi eq, %iota3A, %eq3A_125 : vector<512x1024xi32>
    %jit3A_127 = arith.constant 0xFF800000 : f32
    %broadcast_in_dim3A_128 = vector.broadcast %jit3A_127 : f32 to vector<512x1024xf32>
    %select_n3A_129 = arith.select %eq3A_126, %broadcast_in_dim3A_128, %select_n3A_113 : vector<512x1024xi1>, vector<512x1024xf32>
    %reduce_max3A_130 = arith.constant dense<0xFF800000> : vector<512xf32>
    %reduce_max3A_131 = vector.multi_reduction <maximumf>, %select_n3A_129, %reduce_max3A_130 [1] : vector<512x1024xf32> to vector<512xf32>
    %broadcast_in_dim3A_132 = vector.shape_cast %reduce_max3A_131 : vector<512xf32> to vector<512x1xf32>
    %eq3A_133 = vector.broadcast %broadcast_in_dim3A_132 : vector<512x1xf32> to vector<512x1024xf32>
    %eq3A_134 = arith.cmpf oeq, %select_n3A_129, %eq3A_133 : vector<512x1024xf32>
    %jit3A_135 = arith.constant 2048 : i32
    %broadcast_in_dim3A_136 = vector.broadcast %jit3A_135 : i32 to vector<512x1024xi32>
    %select_n3A_137 = arith.select %eq3A_134, %iota3A, %broadcast_in_dim3A_136 : vector<512x1024xi1>, vector<512x1024xi32>
    %reduce_min3A_138 = arith.constant dense<2147483647> : vector<512xi32>
    %reduce_min3A_139 = vector.multi_reduction <minsi>, %select_n3A_137, %reduce_min3A_138 [1] : vector<512x1024xi32> to vector<512xi32>
    %broadcast_in_dim3A_140 = vector.shape_cast %reduce_min3A_139 : vector<512xi32> to vector<512x1xi32>
    %eq3A_141 = vector.broadcast %broadcast_in_dim3A_140 : vector<512x1xi32> to vector<512x1024xi32>
    %eq3A_142 = arith.cmpi eq, %iota3A, %eq3A_141 : vector<512x1024xi32>
    %jit3A_143 = arith.constant 0xFF800000 : f32
    %broadcast_in_dim3A_144 = vector.broadcast %jit3A_143 : f32 to vector<512x1024xf32>
    %select_n3A_145 = arith.select %eq3A_142, %broadcast_in_dim3A_144, %select_n3A_129 : vector<512x1024xi1>, vector<512x1024xf32>
    %reduce_max3A_146 = arith.constant dense<0xFF800000> : vector<512xf32>
    %reduce_max3A_147 = vector.multi_reduction <maximumf>, %select_n3A_145, %reduce_max3A_146 [1] : vector<512x1024xf32> to vector<512xf32>
    %broadcast_in_dim3A_148 = vector.shape_cast %reduce_max3A_147 : vector<512xf32> to vector<512x1xf32>
    %eq3A_149 = vector.broadcast %broadcast_in_dim3A_148 : vector<512x1xf32> to vector<512x1024xf32>
    %eq3A_150 = arith.cmpf oeq, %select_n3A_145, %eq3A_149 : vector<512x1024xf32>
    %jit3A_151 = arith.constant 2048 : i32
    %broadcast_in_dim3A_152 = vector.broadcast %jit3A_151 : i32 to vector<512x1024xi32>
    %select_n3A_153 = arith.select %eq3A_150, %iota3A, %broadcast_in_dim3A_152 : vector<512x1024xi1>, vector<512x1024xi32>
    %reduce_min3A_154 = arith.constant dense<2147483647> : vector<512xi32>
    %reduce_min3A_155 = vector.multi_reduction <minsi>, %select_n3A_153, %reduce_min3A_154 [1] : vector<512x1024xi32> to vector<512xi32>
    %broadcast_in_dim3A_156 = vector.shape_cast %reduce_min3A_155 : vector<512xi32> to vector<512x1xi32>
    %eq3A_157 = vector.broadcast %broadcast_in_dim3A_156 : vector<512x1xi32> to vector<512x1024xi32>
    %eq3A_158 = arith.cmpi eq, %iota3A, %eq3A_157 : vector<512x1024xi32>
    %jit3A_159 = arith.constant 0xFF800000 : f32
    %broadcast_in_dim3A_160 = vector.broadcast %jit3A_159 : f32 to vector<512x1024xf32>
    %select_n3A_161 = arith.select %eq3A_158, %broadcast_in_dim3A_160, %select_n3A_145 : vector<512x1024xi1>, vector<512x1024xf32>
    %reduce_max3A_162 = arith.constant dense<0xFF800000> : vector<512xf32>
    %reduce_max3A_163 = vector.multi_reduction <maximumf>, %select_n3A_161, %reduce_max3A_162 [1] : vector<512x1024xf32> to vector<512xf32>
    %broadcast_in_dim3A_164 = vector.shape_cast %reduce_max3A_163 : vector<512xf32> to vector<512x1xf32>
    %eq3A_165 = vector.broadcast %broadcast_in_dim3A_164 : vector<512x1xf32> to vector<512x1024xf32>
    %eq3A_166 = arith.cmpf oeq, %select_n3A_161, %eq3A_165 : vector<512x1024xf32>
    %jit3A_167 = arith.constant 2048 : i32
    %broadcast_in_dim3A_168 = vector.broadcast %jit3A_167 : i32 to vector<512x1024xi32>
    %select_n3A_169 = arith.select %eq3A_166, %iota3A, %broadcast_in_dim3A_168 : vector<512x1024xi1>, vector<512x1024xi32>
    %reduce_min3A_170 = arith.constant dense<2147483647> : vector<512xi32>
    %reduce_min3A_171 = vector.multi_reduction <minsi>, %select_n3A_169, %reduce_min3A_170 [1] : vector<512x1024xi32> to vector<512xi32>
    %broadcast_in_dim3A_172 = vector.shape_cast %reduce_min3A_171 : vector<512xi32> to vector<512x1xi32>
    %eq3A_173 = vector.broadcast %broadcast_in_dim3A_172 : vector<512x1xi32> to vector<512x1024xi32>
    %eq3A_174 = arith.cmpi eq, %iota3A, %eq3A_173 : vector<512x1024xi32>
    %jit3A_175 = arith.constant 0xFF800000 : f32
    %broadcast_in_dim3A_176 = vector.broadcast %jit3A_175 : f32 to vector<512x1024xf32>
    %select_n3A_177 = arith.select %eq3A_174, %broadcast_in_dim3A_176, %select_n3A_161 : vector<512x1024xi1>, vector<512x1024xf32>
    %reduce_max3A_178 = arith.constant dense<0xFF800000> : vector<512xf32>
    %reduce_max3A_179 = vector.multi_reduction <maximumf>, %select_n3A_177, %reduce_max3A_178 [1] : vector<512x1024xf32> to vector<512xf32>
    %broadcast_in_dim3A_180 = vector.shape_cast %reduce_max3A_179 : vector<512xf32> to vector<512x1xf32>
    %eq3A_181 = vector.broadcast %broadcast_in_dim3A_180 : vector<512x1xf32> to vector<512x1024xf32>
    %eq3A_182 = arith.cmpf oeq, %select_n3A_177, %eq3A_181 : vector<512x1024xf32>
    %jit3A_183 = arith.constant 2048 : i32
    %broadcast_in_dim3A_184 = vector.broadcast %jit3A_183 : i32 to vector<512x1024xi32>
    %select_n3A_185 = arith.select %eq3A_182, %iota3A, %broadcast_in_dim3A_184 : vector<512x1024xi1>, vector<512x1024xi32>
    %reduce_min3A_186 = arith.constant dense<2147483647> : vector<512xi32>
    %reduce_min3A_187 = vector.multi_reduction <minsi>, %select_n3A_185, %reduce_min3A_186 [1] : vector<512x1024xi32> to vector<512xi32>
    %broadcast_in_dim3A_188 = vector.shape_cast %reduce_min3A_187 : vector<512xi32> to vector<512x1xi32>
    %eq3A_189 = vector.broadcast %broadcast_in_dim3A_188 : vector<512x1xi32> to vector<512x1024xi32>
    %eq3A_190 = arith.cmpi eq, %iota3A, %eq3A_189 : vector<512x1024xi32>
    %jit3A_191 = arith.constant 0xFF800000 : f32
    %broadcast_in_dim3A_192 = vector.broadcast %jit3A_191 : f32 to vector<512x1024xf32>
    %select_n3A_193 = arith.select %eq3A_190, %broadcast_in_dim3A_192, %select_n3A_177 : vector<512x1024xi1>, vector<512x1024xf32>
    %reduce_max3A_194 = arith.constant dense<0xFF800000> : vector<512xf32>
    %reduce_max3A_195 = vector.multi_reduction <maximumf>, %select_n3A_193, %reduce_max3A_194 [1] : vector<512x1024xf32> to vector<512xf32>
    %broadcast_in_dim3A_196 = vector.shape_cast %reduce_max3A_195 : vector<512xf32> to vector<512x1xf32>
    %eq3A_197 = vector.broadcast %broadcast_in_dim3A_196 : vector<512x1xf32> to vector<512x1024xf32>
    %eq3A_198 = arith.cmpf oeq, %select_n3A_193, %eq3A_197 : vector<512x1024xf32>
    %jit3A_199 = arith.constant 2048 : i32
    %broadcast_in_dim3A_200 = vector.broadcast %jit3A_199 : i32 to vector<512x1024xi32>
    %select_n3A_201 = arith.select %eq3A_198, %iota3A, %broadcast_in_dim3A_200 : vector<512x1024xi1>, vector<512x1024xi32>
    %reduce_min3A_202 = arith.constant dense<2147483647> : vector<512xi32>
    %reduce_min3A_203 = vector.multi_reduction <minsi>, %select_n3A_201, %reduce_min3A_202 [1] : vector<512x1024xi32> to vector<512xi32>
    %broadcast_in_dim3A_204 = vector.shape_cast %reduce_min3A_203 : vector<512xi32> to vector<512x1xi32>
    %eq3A_205 = vector.broadcast %broadcast_in_dim3A_204 : vector<512x1xi32> to vector<512x1024xi32>
    %eq3A_206 = arith.cmpi eq, %iota3A, %eq3A_205 : vector<512x1024xi32>
    %jit3A_207 = arith.constant 0xFF800000 : f32
    %broadcast_in_dim3A_208 = vector.broadcast %jit3A_207 : f32 to vector<512x1024xf32>
    %select_n3A_209 = arith.select %eq3A_206, %broadcast_in_dim3A_208, %select_n3A_193 : vector<512x1024xi1>, vector<512x1024xf32>
    %reduce_max3A_210 = arith.constant dense<0xFF800000> : vector<512xf32>
    %reduce_max3A_211 = vector.multi_reduction <maximumf>, %select_n3A_209, %reduce_max3A_210 [1] : vector<512x1024xf32> to vector<512xf32>
    %broadcast_in_dim3A_212 = vector.shape_cast %reduce_max3A_211 : vector<512xf32> to vector<512x1xf32>
    %eq3A_213 = vector.broadcast %broadcast_in_dim3A_212 : vector<512x1xf32> to vector<512x1024xf32>
    %eq3A_214 = arith.cmpf oeq, %select_n3A_209, %eq3A_213 : vector<512x1024xf32>
    %jit3A_215 = arith.constant 2048 : i32
    %broadcast_in_dim3A_216 = vector.broadcast %jit3A_215 : i32 to vector<512x1024xi32>
    %select_n3A_217 = arith.select %eq3A_214, %iota3A, %broadcast_in_dim3A_216 : vector<512x1024xi1>, vector<512x1024xi32>
    %reduce_min3A_218 = arith.constant dense<2147483647> : vector<512xi32>
    %reduce_min3A_219 = vector.multi_reduction <minsi>, %select_n3A_217, %reduce_min3A_218 [1] : vector<512x1024xi32> to vector<512xi32>
    %broadcast_in_dim3A_220 = vector.shape_cast %reduce_min3A_219 : vector<512xi32> to vector<512x1xi32>
    %eq3A_221 = vector.broadcast %broadcast_in_dim3A_220 : vector<512x1xi32> to vector<512x1024xi32>
    %eq3A_222 = arith.cmpi eq, %iota3A, %eq3A_221 : vector<512x1024xi32>
    %jit3A_223 = arith.constant 0xFF800000 : f32
    %broadcast_in_dim3A_224 = vector.broadcast %jit3A_223 : f32 to vector<512x1024xf32>
    %select_n3A_225 = arith.select %eq3A_222, %broadcast_in_dim3A_224, %select_n3A_209 : vector<512x1024xi1>, vector<512x1024xf32>
    %reduce_max3A_226 = arith.constant dense<0xFF800000> : vector<512xf32>
    %reduce_max3A_227 = vector.multi_reduction <maximumf>, %select_n3A_225, %reduce_max3A_226 [1] : vector<512x1024xf32> to vector<512xf32>
    %broadcast_in_dim3A_228 = vector.shape_cast %reduce_max3A_227 : vector<512xf32> to vector<512x1xf32>
    %eq3A_229 = vector.broadcast %broadcast_in_dim3A_228 : vector<512x1xf32> to vector<512x1024xf32>
    %eq3A_230 = arith.cmpf oeq, %select_n3A_225, %eq3A_229 : vector<512x1024xf32>
    %jit3A_231 = arith.constant 2048 : i32
    %broadcast_in_dim3A_232 = vector.broadcast %jit3A_231 : i32 to vector<512x1024xi32>
    %select_n3A_233 = arith.select %eq3A_230, %iota3A, %broadcast_in_dim3A_232 : vector<512x1024xi1>, vector<512x1024xi32>
    %reduce_min3A_234 = arith.constant dense<2147483647> : vector<512xi32>
    %reduce_min3A_235 = vector.multi_reduction <minsi>, %select_n3A_233, %reduce_min3A_234 [1] : vector<512x1024xi32> to vector<512xi32>
    %broadcast_in_dim3A_236 = vector.shape_cast %reduce_min3A_235 : vector<512xi32> to vector<512x1xi32>
    %eq3A_237 = vector.broadcast %broadcast_in_dim3A_236 : vector<512x1xi32> to vector<512x1024xi32>
    %eq3A_238 = arith.cmpi eq, %iota3A, %eq3A_237 : vector<512x1024xi32>
    %jit3A_239 = arith.constant 0xFF800000 : f32
    %broadcast_in_dim3A_240 = vector.broadcast %jit3A_239 : f32 to vector<512x1024xf32>
    %select_n3A_241 = arith.select %eq3A_238, %broadcast_in_dim3A_240, %select_n3A_225 : vector<512x1024xi1>, vector<512x1024xf32>
    %reduce_max3A_242 = arith.constant dense<0xFF800000> : vector<512xf32>
    %reduce_max3A_243 = vector.multi_reduction <maximumf>, %select_n3A_241, %reduce_max3A_242 [1] : vector<512x1024xf32> to vector<512xf32>
    %broadcast_in_dim3A_244 = vector.shape_cast %reduce_max3A_243 : vector<512xf32> to vector<512x1xf32>
    %eq3A_245 = vector.broadcast %broadcast_in_dim3A_244 : vector<512x1xf32> to vector<512x1024xf32>
    %eq3A_246 = arith.cmpf oeq, %select_n3A_241, %eq3A_245 : vector<512x1024xf32>
    %jit3A_247 = arith.constant 2048 : i32
    %broadcast_in_dim3A_248 = vector.broadcast %jit3A_247 : i32 to vector<512x1024xi32>
    %select_n3A_249 = arith.select %eq3A_246, %iota3A, %broadcast_in_dim3A_248 : vector<512x1024xi1>, vector<512x1024xi32>
    %reduce_min3A_250 = arith.constant dense<2147483647> : vector<512xi32>
    %reduce_min3A_251 = vector.multi_reduction <minsi>, %select_n3A_249, %reduce_min3A_250 [1] : vector<512x1024xi32> to vector<512xi32>
    %broadcast_in_dim3A_252 = vector.shape_cast %reduce_min3A_251 : vector<512xi32> to vector<512x1xi32>
    %eq3A_253 = vector.broadcast %broadcast_in_dim3A_252 : vector<512x1xi32> to vector<512x1024xi32>
    %eq3A_254 = arith.cmpi eq, %iota3A, %eq3A_253 : vector<512x1024xi32>
    %jit3A_255 = arith.constant 0xFF800000 : f32
    %broadcast_in_dim3A_256 = vector.broadcast %jit3A_255 : f32 to vector<512x1024xf32>
    %select_n3A_257 = arith.select %eq3A_254, %broadcast_in_dim3A_256, %select_n3A_241 : vector<512x1024xi1>, vector<512x1024xf32>
    %reduce_max3A_258 = arith.constant dense<0xFF800000> : vector<512xf32>
    %reduce_max3A_259 = vector.multi_reduction <maximumf>, %select_n3A_257, %reduce_max3A_258 [1] : vector<512x1024xf32> to vector<512xf32>
    %broadcast_in_dim3A_260 = vector.shape_cast %reduce_max3A_259 : vector<512xf32> to vector<512x1xf32>
    %eq3A_261 = vector.broadcast %broadcast_in_dim3A_260 : vector<512x1xf32> to vector<512x1024xf32>
    %eq3A_262 = arith.cmpf oeq, %select_n3A_257, %eq3A_261 : vector<512x1024xf32>
    %jit3A_263 = arith.constant 2048 : i32
    %broadcast_in_dim3A_264 = vector.broadcast %jit3A_263 : i32 to vector<512x1024xi32>
    %select_n3A_265 = arith.select %eq3A_262, %iota3A, %broadcast_in_dim3A_264 : vector<512x1024xi1>, vector<512x1024xi32>
    %reduce_min3A_266 = arith.constant dense<2147483647> : vector<512xi32>
    %reduce_min3A_267 = vector.multi_reduction <minsi>, %select_n3A_265, %reduce_min3A_266 [1] : vector<512x1024xi32> to vector<512xi32>
    %broadcast_in_dim3A_268 = vector.shape_cast %reduce_min3A_267 : vector<512xi32> to vector<512x1xi32>
    %eq3A_269 = vector.broadcast %broadcast_in_dim3A_268 : vector<512x1xi32> to vector<512x1024xi32>
    %eq3A_270 = arith.cmpi eq, %iota3A, %eq3A_269 : vector<512x1024xi32>
    %jit3A_271 = arith.constant 0xFF800000 : f32
    %broadcast_in_dim3A_272 = vector.broadcast %jit3A_271 : f32 to vector<512x1024xf32>
    %select_n3A_273 = arith.select %eq3A_270, %broadcast_in_dim3A_272, %select_n3A_257 : vector<512x1024xi1>, vector<512x1024xf32>
    %reduce_max3A_274 = arith.constant dense<0xFF800000> : vector<512xf32>
    %reduce_max3A_275 = vector.multi_reduction <maximumf>, %select_n3A_273, %reduce_max3A_274 [1] : vector<512x1024xf32> to vector<512xf32>
    %broadcast_in_dim3A_276 = vector.shape_cast %reduce_max3A_275 : vector<512xf32> to vector<512x1xf32>
    %eq3A_277 = vector.broadcast %broadcast_in_dim3A_276 : vector<512x1xf32> to vector<512x1024xf32>
    %eq3A_278 = arith.cmpf oeq, %select_n3A_273, %eq3A_277 : vector<512x1024xf32>
    %jit3A_279 = arith.constant 2048 : i32
    %broadcast_in_dim3A_280 = vector.broadcast %jit3A_279 : i32 to vector<512x1024xi32>
    %select_n3A_281 = arith.select %eq3A_278, %iota3A, %broadcast_in_dim3A_280 : vector<512x1024xi1>, vector<512x1024xi32>
    %reduce_min3A_282 = arith.constant dense<2147483647> : vector<512xi32>
    %reduce_min3A_283 = vector.multi_reduction <minsi>, %select_n3A_281, %reduce_min3A_282 [1] : vector<512x1024xi32> to vector<512xi32>
    %broadcast_in_dim3A_284 = vector.shape_cast %reduce_min3A_283 : vector<512xi32> to vector<512x1xi32>
    %eq3A_285 = vector.broadcast %broadcast_in_dim3A_284 : vector<512x1xi32> to vector<512x1024xi32>
    %eq3A_286 = arith.cmpi eq, %iota3A, %eq3A_285 : vector<512x1024xi32>
    %jit3A_287 = arith.constant 0xFF800000 : f32
    %broadcast_in_dim3A_288 = vector.broadcast %jit3A_287 : f32 to vector<512x1024xf32>
    %select_n3A_289 = arith.select %eq3A_286, %broadcast_in_dim3A_288, %select_n3A_273 : vector<512x1024xi1>, vector<512x1024xf32>
    %reduce_max3A_290 = arith.constant dense<0xFF800000> : vector<512xf32>
    %reduce_max3A_291 = vector.multi_reduction <maximumf>, %select_n3A_289, %reduce_max3A_290 [1] : vector<512x1024xf32> to vector<512xf32>
    %broadcast_in_dim3A_292 = vector.shape_cast %reduce_max3A_291 : vector<512xf32> to vector<512x1xf32>
    %eq3A_293 = vector.broadcast %broadcast_in_dim3A_292 : vector<512x1xf32> to vector<512x1024xf32>
    %eq3A_294 = arith.cmpf oeq, %select_n3A_289, %eq3A_293 : vector<512x1024xf32>
    %jit3A_295 = arith.constant 2048 : i32
    %broadcast_in_dim3A_296 = vector.broadcast %jit3A_295 : i32 to vector<512x1024xi32>
    %select_n3A_297 = arith.select %eq3A_294, %iota3A, %broadcast_in_dim3A_296 : vector<512x1024xi1>, vector<512x1024xi32>
    %reduce_min3A_298 = arith.constant dense<2147483647> : vector<512xi32>
    %reduce_min3A_299 = vector.multi_reduction <minsi>, %select_n3A_297, %reduce_min3A_298 [1] : vector<512x1024xi32> to vector<512xi32>
    %broadcast_in_dim3A_300 = vector.shape_cast %reduce_min3A_299 : vector<512xi32> to vector<512x1xi32>
    %eq3A_301 = vector.broadcast %broadcast_in_dim3A_300 : vector<512x1xi32> to vector<512x1024xi32>
    %eq3A_302 = arith.cmpi eq, %iota3A, %eq3A_301 : vector<512x1024xi32>
    %jit3A_303 = arith.constant 0xFF800000 : f32
    %broadcast_in_dim3A_304 = vector.broadcast %jit3A_303 : f32 to vector<512x1024xf32>
    %select_n3A_305 = arith.select %eq3A_302, %broadcast_in_dim3A_304, %select_n3A_289 : vector<512x1024xi1>, vector<512x1024xf32>
    %reduce_max3A_306 = arith.constant dense<0xFF800000> : vector<512xf32>
    %reduce_max3A_307 = vector.multi_reduction <maximumf>, %select_n3A_305, %reduce_max3A_306 [1] : vector<512x1024xf32> to vector<512xf32>
    %broadcast_in_dim3A_308 = vector.shape_cast %reduce_max3A_307 : vector<512xf32> to vector<512x1xf32>
    %eq3A_309 = vector.broadcast %broadcast_in_dim3A_308 : vector<512x1xf32> to vector<512x1024xf32>
    %eq3A_310 = arith.cmpf oeq, %select_n3A_305, %eq3A_309 : vector<512x1024xf32>
    %jit3A_311 = arith.constant 2048 : i32
    %broadcast_in_dim3A_312 = vector.broadcast %jit3A_311 : i32 to vector<512x1024xi32>
    %select_n3A_313 = arith.select %eq3A_310, %iota3A, %broadcast_in_dim3A_312 : vector<512x1024xi1>, vector<512x1024xi32>
    %reduce_min3A_314 = arith.constant dense<2147483647> : vector<512xi32>
    %reduce_min3A_315 = vector.multi_reduction <minsi>, %select_n3A_313, %reduce_min3A_314 [1] : vector<512x1024xi32> to vector<512xi32>
    %broadcast_in_dim3A_316 = vector.shape_cast %reduce_min3A_315 : vector<512xi32> to vector<512x1xi32>
    %eq3A_317 = vector.broadcast %broadcast_in_dim3A_316 : vector<512x1xi32> to vector<512x1024xi32>
    %eq3A_318 = arith.cmpi eq, %iota3A, %eq3A_317 : vector<512x1024xi32>
    %jit3A_319 = arith.constant 0xFF800000 : f32
    %broadcast_in_dim3A_320 = vector.broadcast %jit3A_319 : f32 to vector<512x1024xf32>
    %select_n3A_321 = arith.select %eq3A_318, %broadcast_in_dim3A_320, %select_n3A_305 : vector<512x1024xi1>, vector<512x1024xf32>
    %reduce_max3A_322 = arith.constant dense<0xFF800000> : vector<512xf32>
    %reduce_max3A_323 = vector.multi_reduction <maximumf>, %select_n3A_321, %reduce_max3A_322 [1] : vector<512x1024xf32> to vector<512xf32>
    %broadcast_in_dim3A_324 = vector.shape_cast %reduce_max3A_323 : vector<512xf32> to vector<512x1xf32>
    %eq3A_325 = vector.broadcast %broadcast_in_dim3A_324 : vector<512x1xf32> to vector<512x1024xf32>
    %eq3A_326 = arith.cmpf oeq, %select_n3A_321, %eq3A_325 : vector<512x1024xf32>
    %jit3A_327 = arith.constant 2048 : i32
    %broadcast_in_dim3A_328 = vector.broadcast %jit3A_327 : i32 to vector<512x1024xi32>
    %select_n3A_329 = arith.select %eq3A_326, %iota3A, %broadcast_in_dim3A_328 : vector<512x1024xi1>, vector<512x1024xi32>
    %reduce_min3A_330 = arith.constant dense<2147483647> : vector<512xi32>
    %reduce_min3A_331 = vector.multi_reduction <minsi>, %select_n3A_329, %reduce_min3A_330 [1] : vector<512x1024xi32> to vector<512xi32>
    %broadcast_in_dim3A_332 = vector.shape_cast %reduce_min3A_331 : vector<512xi32> to vector<512x1xi32>
    %eq3A_333 = vector.broadcast %broadcast_in_dim3A_332 : vector<512x1xi32> to vector<512x1024xi32>
    %eq3A_334 = arith.cmpi eq, %iota3A, %eq3A_333 : vector<512x1024xi32>
    %jit3A_335 = arith.constant 0xFF800000 : f32
    %broadcast_in_dim3A_336 = vector.broadcast %jit3A_335 : f32 to vector<512x1024xf32>
    %select_n3A_337 = arith.select %eq3A_334, %broadcast_in_dim3A_336, %select_n3A_321 : vector<512x1024xi1>, vector<512x1024xf32>
    %reduce_max3A_338 = arith.constant dense<0xFF800000> : vector<512xf32>
    %reduce_max3A_339 = vector.multi_reduction <maximumf>, %select_n3A_337, %reduce_max3A_338 [1] : vector<512x1024xf32> to vector<512xf32>
    %broadcast_in_dim3A_340 = vector.shape_cast %reduce_max3A_339 : vector<512xf32> to vector<512x1xf32>
    %eq3A_341 = vector.broadcast %broadcast_in_dim3A_340 : vector<512x1xf32> to vector<512x1024xf32>
    %eq3A_342 = arith.cmpf oeq, %select_n3A_337, %eq3A_341 : vector<512x1024xf32>
    %jit3A_343 = arith.constant 2048 : i32
    %broadcast_in_dim3A_344 = vector.broadcast %jit3A_343 : i32 to vector<512x1024xi32>
    %select_n3A_345 = arith.select %eq3A_342, %iota3A, %broadcast_in_dim3A_344 : vector<512x1024xi1>, vector<512x1024xi32>
    %reduce_min3A_346 = arith.constant dense<2147483647> : vector<512xi32>
    %reduce_min3A_347 = vector.multi_reduction <minsi>, %select_n3A_345, %reduce_min3A_346 [1] : vector<512x1024xi32> to vector<512xi32>
    %broadcast_in_dim3A_348 = vector.shape_cast %reduce_min3A_347 : vector<512xi32> to vector<512x1xi32>
    %eq3A_349 = vector.broadcast %broadcast_in_dim3A_348 : vector<512x1xi32> to vector<512x1024xi32>
    %eq3A_350 = arith.cmpi eq, %iota3A, %eq3A_349 : vector<512x1024xi32>
    %jit3A_351 = arith.constant 0xFF800000 : f32
    %broadcast_in_dim3A_352 = vector.broadcast %jit3A_351 : f32 to vector<512x1024xf32>
    %select_n3A_353 = arith.select %eq3A_350, %broadcast_in_dim3A_352, %select_n3A_337 : vector<512x1024xi1>, vector<512x1024xf32>
    %reduce_max3A_354 = arith.constant dense<0xFF800000> : vector<512xf32>
    %reduce_max3A_355 = vector.multi_reduction <maximumf>, %select_n3A_353, %reduce_max3A_354 [1] : vector<512x1024xf32> to vector<512xf32>
    %broadcast_in_dim3A_356 = vector.shape_cast %reduce_max3A_355 : vector<512xf32> to vector<512x1xf32>
    %eq3A_357 = vector.broadcast %broadcast_in_dim3A_356 : vector<512x1xf32> to vector<512x1024xf32>
    %eq3A_358 = arith.cmpf oeq, %select_n3A_353, %eq3A_357 : vector<512x1024xf32>
    %jit3A_359 = arith.constant 2048 : i32
    %broadcast_in_dim3A_360 = vector.broadcast %jit3A_359 : i32 to vector<512x1024xi32>
    %select_n3A_361 = arith.select %eq3A_358, %iota3A, %broadcast_in_dim3A_360 : vector<512x1024xi1>, vector<512x1024xi32>
    %reduce_min3A_362 = arith.constant dense<2147483647> : vector<512xi32>
    %reduce_min3A_363 = vector.multi_reduction <minsi>, %select_n3A_361, %reduce_min3A_362 [1] : vector<512x1024xi32> to vector<512xi32>
    %broadcast_in_dim3A_364 = vector.shape_cast %reduce_min3A_363 : vector<512xi32> to vector<512x1xi32>
    %eq3A_365 = vector.broadcast %broadcast_in_dim3A_364 : vector<512x1xi32> to vector<512x1024xi32>
    %eq3A_366 = arith.cmpi eq, %iota3A, %eq3A_365 : vector<512x1024xi32>
    %jit3A_367 = arith.constant 0xFF800000 : f32
    %broadcast_in_dim3A_368 = vector.broadcast %jit3A_367 : f32 to vector<512x1024xf32>
    %select_n3A_369 = arith.select %eq3A_366, %broadcast_in_dim3A_368, %select_n3A_353 : vector<512x1024xi1>, vector<512x1024xf32>
    %reduce_max3A_370 = arith.constant dense<0xFF800000> : vector<512xf32>
    %reduce_max3A_371 = vector.multi_reduction <maximumf>, %select_n3A_369, %reduce_max3A_370 [1] : vector<512x1024xf32> to vector<512xf32>
    %broadcast_in_dim3A_372 = vector.shape_cast %reduce_max3A_371 : vector<512xf32> to vector<512x1xf32>
    %eq3A_373 = vector.broadcast %broadcast_in_dim3A_372 : vector<512x1xf32> to vector<512x1024xf32>
    %eq3A_374 = arith.cmpf oeq, %select_n3A_369, %eq3A_373 : vector<512x1024xf32>
    %jit3A_375 = arith.constant 2048 : i32
    %broadcast_in_dim3A_376 = vector.broadcast %jit3A_375 : i32 to vector<512x1024xi32>
    %select_n3A_377 = arith.select %eq3A_374, %iota3A, %broadcast_in_dim3A_376 : vector<512x1024xi1>, vector<512x1024xi32>
    %reduce_min3A_378 = arith.constant dense<2147483647> : vector<512xi32>
    %reduce_min3A_379 = vector.multi_reduction <minsi>, %select_n3A_377, %reduce_min3A_378 [1] : vector<512x1024xi32> to vector<512xi32>
    %broadcast_in_dim3A_380 = vector.shape_cast %reduce_min3A_379 : vector<512xi32> to vector<512x1xi32>
    %eq3A_381 = vector.broadcast %broadcast_in_dim3A_380 : vector<512x1xi32> to vector<512x1024xi32>
    %eq3A_382 = arith.cmpi eq, %iota3A, %eq3A_381 : vector<512x1024xi32>
    %jit3A_383 = arith.constant 0xFF800000 : f32
    %broadcast_in_dim3A_384 = vector.broadcast %jit3A_383 : f32 to vector<512x1024xf32>
    %select_n3A_385 = arith.select %eq3A_382, %broadcast_in_dim3A_384, %select_n3A_369 : vector<512x1024xi1>, vector<512x1024xf32>
    %reduce_max3A_386 = arith.constant dense<0xFF800000> : vector<512xf32>
    %reduce_max3A_387 = vector.multi_reduction <maximumf>, %select_n3A_385, %reduce_max3A_386 [1] : vector<512x1024xf32> to vector<512xf32>
    %broadcast_in_dim3A_388 = vector.shape_cast %reduce_max3A_387 : vector<512xf32> to vector<512x1xf32>
    %eq3A_389 = vector.broadcast %broadcast_in_dim3A_388 : vector<512x1xf32> to vector<512x1024xf32>
    %eq3A_390 = arith.cmpf oeq, %select_n3A_385, %eq3A_389 : vector<512x1024xf32>
    %jit3A_391 = arith.constant 2048 : i32
    %broadcast_in_dim3A_392 = vector.broadcast %jit3A_391 : i32 to vector<512x1024xi32>
    %select_n3A_393 = arith.select %eq3A_390, %iota3A, %broadcast_in_dim3A_392 : vector<512x1024xi1>, vector<512x1024xi32>
    %reduce_min3A_394 = arith.constant dense<2147483647> : vector<512xi32>
    %reduce_min3A_395 = vector.multi_reduction <minsi>, %select_n3A_393, %reduce_min3A_394 [1] : vector<512x1024xi32> to vector<512xi32>
    %broadcast_in_dim3A_396 = vector.shape_cast %reduce_min3A_395 : vector<512xi32> to vector<512x1xi32>
    %eq3A_397 = vector.broadcast %broadcast_in_dim3A_396 : vector<512x1xi32> to vector<512x1024xi32>
    %eq3A_398 = arith.cmpi eq, %iota3A, %eq3A_397 : vector<512x1024xi32>
    %jit3A_399 = arith.constant 0xFF800000 : f32
    %broadcast_in_dim3A_400 = vector.broadcast %jit3A_399 : f32 to vector<512x1024xf32>
    %select_n3A_401 = arith.select %eq3A_398, %broadcast_in_dim3A_400, %select_n3A_385 : vector<512x1024xi1>, vector<512x1024xf32>
    %reduce_max3A_402 = arith.constant dense<0xFF800000> : vector<512xf32>
    %reduce_max3A_403 = vector.multi_reduction <maximumf>, %select_n3A_401, %reduce_max3A_402 [1] : vector<512x1024xf32> to vector<512xf32>
    %broadcast_in_dim3A_404 = vector.shape_cast %reduce_max3A_403 : vector<512xf32> to vector<512x1xf32>
    %eq3A_405 = vector.broadcast %broadcast_in_dim3A_404 : vector<512x1xf32> to vector<512x1024xf32>
    %eq3A_406 = arith.cmpf oeq, %select_n3A_401, %eq3A_405 : vector<512x1024xf32>
    %jit3A_407 = arith.constant 2048 : i32
    %broadcast_in_dim3A_408 = vector.broadcast %jit3A_407 : i32 to vector<512x1024xi32>
    %select_n3A_409 = arith.select %eq3A_406, %iota3A, %broadcast_in_dim3A_408 : vector<512x1024xi1>, vector<512x1024xi32>
    %reduce_min3A_410 = arith.constant dense<2147483647> : vector<512xi32>
    %reduce_min3A_411 = vector.multi_reduction <minsi>, %select_n3A_409, %reduce_min3A_410 [1] : vector<512x1024xi32> to vector<512xi32>
    %broadcast_in_dim3A_412 = vector.shape_cast %reduce_min3A_411 : vector<512xi32> to vector<512x1xi32>
    %eq3A_413 = vector.broadcast %broadcast_in_dim3A_412 : vector<512x1xi32> to vector<512x1024xi32>
    %eq3A_414 = arith.cmpi eq, %iota3A, %eq3A_413 : vector<512x1024xi32>
    %jit3A_415 = arith.constant 0xFF800000 : f32
    %broadcast_in_dim3A_416 = vector.broadcast %jit3A_415 : f32 to vector<512x1024xf32>
    %select_n3A_417 = arith.select %eq3A_414, %broadcast_in_dim3A_416, %select_n3A_401 : vector<512x1024xi1>, vector<512x1024xf32>
    %reduce_max3A_418 = arith.constant dense<0xFF800000> : vector<512xf32>
    %reduce_max3A_419 = vector.multi_reduction <maximumf>, %select_n3A_417, %reduce_max3A_418 [1] : vector<512x1024xf32> to vector<512xf32>
    %broadcast_in_dim3A_420 = vector.shape_cast %reduce_max3A_419 : vector<512xf32> to vector<512x1xf32>
    %eq3A_421 = vector.broadcast %broadcast_in_dim3A_420 : vector<512x1xf32> to vector<512x1024xf32>
    %eq3A_422 = arith.cmpf oeq, %select_n3A_417, %eq3A_421 : vector<512x1024xf32>
    %jit3A_423 = arith.constant 2048 : i32
    %broadcast_in_dim3A_424 = vector.broadcast %jit3A_423 : i32 to vector<512x1024xi32>
    %select_n3A_425 = arith.select %eq3A_422, %iota3A, %broadcast_in_dim3A_424 : vector<512x1024xi1>, vector<512x1024xi32>
    %reduce_min3A_426 = arith.constant dense<2147483647> : vector<512xi32>
    %reduce_min3A_427 = vector.multi_reduction <minsi>, %select_n3A_425, %reduce_min3A_426 [1] : vector<512x1024xi32> to vector<512xi32>
    %broadcast_in_dim3A_428 = vector.shape_cast %reduce_min3A_427 : vector<512xi32> to vector<512x1xi32>
    %eq3A_429 = vector.broadcast %broadcast_in_dim3A_428 : vector<512x1xi32> to vector<512x1024xi32>
    %eq3A_430 = arith.cmpi eq, %iota3A, %eq3A_429 : vector<512x1024xi32>
    %jit3A_431 = arith.constant 0xFF800000 : f32
    %broadcast_in_dim3A_432 = vector.broadcast %jit3A_431 : f32 to vector<512x1024xf32>
    %select_n3A_433 = arith.select %eq3A_430, %broadcast_in_dim3A_432, %select_n3A_417 : vector<512x1024xi1>, vector<512x1024xf32>
    %reduce_max3A_434 = arith.constant dense<0xFF800000> : vector<512xf32>
    %reduce_max3A_435 = vector.multi_reduction <maximumf>, %select_n3A_433, %reduce_max3A_434 [1] : vector<512x1024xf32> to vector<512xf32>
    %broadcast_in_dim3A_436 = vector.shape_cast %reduce_max3A_435 : vector<512xf32> to vector<512x1xf32>
    %eq3A_437 = vector.broadcast %broadcast_in_dim3A_436 : vector<512x1xf32> to vector<512x1024xf32>
    %eq3A_438 = arith.cmpf oeq, %select_n3A_433, %eq3A_437 : vector<512x1024xf32>
    %jit3A_439 = arith.constant 2048 : i32
    %broadcast_in_dim3A_440 = vector.broadcast %jit3A_439 : i32 to vector<512x1024xi32>
    %select_n3A_441 = arith.select %eq3A_438, %iota3A, %broadcast_in_dim3A_440 : vector<512x1024xi1>, vector<512x1024xi32>
    %reduce_min3A_442 = arith.constant dense<2147483647> : vector<512xi32>
    %reduce_min3A_443 = vector.multi_reduction <minsi>, %select_n3A_441, %reduce_min3A_442 [1] : vector<512x1024xi32> to vector<512xi32>
    %broadcast_in_dim3A_444 = vector.shape_cast %reduce_min3A_443 : vector<512xi32> to vector<512x1xi32>
    %eq3A_445 = vector.broadcast %broadcast_in_dim3A_444 : vector<512x1xi32> to vector<512x1024xi32>
    %eq3A_446 = arith.cmpi eq, %iota3A, %eq3A_445 : vector<512x1024xi32>
    %jit3A_447 = arith.constant 0xFF800000 : f32
    %broadcast_in_dim3A_448 = vector.broadcast %jit3A_447 : f32 to vector<512x1024xf32>
    %select_n3A_449 = arith.select %eq3A_446, %broadcast_in_dim3A_448, %select_n3A_433 : vector<512x1024xi1>, vector<512x1024xf32>
    %reduce_max3A_450 = arith.constant dense<0xFF800000> : vector<512xf32>
    %reduce_max3A_451 = vector.multi_reduction <maximumf>, %select_n3A_449, %reduce_max3A_450 [1] : vector<512x1024xf32> to vector<512xf32>
    %broadcast_in_dim3A_452 = vector.shape_cast %reduce_max3A_451 : vector<512xf32> to vector<512x1xf32>
    %eq3A_453 = vector.broadcast %broadcast_in_dim3A_452 : vector<512x1xf32> to vector<512x1024xf32>
    %eq3A_454 = arith.cmpf oeq, %select_n3A_449, %eq3A_453 : vector<512x1024xf32>
    %jit3A_455 = arith.constant 2048 : i32
    %broadcast_in_dim3A_456 = vector.broadcast %jit3A_455 : i32 to vector<512x1024xi32>
    %select_n3A_457 = arith.select %eq3A_454, %iota3A, %broadcast_in_dim3A_456 : vector<512x1024xi1>, vector<512x1024xi32>
    %reduce_min3A_458 = arith.constant dense<2147483647> : vector<512xi32>
    %reduce_min3A_459 = vector.multi_reduction <minsi>, %select_n3A_457, %reduce_min3A_458 [1] : vector<512x1024xi32> to vector<512xi32>
    %broadcast_in_dim3A_460 = vector.shape_cast %reduce_min3A_459 : vector<512xi32> to vector<512x1xi32>
    %eq3A_461 = vector.broadcast %broadcast_in_dim3A_460 : vector<512x1xi32> to vector<512x1024xi32>
    %eq3A_462 = arith.cmpi eq, %iota3A, %eq3A_461 : vector<512x1024xi32>
    %jit3A_463 = arith.constant 0xFF800000 : f32
    %broadcast_in_dim3A_464 = vector.broadcast %jit3A_463 : f32 to vector<512x1024xf32>
    %select_n3A_465 = arith.select %eq3A_462, %broadcast_in_dim3A_464, %select_n3A_449 : vector<512x1024xi1>, vector<512x1024xf32>
    %reduce_max3A_466 = arith.constant dense<0xFF800000> : vector<512xf32>
    %reduce_max3A_467 = vector.multi_reduction <maximumf>, %select_n3A_465, %reduce_max3A_466 [1] : vector<512x1024xf32> to vector<512xf32>
    %broadcast_in_dim3A_468 = vector.shape_cast %reduce_max3A_467 : vector<512xf32> to vector<512x1xf32>
    %eq3A_469 = vector.broadcast %broadcast_in_dim3A_468 : vector<512x1xf32> to vector<512x1024xf32>
    %eq3A_470 = arith.cmpf oeq, %select_n3A_465, %eq3A_469 : vector<512x1024xf32>
    %jit3A_471 = arith.constant 2048 : i32
    %broadcast_in_dim3A_472 = vector.broadcast %jit3A_471 : i32 to vector<512x1024xi32>
    %select_n3A_473 = arith.select %eq3A_470, %iota3A, %broadcast_in_dim3A_472 : vector<512x1024xi1>, vector<512x1024xi32>
    %reduce_min3A_474 = arith.constant dense<2147483647> : vector<512xi32>
    %reduce_min3A_475 = vector.multi_reduction <minsi>, %select_n3A_473, %reduce_min3A_474 [1] : vector<512x1024xi32> to vector<512xi32>
    %broadcast_in_dim3A_476 = vector.shape_cast %reduce_min3A_475 : vector<512xi32> to vector<512x1xi32>
    %eq3A_477 = vector.broadcast %broadcast_in_dim3A_476 : vector<512x1xi32> to vector<512x1024xi32>
    %eq3A_478 = arith.cmpi eq, %iota3A, %eq3A_477 : vector<512x1024xi32>
    %jit3A_479 = arith.constant 0xFF800000 : f32
    %broadcast_in_dim3A_480 = vector.broadcast %jit3A_479 : f32 to vector<512x1024xf32>
    %select_n3A_481 = arith.select %eq3A_478, %broadcast_in_dim3A_480, %select_n3A_465 : vector<512x1024xi1>, vector<512x1024xf32>
    %reduce_max3A_482 = arith.constant dense<0xFF800000> : vector<512xf32>
    %reduce_max3A_483 = vector.multi_reduction <maximumf>, %select_n3A_481, %reduce_max3A_482 [1] : vector<512x1024xf32> to vector<512xf32>
    %broadcast_in_dim3A_484 = vector.shape_cast %reduce_max3A_483 : vector<512xf32> to vector<512x1xf32>
    %eq3A_485 = vector.broadcast %broadcast_in_dim3A_484 : vector<512x1xf32> to vector<512x1024xf32>
    %eq3A_486 = arith.cmpf oeq, %select_n3A_481, %eq3A_485 : vector<512x1024xf32>
    %jit3A_487 = arith.constant 2048 : i32
    %broadcast_in_dim3A_488 = vector.broadcast %jit3A_487 : i32 to vector<512x1024xi32>
    %select_n3A_489 = arith.select %eq3A_486, %iota3A, %broadcast_in_dim3A_488 : vector<512x1024xi1>, vector<512x1024xi32>
    %reduce_min3A_490 = arith.constant dense<2147483647> : vector<512xi32>
    %reduce_min3A_491 = vector.multi_reduction <minsi>, %select_n3A_489, %reduce_min3A_490 [1] : vector<512x1024xi32> to vector<512xi32>
    %broadcast_in_dim3A_492 = vector.shape_cast %reduce_min3A_491 : vector<512xi32> to vector<512x1xi32>
    %eq3A_493 = vector.broadcast %broadcast_in_dim3A_492 : vector<512x1xi32> to vector<512x1024xi32>
    %eq3A_494 = arith.cmpi eq, %iota3A, %eq3A_493 : vector<512x1024xi32>
    %jit3A_495 = arith.constant 0xFF800000 : f32
    %broadcast_in_dim3A_496 = vector.broadcast %jit3A_495 : f32 to vector<512x1024xf32>
    %select_n3A_497 = arith.select %eq3A_494, %broadcast_in_dim3A_496, %select_n3A_481 : vector<512x1024xi1>, vector<512x1024xf32>
    %reduce_max3A_498 = arith.constant dense<0xFF800000> : vector<512xf32>
    %reduce_max3A_499 = vector.multi_reduction <maximumf>, %select_n3A_497, %reduce_max3A_498 [1] : vector<512x1024xf32> to vector<512xf32>
    %broadcast_in_dim3A_500 = vector.shape_cast %reduce_max3A_499 : vector<512xf32> to vector<512x1xf32>
    %eq3A_501 = vector.broadcast %broadcast_in_dim3A_500 : vector<512x1xf32> to vector<512x1024xf32>
    %eq3A_502 = arith.cmpf oeq, %select_n3A_497, %eq3A_501 : vector<512x1024xf32>
    %jit3A_503 = arith.constant 2048 : i32
    %broadcast_in_dim3A_504 = vector.broadcast %jit3A_503 : i32 to vector<512x1024xi32>
    %select_n3A_505 = arith.select %eq3A_502, %iota3A, %broadcast_in_dim3A_504 : vector<512x1024xi1>, vector<512x1024xi32>
    %reduce_min3A_506 = arith.constant dense<2147483647> : vector<512xi32>
    %reduce_min3A_507 = vector.multi_reduction <minsi>, %select_n3A_505, %reduce_min3A_506 [1] : vector<512x1024xi32> to vector<512xi32>
    %broadcast_in_dim3A_508 = vector.shape_cast %reduce_min3A_507 : vector<512xi32> to vector<512x1xi32>
    %eq3A_509 = vector.broadcast %broadcast_in_dim3A_508 : vector<512x1xi32> to vector<512x1024xi32>
    %eq3A_510 = arith.cmpi eq, %iota3A, %eq3A_509 : vector<512x1024xi32>
    %jit3A_511 = arith.constant 0xFF800000 : f32
    %broadcast_in_dim3A_512 = vector.broadcast %jit3A_511 : f32 to vector<512x1024xf32>
    %select_n3A_513 = arith.select %eq3A_510, %broadcast_in_dim3A_512, %select_n3A_497 : vector<512x1024xi1>, vector<512x1024xf32>
    %reduce_max3A_514 = arith.constant dense<0xFF800000> : vector<512xf32>
    %reduce_max3A_515 = vector.multi_reduction <maximumf>, %select_n3A_513, %reduce_max3A_514 [1] : vector<512x1024xf32> to vector<512xf32>
    %broadcast_in_dim3A_516 = vector.shape_cast %reduce_max3A_515 : vector<512xf32> to vector<512x1xf32>
    %eq3A_517 = vector.broadcast %broadcast_in_dim3A_516 : vector<512x1xf32> to vector<512x1024xf32>
    %eq3A_518 = arith.cmpf oeq, %select_n3A_513, %eq3A_517 : vector<512x1024xf32>
    %jit3A_519 = arith.constant 2048 : i32
    %broadcast_in_dim3A_520 = vector.broadcast %jit3A_519 : i32 to vector<512x1024xi32>
    %select_n3A_521 = arith.select %eq3A_518, %iota3A, %broadcast_in_dim3A_520 : vector<512x1024xi1>, vector<512x1024xi32>
    %reduce_min3A_522 = arith.constant dense<2147483647> : vector<512xi32>
    %reduce_min3A_523 = vector.multi_reduction <minsi>, %select_n3A_521, %reduce_min3A_522 [1] : vector<512x1024xi32> to vector<512xi32>
    %broadcast_in_dim3A_524 = vector.shape_cast %reduce_min3A_523 : vector<512xi32> to vector<512x1xi32>
    %concatenate3A = tpu.concatenate %broadcast_in_dim3A_28, %broadcast_in_dim3A_44, %broadcast_in_dim3A_60, %broadcast_in_dim3A_76, %broadcast_in_dim3A_92, %broadcast_in_dim3A_108, %broadcast_in_dim3A_124, %broadcast_in_dim3A_140, %broadcast_in_dim3A_156, %broadcast_in_dim3A_172, %broadcast_in_dim3A_188, %broadcast_in_dim3A_204, %broadcast_in_dim3A_220, %broadcast_in_dim3A_236, %broadcast_in_dim3A_252, %broadcast_in_dim3A_268, %broadcast_in_dim3A_284, %broadcast_in_dim3A_300, %broadcast_in_dim3A_316, %broadcast_in_dim3A_332, %broadcast_in_dim3A_348, %broadcast_in_dim3A_364, %broadcast_in_dim3A_380, %broadcast_in_dim3A_396, %broadcast_in_dim3A_412, %broadcast_in_dim3A_428, %broadcast_in_dim3A_444, %broadcast_in_dim3A_460, %broadcast_in_dim3A_476, %broadcast_in_dim3A_492, %broadcast_in_dim3A_508, %broadcast_in_dim3A_524 in 1 : vector<512x1xi32>, vector<512x1xi32>, vector<512x1xi32>, vector<512x1xi32>, vector<512x1xi32>, vector<512x1xi32>, vector<512x1xi32>, vector<512x1xi32>, vector<512x1xi32>, vector<512x1xi32>, vector<512x1xi32>, vector<512x1xi32>, vector<512x1xi32>, vector<512x1xi32>, vector<512x1xi32>, vector<512x1xi32>, vector<512x1xi32>, vector<512x1xi32>, vector<512x1xi32>, vector<512x1xi32>, vector<512x1xi32>, vector<512x1xi32>, vector<512x1xi32>, vector<512x1xi32>, vector<512x1xi32>, vector<512x1xi32>, vector<512x1xi32>, vector<512x1xi32>, vector<512x1xi32>, vector<512x1xi32>, vector<512x1xi32>, vector<512x1xi32> -> vector<512x32xi32>
    %mul3A_525 = arith.constant 1024 : i32
    %mul3A_526 = arith.muli %arg0, %mul3A_525 : i32
    %add3A_527 = vector.broadcast %mul3A_526 : i32 to vector<512x32xi32>
    %add3A_528 = arith.addi %concatenate3A, %add3A_527 : vector<512x32xi32>
    %swap3A = arith.constant 0 : index
    %swap3A_529 = arith.constant 0 : index
    %swap3A_530 = vector.load %arg6[%swap3A, %swap3A_529] : memref<512x32xi32, #tpu.memory_space<vmem>>, vector<512x32xi32>
    tpu.vector_store %arg6[%swap3A, %swap3A_529], %add3A_528 {strides = array<i32>} : memref<512x32xi32, #tpu.memory_space<vmem>>, vector<512x32xi32>,
    return
  }
  func.func @transform_0(%arg0: i32, %arg1: i32) -> (i32, i32, i32) {
    %c0_i32 = arith.constant 0 : i32
    %c0_i32_0 = arith.constant 0 : i32
    %c0_i32_1 = arith.constant 0 : i32
    return %arg0, %c0_i32, %c0_i32_0 : i32, i32, i32
  }
  func.func @transform_1(%arg0: i32, %arg1: i32) -> (i32, i32, i32) {
    %c0_i32 = arith.constant 0 : i32
    %c0_i32_0 = arith.constant 0 : i32
    return %arg0, %arg1, %c0_i32 : i32, i32, i32
  }
  func.func @transform_2(%arg0: i32, %arg1: i32) -> (i32, i32, i32) {
    %c0_i32 = arith.constant 0 : i32
    %c0_i32_0 = arith.constant 0 : i32
    %c0_i32_1 = arith.constant 0 : i32
    return %arg0, %c0_i32, %c0_i32_0 : i32, i32, i32
  }
  func.func @transform_3(%arg0: i32, %arg1: i32) -> (i32, i32) {
    %mul3A = arith.constant 2 : i32
    %mul3A_0 = arith.muli %arg0, %mul3A : i32
    %add3A = arith.addi %mul3A_0, %arg1 : i32
    %c0_i32 = arith.constant 0 : i32
    %c0_i32_1 = arith.constant 0 : i32
    return %add3A, %c0_i32 : i32, i32
  }
  func.func @transform_4(%arg0: i32, %arg1: i32) -> (i32, i32) {
    %mul3A = arith.constant 2 : i32
    %mul3A_0 = arith.muli %arg0, %mul3A : i32
    %add3A = arith.addi %mul3A_0, %arg1 : i32
    %c0_i32 = arith.constant 0 : i32
    %c0_i32_1 = arith.constant 0 : i32
    return %add3A, %c0_i32 : i32, i32
  }
}

module attributes {stable_mosaic.version = 14 : i64} {
  func.func @_p1_body(%arg0: i32, %arg1: i32, %arg2: memref<4096x64xf32, #tpu.memory_space<vmem>>, %arg3: memref<4096x64xf32, #tpu.memory_space<vmem>>, %arg4: memref<128x128xf32, #tpu.memory_space<vmem>>, %arg5: memref<1x128xf32, #tpu.memory_space<vmem>>, %arg6: memref<128x128xf32, #tpu.memory_space<vmem>>, %arg7: memref<128x128xf32, #tpu.memory_space<vmem>>) attributes {dimension_semantics = [#tpu.dimension_semantics<arbitrary>, #tpu.dimension_semantics<arbitrary>], iteration_bounds = array<i64: 8, 8>, scalar_prefetch = 0 : i64, scratch_operands = 0 : i64, tpu.core_type = #tpu.core_type<tc>, window_params = [{transform_indices = @transform_0, window_bounds = array<i64: 4096, 64>}, {transform_indices = @transform_1, window_bounds = array<i64: 4096, 64>}, {pipeline_mode = #tpu.pipeline_mode<synchronous>, transform_indices = @transform_2, window_bounds = array<i64: 128, 128>}, {pipeline_mode = #tpu.pipeline_mode<synchronous>, transform_indices = @transform_3, window_bounds = array<i64: 1, 128>}, {transform_indices = @transform_4, window_bounds = array<i64: 128, 128>}, {transform_indices = @transform_5, window_bounds = array<i64: 128, 128>}]} {
    %get3A = arith.constant 0 : index
    %get3A_0 = arith.constant 0 : index
    %get3A_1 = vector.load %arg2[%get3A, %get3A_0] : memref<4096x64xf32, #tpu.memory_space<vmem>>, vector<4096x64xf32>
    %get3A_2 = arith.constant 0 : index
    %get3A_3 = arith.constant 0 : index
    %get3A_4 = vector.load %arg3[%get3A_2, %get3A_3] : memref<4096x64xf32, #tpu.memory_space<vmem>>, vector<4096x64xf32>
    %sub3A = arith.subf %get3A_1, %get3A_4 : vector<4096x64xf32>
    %concatenate3A = tpu.concatenate %get3A_1, %sub3A in 1 : vector<4096x64xf32>, vector<4096x64xf32> -> vector<4096x128xf32>
    %get3A_5 = arith.constant 0 : index
    %get3A_6 = arith.constant 0 : index
    %get3A_7 = vector.load %arg4[%get3A_5, %get3A_6] : memref<128x128xf32, #tpu.memory_space<vmem>>, vector<128x128xf32>
    %dot_general3A = arith.constant dense<0.000000e+00> : vector<4096x128xf32>
    %dot_general3A_8 = tpu.matmul %concatenate3A, %get3A_7, %dot_general3A {dimension_numbers = #tpu.dot_dimension_numbers<[1], [1], [0], [0], [0, 0, 1, 0], [], []>, transpose_lhs_hint = false} : vector<4096x128xf32>, vector<128x128xf32>, vector<4096x128xf32> -> vector<4096x128xf32>
    %get3A_9 = arith.constant 0 : index
    %get3A_10 = arith.constant 0 : index
    %get3A_11 = vector.load %arg5[%get3A_9, %get3A_10] : memref<1x128xf32, #tpu.memory_space<vmem>>, vector<1x128xf32>
    %add3A = vector.broadcast %get3A_11 : vector<1x128xf32> to vector<4096x128xf32>
    %add3A_12 = arith.addf %dot_general3A_8, %add3A : vector<4096x128xf32>
    %reshape3A = vector.shape_cast %add3A_12 : vector<4096x128xf32> to vector<128x32x128xf32>
    %reduce_sum3A = arith.constant dense<0.000000e+00> : vector<128x128xf32>
    %reduce_sum3A_13 = vector.multi_reduction <add>, %reshape3A, %reduce_sum3A [1] : vector<128x32x128xf32> to vector<128x128xf32>
    %mul3A = arith.mulf %reshape3A, %reshape3A : vector<128x32x128xf32>
    %reduce_sum3A_14 = arith.constant dense<0.000000e+00> : vector<128x128xf32>
    %reduce_sum3A_15 = vector.multi_reduction <add>, %mul3A, %reduce_sum3A_14 [1] : vector<128x32x128xf32> to vector<128x128xf32>
    %eq3A = arith.constant 0 : i32
    %eq3A_16 = arith.cmpi eq, %arg1, %eq3A : i32
    %convert_element_type3A = arith.extui %eq3A_16 : i1 to i32
    %cond3A = arith.constant 0 : i32
    %cond3A_17 = arith.cmpi ne, %convert_element_type3A, %cond3A : i32
    scf.if %cond3A_17 {
      %swap3A = arith.constant 0 : index
      %swap3A_22 = arith.constant 0 : index
      %swap3A_23 = vector.load %arg6[%swap3A, %swap3A_22] : memref<128x128xf32, #tpu.memory_space<vmem>>, vector<128x128xf32>
      tpu.vector_store %arg6[%swap3A, %swap3A_22], %reduce_sum3A_13 {strides = array<i32>} : memref<128x128xf32, #tpu.memory_space<vmem>>, vector<128x128xf32>,
      %swap3A_24 = arith.constant 0 : index
      %swap3A_25 = arith.constant 0 : index
      %swap3A_26 = vector.load %arg7[%swap3A_24, %swap3A_25] : memref<128x128xf32, #tpu.memory_space<vmem>>, vector<128x128xf32>
      tpu.vector_store %arg7[%swap3A_24, %swap3A_25], %reduce_sum3A_15 {strides = array<i32>} : memref<128x128xf32, #tpu.memory_space<vmem>>, vector<128x128xf32>,
    } else {
    }
    %gt3A = arith.constant 0 : i32
    %gt3A_18 = arith.cmpi sgt, %arg1, %gt3A : i32
    %convert_element_type3A_19 = arith.extui %gt3A_18 : i1 to i32
    %cond3A_20 = arith.constant 0 : i32
    %cond3A_21 = arith.cmpi ne, %convert_element_type3A_19, %cond3A_20 : i32
    scf.if %cond3A_21 {
      %get3A_22 = arith.constant 0 : index
      %get3A_23 = arith.constant 0 : index
      %get3A_24 = vector.load %arg6[%get3A_22, %get3A_23] : memref<128x128xf32, #tpu.memory_space<vmem>>, vector<128x128xf32>
      %add3A_25 = arith.addf %get3A_24, %reduce_sum3A_13 : vector<128x128xf32>
      %swap3A = arith.constant 0 : index
      %swap3A_26 = arith.constant 0 : index
      %swap3A_27 = vector.load %arg6[%swap3A, %swap3A_26] : memref<128x128xf32, #tpu.memory_space<vmem>>, vector<128x128xf32>
      tpu.vector_store %arg6[%swap3A, %swap3A_26], %add3A_25 {strides = array<i32>} : memref<128x128xf32, #tpu.memory_space<vmem>>, vector<128x128xf32>,
      %get3A_28 = arith.constant 0 : index
      %get3A_29 = arith.constant 0 : index
      %get3A_30 = vector.load %arg7[%get3A_28, %get3A_29] : memref<128x128xf32, #tpu.memory_space<vmem>>, vector<128x128xf32>
      %add3A_31 = arith.addf %get3A_30, %reduce_sum3A_15 : vector<128x128xf32>
      %swap3A_32 = arith.constant 0 : index
      %swap3A_33 = arith.constant 0 : index
      %swap3A_34 = vector.load %arg7[%swap3A_32, %swap3A_33] : memref<128x128xf32, #tpu.memory_space<vmem>>, vector<128x128xf32>
      tpu.vector_store %arg7[%swap3A_32, %swap3A_33], %add3A_31 {strides = array<i32>} : memref<128x128xf32, #tpu.memory_space<vmem>>, vector<128x128xf32>,
    } else {
    }
    return
  }
  func.func @transform_0(%arg0: i32, %arg1: i32) -> (i32, i32) {
    %jit3A = arith.constant 2 : i32
    %eq3A = arith.constant 0 : i32
    %eq3A_0 = arith.cmpi eq, %jit3A, %eq3A : i32
    %jit3A_1 = arith.constant 1 : i32
    %select_n3A = arith.select %eq3A_0, %jit3A_1, %jit3A : i32
    %rem3A = arith.remsi %arg0, %select_n3A : i32
    %ne3A = arith.constant 0 : i32
    %ne3A_2 = arith.cmpi ne, %rem3A, %ne3A : i32
    %lt3A = arith.constant 0 : i32
    %lt3A_3 = arith.cmpi slt, %rem3A, %lt3A : i32
    %lt3A_4 = arith.constant 0 : i32
    %lt3A_5 = arith.cmpi slt, %select_n3A, %lt3A_4 : i32
    %ne3A_6 = arith.xori %lt3A_3, %lt3A_5 : i1
    %and3A = arith.andi %ne3A_6, %ne3A_2 : i1
    %add3A = arith.addi %rem3A, %select_n3A : i32
    %select_n3A_7 = arith.select %and3A, %add3A, %rem3A : i32
    %c0_i32 = arith.constant 0 : i32
    %c0_i32_8 = arith.constant 0 : i32
    return %select_n3A_7, %c0_i32 : i32, i32
  }
  func.func @transform_1(%arg0: i32, %arg1: i32) -> (i32, i32) {
    %mul3A = arith.constant 8 : i32
    %mul3A_0 = arith.muli %arg1, %mul3A : i32
    %add3A = arith.addi %mul3A_0, %arg0 : i32
    %c0_i32 = arith.constant 0 : i32
    %c0_i32_1 = arith.constant 0 : i32
    return %add3A, %c0_i32 : i32, i32
  }
  func.func @transform_2(%arg0: i32, %arg1: i32) -> (i32, i32) {
    %c0_i32 = arith.constant 0 : i32
    %c0_i32_0 = arith.constant 0 : i32
    %c0_i32_1 = arith.constant 0 : i32
    return %c0_i32, %c0_i32_0 : i32, i32
  }
  func.func @transform_3(%arg0: i32, %arg1: i32) -> (i32, i32) {
    %c0_i32 = arith.constant 0 : i32
    %c0_i32_0 = arith.constant 0 : i32
    %c0_i32_1 = arith.constant 0 : i32
    return %c0_i32, %c0_i32_0 : i32, i32
  }
  func.func @transform_4(%arg0: i32, %arg1: i32) -> (i32, i32) {
    %c0_i32 = arith.constant 0 : i32
    %c0_i32_0 = arith.constant 0 : i32
    return %arg0, %c0_i32 : i32, i32
  }
  func.func @transform_5(%arg0: i32, %arg1: i32) -> (i32, i32) {
    %c0_i32 = arith.constant 0 : i32
    %c0_i32_0 = arith.constant 0 : i32
    return %arg0, %c0_i32 : i32, i32
  }
}

module attributes {stable_mosaic.version = 14 : i64} {
  func.func @_p2_body(%arg0: i32, %arg1: i32, %arg2: memref<4096x64xf32, #tpu.memory_space<vmem>>, %arg3: memref<4096x64xf32, #tpu.memory_space<vmem>>, %arg4: memref<128x128xf32, #tpu.memory_space<vmem>>, %arg5: memref<1x128xf32, #tpu.memory_space<vmem>>, %arg6: memref<128x128xf32, #tpu.memory_space<vmem>>, %arg7: memref<128x128xf32, #tpu.memory_space<vmem>>, %arg8: memref<128x1xf32, #tpu.memory_space<vmem>>, %arg9: memref<128x1xf32, #tpu.memory_space<vmem>>, %arg10: memref<128x128xf32, #tpu.memory_space<vmem>>, %arg11: memref<1x128xf32, #tpu.memory_space<vmem>>, %arg12: memref<4096x128xf32, #tpu.memory_space<vmem>>, %arg13: memref<128x128xf32, #tpu.memory_space<vmem>>, %arg14: memref<128x128xf32, #tpu.memory_space<vmem>>) attributes {dimension_semantics = [#tpu.dimension_semantics<arbitrary>, #tpu.dimension_semantics<arbitrary>], iteration_bounds = array<i64: 8, 8>, scalar_prefetch = 0 : i64, scratch_operands = 0 : i64, tpu.core_type = #tpu.core_type<tc>, window_params = [{transform_indices = @transform_0, window_bounds = array<i64: 4096, 64>}, {transform_indices = @transform_1, window_bounds = array<i64: 4096, 64>}, {pipeline_mode = #tpu.pipeline_mode<synchronous>, transform_indices = @transform_2, window_bounds = array<i64: 128, 128>}, {pipeline_mode = #tpu.pipeline_mode<synchronous>, transform_indices = @transform_3, window_bounds = array<i64: 1, 128>}, {transform_indices = @transform_4, window_bounds = array<i64: 128, 128>}, {transform_indices = @transform_5, window_bounds = array<i64: 128, 128>}, {transform_indices = @transform_6, window_bounds = array<i64: 128, 1>}, {transform_indices = @transform_7, window_bounds = array<i64: 128, 1>}, {pipeline_mode = #tpu.pipeline_mode<synchronous>, transform_indices = @transform_8, window_bounds = array<i64: 128, 128>}, {pipeline_mode = #tpu.pipeline_mode<synchronous>, transform_indices = @transform_9, window_bounds = array<i64: 1, 128>}, {transform_indices = @transform_10, window_bounds = array<i64: 4096, 128>}, {transform_indices = @transform_11, window_bounds = array<i64: 128, 128>}, {transform_indices = @transform_12, window_bounds = array<i64: 128, 128>}]} {
    %get3A = arith.constant 0 : index
    %get3A_0 = arith.constant 0 : index
    %get3A_1 = vector.load %arg2[%get3A, %get3A_0] : memref<4096x64xf32, #tpu.memory_space<vmem>>, vector<4096x64xf32>
    %get3A_2 = arith.constant 0 : index
    %get3A_3 = arith.constant 0 : index
    %get3A_4 = vector.load %arg3[%get3A_2, %get3A_3] : memref<4096x64xf32, #tpu.memory_space<vmem>>, vector<4096x64xf32>
    %sub3A = arith.subf %get3A_1, %get3A_4 : vector<4096x64xf32>
    %concatenate3A = tpu.concatenate %get3A_1, %sub3A in 1 : vector<4096x64xf32>, vector<4096x64xf32> -> vector<4096x128xf32>
    %get3A_5 = arith.constant 0 : index
    %get3A_6 = arith.constant 0 : index
    %get3A_7 = vector.load %arg4[%get3A_5, %get3A_6] : memref<128x128xf32, #tpu.memory_space<vmem>>, vector<128x128xf32>
    %dot_general3A = arith.constant dense<0.000000e+00> : vector<4096x128xf32>
    %dot_general3A_8 = tpu.matmul %concatenate3A, %get3A_7, %dot_general3A {dimension_numbers = #tpu.dot_dimension_numbers<[1], [1], [0], [0], [0, 0, 1, 0], [], []>, transpose_lhs_hint = false} : vector<4096x128xf32>, vector<128x128xf32>, vector<4096x128xf32> -> vector<4096x128xf32>
    %get3A_9 = arith.constant 0 : index
    %get3A_10 = arith.constant 0 : index
    %get3A_11 = vector.load %arg5[%get3A_9, %get3A_10] : memref<1x128xf32, #tpu.memory_space<vmem>>, vector<1x128xf32>
    %add3A = vector.broadcast %get3A_11 : vector<1x128xf32> to vector<4096x128xf32>
    %add3A_12 = arith.addf %dot_general3A_8, %add3A : vector<4096x128xf32>
    %get3A_13 = arith.constant 0 : index
    %get3A_14 = arith.constant 0 : index
    %get3A_15 = vector.load %arg6[%get3A_13, %get3A_14] : memref<128x128xf32, #tpu.memory_space<vmem>>, vector<128x128xf32>
    %reduce_sum3A = arith.constant dense<0.000000e+00> : vector<128xf32>
    %reduce_sum3A_16 = vector.multi_reduction <add>, %get3A_15, %reduce_sum3A [1] : vector<128x128xf32> to vector<128xf32>
    %broadcast_in_dim3A = vector.shape_cast %reduce_sum3A_16 : vector<128xf32> to vector<128x1xf32>
    %div3A = arith.constant 3.276800e+04 : f32
    %div3A_17 = vector.broadcast %div3A : f32 to vector<128x1xf32>
    %div3A_18 = arith.divf %broadcast_in_dim3A, %div3A_17 : vector<128x1xf32>
    %get3A_19 = arith.constant 0 : index
    %get3A_20 = arith.constant 0 : index
    %get3A_21 = vector.load %arg7[%get3A_19, %get3A_20] : memref<128x128xf32, #tpu.memory_space<vmem>>, vector<128x128xf32>
    %reduce_sum3A_22 = arith.constant dense<0.000000e+00> : vector<128xf32>
    %reduce_sum3A_23 = vector.multi_reduction <add>, %get3A_21, %reduce_sum3A_22 [1] : vector<128x128xf32> to vector<128xf32>
    %broadcast_in_dim3A_24 = vector.shape_cast %reduce_sum3A_23 : vector<128xf32> to vector<128x1xf32>
    %div3A_25 = arith.constant 3.276800e+04 : f32
    %div3A_26 = vector.broadcast %div3A_25 : f32 to vector<128x1xf32>
    %div3A_27 = arith.divf %broadcast_in_dim3A_24, %div3A_26 : vector<128x1xf32>
    %mul3A = arith.mulf %div3A_18, %div3A_18 : vector<128x1xf32>
    %sub3A_28 = arith.subf %div3A_27, %mul3A : vector<128x1xf32>
    %add3A_29 = arith.constant 9.99999974E-6 : f32
    %add3A_30 = vector.broadcast %add3A_29 : f32 to vector<128x1xf32>
    %add3A_31 = arith.addf %sub3A_28, %add3A_30 : vector<128x1xf32>
    %rsqrt3A = math.rsqrt %add3A_31 : vector<128x1xf32>
    %get3A_32 = arith.constant 0 : index
    %get3A_33 = arith.constant 0 : index
    %get3A_34 = vector.load %arg8[%get3A_32, %get3A_33] : memref<128x1xf32, #tpu.memory_space<vmem>>, vector<128x1xf32>
    %mul3A_35 = arith.mulf %rsqrt3A, %get3A_34 : vector<128x1xf32>
    %get3A_36 = arith.constant 0 : index
    %get3A_37 = arith.constant 0 : index
    %get3A_38 = vector.load %arg9[%get3A_36, %get3A_37] : memref<128x1xf32, #tpu.memory_space<vmem>>, vector<128x1xf32>
    %mul3A_39 = arith.mulf %div3A_18, %mul3A_35 : vector<128x1xf32>
    %sub3A_40 = arith.subf %get3A_38, %mul3A_39 : vector<128x1xf32>
    %reshape3A = vector.shape_cast %mul3A_35 : vector<128x1xf32> to vector<128x1x1xf32>
    %reshape3A_41 = vector.shape_cast %sub3A_40 : vector<128x1xf32> to vector<128x1x1xf32>
    %reshape3A_42 = vector.shape_cast %add3A_12 : vector<4096x128xf32> to vector<128x32x128xf32>
    %mul3A_43 = vector.broadcast %reshape3A : vector<128x1x1xf32> to vector<128x32x128xf32>
    %mul3A_44 = arith.mulf %reshape3A_42, %mul3A_43 : vector<128x32x128xf32>
    %add3A_45 = vector.broadcast %reshape3A_41 : vector<128x1x1xf32> to vector<128x32x128xf32>
    %add3A_46 = arith.addf %mul3A_44, %add3A_45 : vector<128x32x128xf32>
    %max3A = arith.constant 0.000000e+00 : f32
    %max3A_47 = vector.broadcast %max3A : f32 to vector<128x32x128xf32>
    %max3A_48 = arith.maximumf %add3A_46, %max3A_47 : vector<128x32x128xf32>
    %reshape3A_49 = vector.shape_cast %max3A_48 : vector<128x32x128xf32> to vector<4096x128xf32>
    %get3A_50 = arith.constant 0 : index
    %get3A_51 = arith.constant 0 : index
    %get3A_52 = vector.load %arg10[%get3A_50, %get3A_51] : memref<128x128xf32, #tpu.memory_space<vmem>>, vector<128x128xf32>
    %dot_general3A_53 = arith.constant dense<0.000000e+00> : vector<4096x128xf32>
    %dot_general3A_54 = tpu.matmul %reshape3A_49, %get3A_52, %dot_general3A_53 {dimension_numbers = #tpu.dot_dimension_numbers<[1], [1], [0], [0], [0, 0, 1, 0], [], []>, transpose_lhs_hint = false} : vector<4096x128xf32>, vector<128x128xf32>, vector<4096x128xf32> -> vector<4096x128xf32>
    %get3A_55 = arith.constant 0 : index
    %get3A_56 = arith.constant 0 : index
    %get3A_57 = vector.load %arg11[%get3A_55, %get3A_56] : memref<1x128xf32, #tpu.memory_space<vmem>>, vector<1x128xf32>
    %add3A_58 = vector.broadcast %get3A_57 : vector<1x128xf32> to vector<4096x128xf32>
    %add3A_59 = arith.addf %dot_general3A_54, %add3A_58 : vector<4096x128xf32>
    %swap3A = arith.constant 0 : index
    %swap3A_60 = arith.constant 0 : index
    %swap3A_61 = vector.load %arg12[%swap3A, %swap3A_60] : memref<4096x128xf32, #tpu.memory_space<vmem>>, vector<4096x128xf32>
    tpu.vector_store %arg12[%swap3A, %swap3A_60], %add3A_59 {strides = array<i32>} : memref<4096x128xf32, #tpu.memory_space<vmem>>, vector<4096x128xf32>,
    %reshape3A_62 = vector.shape_cast %add3A_59 : vector<4096x128xf32> to vector<128x32x128xf32>
    %reduce_sum3A_63 = arith.constant dense<0.000000e+00> : vector<128x128xf32>
    %reduce_sum3A_64 = vector.multi_reduction <add>, %reshape3A_62, %reduce_sum3A_63 [1] : vector<128x32x128xf32> to vector<128x128xf32>
    %mul3A_65 = arith.mulf %reshape3A_62, %reshape3A_62 : vector<128x32x128xf32>
    %reduce_sum3A_66 = arith.constant dense<0.000000e+00> : vector<128x128xf32>
    %reduce_sum3A_67 = vector.multi_reduction <add>, %mul3A_65, %reduce_sum3A_66 [1] : vector<128x32x128xf32> to vector<128x128xf32>
    %eq3A = arith.constant 0 : i32
    %eq3A_68 = arith.cmpi eq, %arg1, %eq3A : i32
    %convert_element_type3A = arith.extui %eq3A_68 : i1 to i32
    %cond3A = arith.constant 0 : i32
    %cond3A_69 = arith.cmpi ne, %convert_element_type3A, %cond3A : i32
    scf.if %cond3A_69 {
      %swap3A_74 = arith.constant 0 : index
      %swap3A_75 = arith.constant 0 : index
      %swap3A_76 = vector.load %arg13[%swap3A_74, %swap3A_75] : memref<128x128xf32, #tpu.memory_space<vmem>>, vector<128x128xf32>
      tpu.vector_store %arg13[%swap3A_74, %swap3A_75], %reduce_sum3A_64 {strides = array<i32>} : memref<128x128xf32, #tpu.memory_space<vmem>>, vector<128x128xf32>,
      %swap3A_77 = arith.constant 0 : index
      %swap3A_78 = arith.constant 0 : index
      %swap3A_79 = vector.load %arg14[%swap3A_77, %swap3A_78] : memref<128x128xf32, #tpu.memory_space<vmem>>, vector<128x128xf32>
      tpu.vector_store %arg14[%swap3A_77, %swap3A_78], %reduce_sum3A_67 {strides = array<i32>} : memref<128x128xf32, #tpu.memory_space<vmem>>, vector<128x128xf32>,
    } else {
    }
    %gt3A = arith.constant 0 : i32
    %gt3A_70 = arith.cmpi sgt, %arg1, %gt3A : i32
    %convert_element_type3A_71 = arith.extui %gt3A_70 : i1 to i32
    %cond3A_72 = arith.constant 0 : i32
    %cond3A_73 = arith.cmpi ne, %convert_element_type3A_71, %cond3A_72 : i32
    scf.if %cond3A_73 {
      %get3A_74 = arith.constant 0 : index
      %get3A_75 = arith.constant 0 : index
      %get3A_76 = vector.load %arg13[%get3A_74, %get3A_75] : memref<128x128xf32, #tpu.memory_space<vmem>>, vector<128x128xf32>
      %add3A_77 = arith.addf %get3A_76, %reduce_sum3A_64 : vector<128x128xf32>
      %swap3A_78 = arith.constant 0 : index
      %swap3A_79 = arith.constant 0 : index
      %swap3A_80 = vector.load %arg13[%swap3A_78, %swap3A_79] : memref<128x128xf32, #tpu.memory_space<vmem>>, vector<128x128xf32>
      tpu.vector_store %arg13[%swap3A_78, %swap3A_79], %add3A_77 {strides = array<i32>} : memref<128x128xf32, #tpu.memory_space<vmem>>, vector<128x128xf32>,
      %get3A_81 = arith.constant 0 : index
      %get3A_82 = arith.constant 0 : index
      %get3A_83 = vector.load %arg14[%get3A_81, %get3A_82] : memref<128x128xf32, #tpu.memory_space<vmem>>, vector<128x128xf32>
      %add3A_84 = arith.addf %get3A_83, %reduce_sum3A_67 : vector<128x128xf32>
      %swap3A_85 = arith.constant 0 : index
      %swap3A_86 = arith.constant 0 : index
      %swap3A_87 = vector.load %arg14[%swap3A_85, %swap3A_86] : memref<128x128xf32, #tpu.memory_space<vmem>>, vector<128x128xf32>
      tpu.vector_store %arg14[%swap3A_85, %swap3A_86], %add3A_84 {strides = array<i32>} : memref<128x128xf32, #tpu.memory_space<vmem>>, vector<128x128xf32>,
    } else {
    }
    return
  }
  func.func @transform_0(%arg0: i32, %arg1: i32) -> (i32, i32) {
    %jit3A = arith.constant 2 : i32
    %eq3A = arith.constant 0 : i32
    %eq3A_0 = arith.cmpi eq, %jit3A, %eq3A : i32
    %jit3A_1 = arith.constant 1 : i32
    %select_n3A = arith.select %eq3A_0, %jit3A_1, %jit3A : i32
    %rem3A = arith.remsi %arg0, %select_n3A : i32
    %ne3A = arith.constant 0 : i32
    %ne3A_2 = arith.cmpi ne, %rem3A, %ne3A : i32
    %lt3A = arith.constant 0 : i32
    %lt3A_3 = arith.cmpi slt, %rem3A, %lt3A : i32
    %lt3A_4 = arith.constant 0 : i32
    %lt3A_5 = arith.cmpi slt, %select_n3A, %lt3A_4 : i32
    %ne3A_6 = arith.xori %lt3A_3, %lt3A_5 : i1
    %and3A = arith.andi %ne3A_6, %ne3A_2 : i1
    %add3A = arith.addi %rem3A, %select_n3A : i32
    %select_n3A_7 = arith.select %and3A, %add3A, %rem3A : i32
    %c0_i32 = arith.constant 0 : i32
    %c0_i32_8 = arith.constant 0 : i32
    return %select_n3A_7, %c0_i32 : i32, i32
  }
  func.func @transform_1(%arg0: i32, %arg1: i32) -> (i32, i32) {
    %mul3A = arith.constant 8 : i32
    %mul3A_0 = arith.muli %arg1, %mul3A : i32
    %add3A = arith.addi %mul3A_0, %arg0 : i32
    %c0_i32 = arith.constant 0 : i32
    %c0_i32_1 = arith.constant 0 : i32
    return %add3A, %c0_i32 : i32, i32
  }
  func.func @transform_2(%arg0: i32, %arg1: i32) -> (i32, i32) {
    %c0_i32 = arith.constant 0 : i32
    %c0_i32_0 = arith.constant 0 : i32
    %c0_i32_1 = arith.constant 0 : i32
    return %c0_i32, %c0_i32_0 : i32, i32
  }
  func.func @transform_3(%arg0: i32, %arg1: i32) -> (i32, i32) {
    %c0_i32 = arith.constant 0 : i32
    %c0_i32_0 = arith.constant 0 : i32
    %c0_i32_1 = arith.constant 0 : i32
    return %c0_i32, %c0_i32_0 : i32, i32
  }
  func.func @transform_4(%arg0: i32, %arg1: i32) -> (i32, i32) {
    %c0_i32 = arith.constant 0 : i32
    %c0_i32_0 = arith.constant 0 : i32
    return %arg0, %c0_i32 : i32, i32
  }
  func.func @transform_5(%arg0: i32, %arg1: i32) -> (i32, i32) {
    %c0_i32 = arith.constant 0 : i32
    %c0_i32_0 = arith.constant 0 : i32
    return %arg0, %c0_i32 : i32, i32
  }
  func.func @transform_6(%arg0: i32, %arg1: i32) -> (i32, i32) {
    %c0_i32 = arith.constant 0 : i32
    %c0_i32_0 = arith.constant 0 : i32
    return %arg0, %c0_i32 : i32, i32
  }
  func.func @transform_7(%arg0: i32, %arg1: i32) -> (i32, i32) {
    %c0_i32 = arith.constant 0 : i32
    %c0_i32_0 = arith.constant 0 : i32
    return %arg0, %c0_i32 : i32, i32
  }
  func.func @transform_8(%arg0: i32, %arg1: i32) -> (i32, i32) {
    %c0_i32 = arith.constant 0 : i32
    %c0_i32_0 = arith.constant 0 : i32
    %c0_i32_1 = arith.constant 0 : i32
    return %c0_i32, %c0_i32_0 : i32, i32
  }
  func.func @transform_9(%arg0: i32, %arg1: i32) -> (i32, i32) {
    %c0_i32 = arith.constant 0 : i32
    %c0_i32_0 = arith.constant 0 : i32
    %c0_i32_1 = arith.constant 0 : i32
    return %c0_i32, %c0_i32_0 : i32, i32
  }
  func.func @transform_10(%arg0: i32, %arg1: i32) -> (i32, i32) {
    %mul3A = arith.constant 8 : i32
    %mul3A_0 = arith.muli %arg1, %mul3A : i32
    %add3A = arith.addi %mul3A_0, %arg0 : i32
    %c0_i32 = arith.constant 0 : i32
    %c0_i32_1 = arith.constant 0 : i32
    return %add3A, %c0_i32 : i32, i32
  }
  func.func @transform_11(%arg0: i32, %arg1: i32) -> (i32, i32) {
    %c0_i32 = arith.constant 0 : i32
    %c0_i32_0 = arith.constant 0 : i32
    return %arg0, %c0_i32 : i32, i32
  }
  func.func @transform_12(%arg0: i32, %arg1: i32) -> (i32, i32) {
    %c0_i32 = arith.constant 0 : i32
    %c0_i32_0 = arith.constant 0 : i32
    return %arg0, %c0_i32 : i32, i32
  }
}

module attributes {stable_mosaic.version = 14 : i64} {
  func.func @_p3_body(%arg0: i32, %arg1: i32, %arg2: memref<4096x128xf32, #tpu.memory_space<vmem>>, %arg3: memref<128x128xf32, #tpu.memory_space<vmem>>, %arg4: memref<128x128xf32, #tpu.memory_space<vmem>>, %arg5: memref<128x1xf32, #tpu.memory_space<vmem>>, %arg6: memref<128x1xf32, #tpu.memory_space<vmem>>, %arg7: memref<1x128x128xf32, #tpu.memory_space<vmem>>) attributes {dimension_semantics = [#tpu.dimension_semantics<arbitrary>, #tpu.dimension_semantics<arbitrary>], iteration_bounds = array<i64: 8, 8>, scalar_prefetch = 0 : i64, scratch_operands = 0 : i64, tpu.core_type = #tpu.core_type<tc>, window_params = [{transform_indices = @transform_0, window_bounds = array<i64: 4096, 128>}, {transform_indices = @transform_1, window_bounds = array<i64: 128, 128>}, {transform_indices = @transform_2, window_bounds = array<i64: 128, 128>}, {transform_indices = @transform_3, window_bounds = array<i64: 128, 1>}, {transform_indices = @transform_4, window_bounds = array<i64: 128, 1>}, {transform_indices = @transform_5, window_bounds = array<i64: 1, 128, 128>}]} {
    %get3A = arith.constant 0 : index
    %get3A_0 = arith.constant 0 : index
    %get3A_1 = vector.load %arg3[%get3A, %get3A_0] : memref<128x128xf32, #tpu.memory_space<vmem>>, vector<128x128xf32>
    %reduce_sum3A = arith.constant dense<0.000000e+00> : vector<128xf32>
    %reduce_sum3A_2 = vector.multi_reduction <add>, %get3A_1, %reduce_sum3A [1] : vector<128x128xf32> to vector<128xf32>
    %broadcast_in_dim3A = vector.shape_cast %reduce_sum3A_2 : vector<128xf32> to vector<128x1xf32>
    %div3A = arith.constant 3.276800e+04 : f32
    %div3A_3 = vector.broadcast %div3A : f32 to vector<128x1xf32>
    %div3A_4 = arith.divf %broadcast_in_dim3A, %div3A_3 : vector<128x1xf32>
    %get3A_5 = arith.constant 0 : index
    %get3A_6 = arith.constant 0 : index
    %get3A_7 = vector.load %arg4[%get3A_5, %get3A_6] : memref<128x128xf32, #tpu.memory_space<vmem>>, vector<128x128xf32>
    %reduce_sum3A_8 = arith.constant dense<0.000000e+00> : vector<128xf32>
    %reduce_sum3A_9 = vector.multi_reduction <add>, %get3A_7, %reduce_sum3A_8 [1] : vector<128x128xf32> to vector<128xf32>
    %broadcast_in_dim3A_10 = vector.shape_cast %reduce_sum3A_9 : vector<128xf32> to vector<128x1xf32>
    %div3A_11 = arith.constant 3.276800e+04 : f32
    %div3A_12 = vector.broadcast %div3A_11 : f32 to vector<128x1xf32>
    %div3A_13 = arith.divf %broadcast_in_dim3A_10, %div3A_12 : vector<128x1xf32>
    %mul3A = arith.mulf %div3A_4, %div3A_4 : vector<128x1xf32>
    %sub3A = arith.subf %div3A_13, %mul3A : vector<128x1xf32>
    %add3A = arith.constant 9.99999974E-6 : f32
    %add3A_14 = vector.broadcast %add3A : f32 to vector<128x1xf32>
    %add3A_15 = arith.addf %sub3A, %add3A_14 : vector<128x1xf32>
    %rsqrt3A = math.rsqrt %add3A_15 : vector<128x1xf32>
    %get3A_16 = arith.constant 0 : index
    %get3A_17 = arith.constant 0 : index
    %get3A_18 = vector.load %arg5[%get3A_16, %get3A_17] : memref<128x1xf32, #tpu.memory_space<vmem>>, vector<128x1xf32>
    %mul3A_19 = arith.mulf %rsqrt3A, %get3A_18 : vector<128x1xf32>
    %get3A_20 = arith.constant 0 : index
    %get3A_21 = arith.constant 0 : index
    %get3A_22 = vector.load %arg6[%get3A_20, %get3A_21] : memref<128x1xf32, #tpu.memory_space<vmem>>, vector<128x1xf32>
    %mul3A_23 = arith.mulf %div3A_4, %mul3A_19 : vector<128x1xf32>
    %sub3A_24 = arith.subf %get3A_22, %mul3A_23 : vector<128x1xf32>
    %reshape3A = vector.shape_cast %mul3A_19 : vector<128x1xf32> to vector<128x1x1xf32>
    %reshape3A_25 = vector.shape_cast %sub3A_24 : vector<128x1xf32> to vector<128x1x1xf32>
    %get3A_26 = arith.constant 0 : index
    %get3A_27 = arith.constant 0 : index
    %get3A_28 = vector.load %arg2[%get3A_26, %get3A_27] : memref<4096x128xf32, #tpu.memory_space<vmem>>, vector<4096x128xf32>
    %reshape3A_29 = vector.shape_cast %get3A_28 : vector<4096x128xf32> to vector<128x32x128xf32>
    %mul3A_30 = vector.broadcast %reshape3A : vector<128x1x1xf32> to vector<128x32x128xf32>
    %mul3A_31 = arith.mulf %reshape3A_29, %mul3A_30 : vector<128x32x128xf32>
    %add3A_32 = vector.broadcast %reshape3A_25 : vector<128x1x1xf32> to vector<128x32x128xf32>
    %add3A_33 = arith.addf %mul3A_31, %add3A_32 : vector<128x32x128xf32>
    %max3A = arith.constant 0.000000e+00 : f32
    %max3A_34 = vector.broadcast %max3A : f32 to vector<128x32x128xf32>
    %max3A_35 = arith.maximumf %add3A_33, %max3A_34 : vector<128x32x128xf32>
    %reduce_max3A = arith.constant dense<0xFF800000> : vector<128x128xf32>
    %reduce_max3A_36 = vector.multi_reduction <maximumf>, %max3A_35, %reduce_max3A [1] : vector<128x32x128xf32> to vector<128x128xf32>
    %swap3A = arith.constant 0 : index
    %swap3A_37 = arith.constant 0 : index
    %swap3A_38 = arith.constant 0 : index
    %swap3A_39 = vector.load %arg7[%swap3A, %swap3A_37, %swap3A_38] : memref<1x128x128xf32, #tpu.memory_space<vmem>>, vector<1x128x128xf32>
    %swap3A_40 = vector.shape_cast %swap3A_39 : vector<1x128x128xf32> to vector<128x128xf32>
    %swap3A_41 = vector.shape_cast %reduce_max3A_36 : vector<128x128xf32> to vector<1x128x128xf32>
    tpu.vector_store %arg7[%swap3A, %swap3A_37, %swap3A_38], %swap3A_41 {strides = array<i32>} : memref<1x128x128xf32, #tpu.memory_space<vmem>>, vector<1x128x128xf32>,
    return
  }
  func.func @transform_0(%arg0: i32, %arg1: i32) -> (i32, i32) {
    %mul3A = arith.constant 8 : i32
    %mul3A_0 = arith.muli %arg1, %mul3A : i32
    %add3A = arith.addi %mul3A_0, %arg0 : i32
    %c0_i32 = arith.constant 0 : i32
    %c0_i32_1 = arith.constant 0 : i32
    return %add3A, %c0_i32 : i32, i32
  }
  func.func @transform_1(%arg0: i32, %arg1: i32) -> (i32, i32) {
    %c0_i32 = arith.constant 0 : i32
    %c0_i32_0 = arith.constant 0 : i32
    return %arg0, %c0_i32 : i32, i32
  }
  func.func @transform_2(%arg0: i32, %arg1: i32) -> (i32, i32) {
    %c0_i32 = arith.constant 0 : i32
    %c0_i32_0 = arith.constant 0 : i32
    return %arg0, %c0_i32 : i32, i32
  }
  func.func @transform_3(%arg0: i32, %arg1: i32) -> (i32, i32) {
    %c0_i32 = arith.constant 0 : i32
    %c0_i32_0 = arith.constant 0 : i32
    return %arg0, %c0_i32 : i32, i32
  }
  func.func @transform_4(%arg0: i32, %arg1: i32) -> (i32, i32) {
    %c0_i32 = arith.constant 0 : i32
    %c0_i32_0 = arith.constant 0 : i32
    return %arg0, %c0_i32 : i32, i32
  }
  func.func @transform_5(%arg0: i32, %arg1: i32) -> (i32, i32, i32) {
    %c0_i32 = arith.constant 0 : i32
    %c0_i32_0 = arith.constant 0 : i32
    return %arg1, %arg0, %c0_i32 : i32, i32, i32
  }
}

</mosaic_0001>

<sc_bundles>
// kernel: kernel.7.cloned.1.call-start
scs
__scs_entry_jumppad:
0x0: {  	(pc) =	sbr.rel $0x88, $3  }
0x1: {  	(tag) =	ssettag $0x0;
	lr =	simm.s32 $0x1  }
0x2: {  	[smem:$0x3F9A] =	sst lr;
	_ =	strace $0xD0000000  }
0x3: {  	_ = 	snop  }
0x4: {  	_ = 	snop  }
0x5: {  	_ = 	snop  }
0x6: {  	_ = 	snop  }
0x7: {  	_ = 	snop  }
__scs_overlays_trampoline_lowered:
0x8: {  	[smem:$0x3FA9] =	sst s0  }
0x9: {  	[smem:$0x3FAA] =	sst s1  }
0xa: {  	[smem:$0x3FAB] =	sst s2  }
0xb: {  	[smem:$0x3FAC] =	sst s3  }
0xc: {  	[smem:$0x3FAD] =	sst s4  }
0xd: {  	[smem:$0x3FAE] =	sst s5  }
0xe: {  	[smem:$0x3FAF] =	sst s6  }
0xf: {  	[smem:$0x3FB0] =	sst s7  }
0x10: {  	[smem:$0x3FB1] =	sst s8  }
0x11: {  	[smem:$0x3FB2] =	sst s9;
	s0 =	simm.s32 @!p0 $0x0  }
0x12: {  	s1 =	sld [smem:$0x3F98];
	s0 =	simm.s32 @p0 $0x1  }
0x13: {  	[smem:$0x3FB3] =	sst s0;
	s0 =	simm.s32 @!p1 $0x0  }
0x14: {  	s2 =	sld [smem:$0x3F97];
	s0 =	simm.s32 @p1 $0x1  }
0x15: {  	[smem:$0x3FB4] =	sst s0;
	s0 =	simm.s32 @!p2 $0x0  }
0x16: {  	s3 =	sld [smem:$0x3FDB];
	s0 =	simm.s32 @p2 $0x1  }
0x17: {  	s4 =	simm.s32 $0x1BF5;
	[smem:$0x3FB6] =	sst s0  }
0x18: {  	s0 =	sld [smem:$0x3F99];
	_ =	swait.ge [sflag:s4], $0x0  }
0x19: {  	s7 =	sld [smem:$0x3F9A]  }
0x1a: {  	s8 =	sadd.s32 $0xFFFFE003, lr  }
0x1b: {  	s9 =	sadd.s32 $0xFFFFFEF7, lr;
	s5 =	simm.s32 $0xFFFFFFFF;
	p2 =	slt.u32 s8, $0xFFFFF086  }
0x1c: {  	p1 =	slt.u32 s9, $0xF7A;
	s5 =	simm.s32 @!p2 $0x0  }
0x1d: {  	s5 =	simm.s32 @p1 $0x1;
	p0 =	seq.s32 s7, s2  }
0x1e: {  	s7 =	smul.u32 @!p0 $0xF7A, s2;
	p2 =	seq.s32 @!p0 s5, $0x0  }
0x1f: {  	s9 =	smul.u32 $0xF7A, s1;
	s8 =	simm.s32 @!p0 $0x1BF5;
	p2 =	por !p2, p0  }
0x20: {  	[sflag:s8] =	ssyncset.s32 @!p0 $0xFFFFF086;
	s6 =	sadd.s32 @!p0 s3, s7;
	s7 =	simm.s32 @!p0 $0x108  }
0x21: {  	s3 =	sadd.s32 s3, s9;
	s6 =	sadd.s32 @!p0 $0x88, s6;
	s7 =	simm.s32 @p2 $0x1082  }
0x22: {  	[simem:s7], [sflag:s8] =	dma.local @!p0 [hbm:s6], $0xF7A  }
0x23: {  	s9 =	sor.u32 $0xD0000000, s2;
	s6 =	simm.s32 $0x108;
	_ =	swait.ge @!p0 [sflag:s8], $0x0  }
0x24: {  	s3 =	sadd.s32 $0x88, s3;
	s6 =	simm.s32 @!p1 $0x1082;
	[sflag:s4] =	ssyncset.s32 $0xFFFFF086  }
0x25: {  	[simem:s6], [sflag:s4] =	dma.local [hbm:s3], $0xF7A  }
0x26: {  	[smem:$0x3F9A] =	sst s1;
	(tag) =	ssettag s2;
	_ =	strace s9  }
0x27: {  	s1 =	sld [smem:$0x3FAA]  }
0x28: {  	s2 =	sld [smem:$0x3FAB]  }
0x29: {  	s4 =	sld [smem:$0x3FAD]  }
0x2a: {  	p0 =	seq.s32 s5, $0x0;
	s5 =	sld [smem:$0x3FAE]  }
0x2b: {  	s6 =	sld [smem:$0x3FAF]  }
0x2c: {  	s7 =	sld [smem:$0x3FB0]  }
0x2d: {  	s3 =	simm.s32 $0x108;
	s8 =	sld [smem:$0x3FB1]  }
0x2e: {  	s3 =	simm.s32 @!p0 $0x1082;
	s9 =	sld [smem:$0x3FB2]  }
0x2f: {  	lr =	sadd.s32 s0, s3;
	s0 =	sld [smem:$0x3FA9]  }
0x30: {  	s3 =	sld [smem:$0x3FAC]  }
0x31: {  	[smem:$0x3FB5] =	sst s10  }
0x32: {  	s10 =	sld [smem:$0x3FB3];
	_ =	sdelay $0x3  }
0x33: {  	p0 =	seq.s32 s10, $0x1;
	s10 =	sld [smem:$0x3FB5];
	_ =	sdelay $0x3  }
0x34: {  	[smem:$0x3FB5] =	sst s10  }
0x35: {  	s10 =	sld [smem:$0x3FB4];
	_ =	sdelay $0x3  }
0x36: {  	p1 =	seq.s32 s10, $0x1;
	s10 =	sld [smem:$0x3FB5];
	_ =	sdelay $0x3  }
0x37: {  	[smem:$0x3FB5] =	sst s10  }
0x38: {  	s10 =	sld [smem:$0x3FB6]  }
0x39: {  	_ = 	snop;
	(pc) =	sbr.ind lr, $3  }
0x3a: {  	_ = 	snop  }
0x3b: {  	_ = 	snop  }
0x3c: {  	p2 =	seq.s32 s10, $0x1;
	s10 =	sld [smem:$0x3FB5]  }
0x3d: {  	_ =	shalt  }
0x3e: {  	_ =	shalt  }
0x3f: {  	_ =	shalt  }
0x40: {  	_ =	shalt  }
0x41: {  	_ =	shalt  }
0x42: {  	_ =	shalt  }
0x43: {  	_ =	shalt  }
0x44: {  	_ =	shalt  }
0x45: {  	_ =	shalt  }
0x46: {  	_ =	shalt  }
0x47: {  	_ =	shalt  }
0x48: {  	_ =	shalt  }
0x49: {  	_ =	shalt  }
0x4a: {  	_ =	shalt  }
0x4b: {  	_ =	shalt  }
0x4c: {  	_ =	shalt  }
0x4d: {  	_ =	shalt  }
0x4e: {  	_ =	shalt  }
0x4f: {  	_ =	shalt  }
0x50: {  	_ =	shalt  }
0x51: {  	_ =	shalt  }
0x52: {  	_ =	shalt  }
0x53: {  	_ =	shalt  }
0x54: {  	_ =	shalt  }
0x55: {  	_ =	shalt  }
0x56: {  	_ =	shalt  }
0x57: {  	_ =	shalt  }
0x58: {  	_ =	shalt  }
0x59: {  	_ =	shalt  }
0x5a: {  	_ =	shalt  }
0x5b: {  	_ =	shalt  }
0x5c: {  	_ =	shalt  }
0x5d: {  	_ =	shalt  }
0x5e: {  	_ =	shalt  }
0x5f: {  	_ =	shalt  }
0x60: {  	_ =	shalt  }
0x61: {  	_ =	shalt  }
0x62: {  	_ =	shalt  }
0x63: {  	_ =	shalt  }
0x64: {  	_ =	shalt  }
0x65: {  	_ =	shalt  }
0x66: {  	_ =	shalt  }
0x67: {  	_ =	shalt  }
0x68: {  	_ =	shalt  }
0x69: {  	_ =	shalt  }
0x6a: {  	_ =	shalt  }
0x6b: {  	_ =	shalt  }
0x6c: {  	_ =	shalt  }
0x6d: {  	_ =	shalt  }
0x6e: {  	_ =	shalt  }
0x6f: {  	_ =	shalt  }
0x70: {  	_ =	shalt  }
0x71: {  	_ =	shalt  }
0x72: {  	_ =	shalt  }
0x73: {  	_ =	shalt  }
0x74: {  	_ =	shalt  }
0x75: {  	_ =	shalt  }
0x76: {  	_ =	shalt  }
0x77: {  	_ =	shalt  }
0x78: {  	_ =	shalt  }
0x79: {  	_ =	shalt  }
0x7a: {  	_ =	shalt  }
0x7b: {  	_ =	shalt  }
0x7c: {  	_ =	shalt  }
0x7d: {  	_ =	shalt  }
0x7e: {  	_ =	shalt  }
0x7f: {  	_ =	shalt  }
0x80: {  	_ =	shalt  }
0x81: {  	_ =	shalt  }
0x82: {  	_ =	shalt  }
0x83: {  	_ =	shalt  }
0x84: {  	_ =	shalt  }
0x85: {  	_ =	shalt  }
0x86: {  	_ =	shalt  }
0x87: {  	_ =	shalt  }
.Lfunc_end0:
.L_simem_size_0:
called_computation_lowered:
.L_overlay_start_0:
0x88: {  	s2 =	sld [smem:$0x3FD9]  }
0x89: {  	s3 =	sld [smem:$0x3FFE];
	_ =	sdelay $0x1  }
0x8a: {  	s1 =	srdreg.scid  }
0x8b: {  	s0 =	sand.u32 $0x1, s1  }
0x8c: {  	s17 =	sshll.u32 s0, $0xA;
	s2 =	sadd.s32 s3, s2  }
0x8d: {  	s2 =	sadd.s32 s2, s17  }
0x8e: {  	[smem:$0x3FC1] =	sst s2  }
0x8f: {  	_ = 	snop  }
0x90: {  	s2 =	sld [smem:$0x3FD0];
	(tm) =	ssettm $0x1  }
0x91: {  	s18 =	sld [smem:$0x3FFB];
	_ =	sdelay $0x3  }
0x92: {  	_ =	strace s18  }
0x93: {  	s3 =	sld [smem:$0x3FFC];
	_ =	sdelay $0x3  }
0x94: {  	_ =	strace s3  }
0x95: {  	s3 =	sld [smem:$0x3FFD];
	_ =	sdelay $0x3  }
0x96: {  	_ =	strace s3  }
0x97: {  	_ =	strace $0x8FFFFFFF  }
0x98: {  	s19 =	sld [smem:$0x3FDB];
	_ =	sdelay $0x1  }
0x99: {  	s4 =	simm.s32 $_scs_section_size  }
0x9a: {  	s5 =	simm.s32 $_size__tile_overlayer_lowered;
	s6 =	simm.s32 $_tile_overlayer_lowered  }
0x9b: {  	s22 =	simm.s32 $0x1BFF;
	s21 =	sshll.u32 s6, $0x1;
	s3 =	sadd.s32 s4, s19  }
0x9c: {  	s7 =	simm.s32 $0x0;
	s20 =	sshll.u32 s5, $0x1;
	s5 =	sadd.s32 s21, s3  }
0x9d: {  	[timem:s7], [sflag:s22] =	dma.local [hbm:s5], s20  }
0x9e: {  	_ =	swait.ge [sflag:s22], s20  }
0x9f: {  	s4 =	ssub.s32 $0x0, s20;
	[sflag:s22] =	ssyncset.done $0x0  }
0xa0: {  	[sflag:s22] =	ssyncadd.s32 s4;
	_ =	sdelay $0x1  }
0xa1: {  	s23 =	simm.s32 $0x1B8B  }
0xa2: {  	_ =	swait.ge [sflag:s23], $0x1  }
0xa3: {  	[sflag:s23] =	ssyncset.done $0x0  }
0xa4: {  	s25 =	simm.s32 $0x1B8E;
	s24 =	sld [smem:$0x3FFE];
	[sflag:s23] =	ssyncadd.s32 $0xFFFFFFFF  }
0xa5: {  	s26 =	simm.s32 $execute0_lowered;
	[smem:$0x3FD2] =	sst s25  }
0xa6: {  	s5 =	sshll.u32 s26, $0x1;
	_ =	strace $0x80000046;
	[dreg:$0x1] =	wrdreg $0xFFFFFFFF  }
0xa7: {  	s28 =	simm.s32 $_size_execute0_lowered;
	s3 =	sadd.s32 s3, s5;
	[dreg:$0x0] =	wrdreg $0x0  }
0xa8: {  	s5 =	sshll.u32 s28, $0x1;
	[dreg:$0x2] =	wrdreg s3  }
0xa9: {  	[dreg:$0x3] =	wrdreg s5  }
0xaa: {  	[dreg:$0x4] =	wrdreg $0xC0  }
0xab: {  	_ =	task [dreg:s7], $0x5FFFF  }
0xac: {  	[dreg:$0x1] =	wrdreg $0xFFFFFFFF  }
0xad: {  	[dreg:$0x0] =	wrdreg $0x60  }
0xae: {  	[dreg:$0x2] =	wrdreg s2  }
0xaf: {  	[dreg:$0x3] =	wrdreg s24  }
0xb0: {  	[dreg:$0x4] =	wrdreg $0x9  }
0xb1: {  	_ =	task.clear_ibuf [dreg:s7], $0x5FFFF;
	_ =	strace $0x90000046  }
0xb2: {  	s29 =	simm.s32 $0x9;
	_ =	strace $0x80000048  }
0xb3: {  	_ =	swait.ge [sflag:s29], $0x1  }
0xb4: {  	[sflag:s29] =	ssyncadd.s32 $0xFFFFFFFF  }
0xb5: {  	_ =	strace $0x90000048  }
0xb6: {  	_ =	sfence  }
0xb7: {  	s30 =	sld [smem:$0x0];
	_ =	sdelay $0x2  }
0xb8: {  	s31 =	sshll.u32 s1, $0xD;
	s1 =	sshrl.u32 s1, $0x2  }
0xb9: {  	s3 =	sand.u32 $0x4000, s31;
	s1 =	sadd.s32 s1, s30  }
0xba: {  	s0 =	sor.u32 s3, s0;
	s1 =	sshll.u32 s1, $0x11  }
0xbb: {  	s0 =	sor.u32 s1, s0  }
0xbc: {  	s0 =	sadd.s32 $0x8F2B, s0  }
0xbd: {  	[sflag:s0] =	ssyncadd.remote.s32 $0x1  }
0xbe: {  	_ =	sfence.sel $0xFFFF  }
0xbf: {  	[dreg:$0x0] =	wrdreg $0xFFFFFFFF;
	(pc) =	sbr.abs _section_cstart, $3  }
0xc0: {  	[dreg:$0x1] =	wrdreg $0xFFFFFFFF  }
0xc1: {  	_ =	task.clear_ibuf [dreg:s7], $0x2FFFF;
	_ =	strace $0x9FFFFFFF  }
0xc2: {  	(tm) =	ssettm $0x7FFFFFFF  }
0xc3: {  	_ =	shalt  }
tec
execute0_lowered:
.L_overlay_start_1:
0x0: {  	(tag) =	ssettag $0x1  }
0x1: {  	s1 =	srdreg.scid  }
0x2: {  	s0 =	stileid.u32;
	s1 =	sand.u32 $0x1, s1  }
0x3: {  	s3 =	sshll.u32 s0, $0xE;
	s4 =	sshll.u32 s1, $0xD  }
0x4: {  	s2 =	rddreg [dreg:$0x0];
	s4 =	sor.u32 s4, s3  }
0x5: {  	s5 =	rddreg [dreg:$0x1];
	s6 =	sshrl.u32 s4, $0x3  }
0x6: {  	s3 =	simm.s32 $0x0;
	s4 =	sshll.u32 s4, $0x3;
	s6 =	sadd.s32 s6, s5  }
0x7: {  	[smem:$0x7FF] =	sst s3;
	s31 =	sadd.s32 s4, s5;
	s14 =	sadd.s32 $0x1000, s6  }
0x8: {  	_ =	strace $0x80000047;
	s15 =	sadd.s32 $0x9000, s31;
	[dreg:$0x3] =	wrdreg s14  }
0x9: {  	s16 =	sadd.s32 $0xA000, s31;
	[dreg:$0x4] =	wrdreg s15  }
0xa: {  	s17 =	sadd.s32 $0xB000, s31;
	[dreg:$0x5] =	wrdreg s16  }
0xb: {  	s18 =	sadd.s32 $0xC000, s31;
	[dreg:$0x6] =	wrdreg s17  }
0xc: {  	s19 =	sadd.s32 $0xD000, s31;
	[dreg:$0x7] =	wrdreg s18  }
0xd: {  	s20 =	sadd.s32 $0xE000, s31;
	[dreg:$0x8] =	wrdreg s19  }
0xe: {  	s21 =	sadd.s32 $0xF000, s31;
	[dreg:$0x9] =	wrdreg s20  }
0xf: {  	s22 =	sadd.s32 $0x10000, s31;
	[dreg:$0xa] =	wrdreg s21  }
0x10: {  	s23 =	sadd.s32 $0x11000, s31;
	[dreg:$0xb] =	wrdreg s22  }
0x11: {  	s24 =	sadd.s32 $0x12000, s31;
	[dreg:$0xc] =	wrdreg s23  }
0x12: {  	s26 =	sadd.s32 $0x13000, s31;
	[dreg:$0xd] =	wrdreg s24  }
0x13: {  	[dreg:$0xe] =	wrdreg s26  }
0x14: {  	s4 =	simm.s32 $0x5;
	s25 =	rddreg [dreg:$0x3]  }
0x15: {  	[tilespmem:s3], [sflag:$0x5] =	stream.linear.gather [hbm4b:s25+s3], $0x2000, $0x38;
	[tilespmem:$0x12000] =	vst v63  }
0x16: {  	_ =	swait.ge [sflag:s4], $0x2000  }
0x17: {  	[sflag:s4] =	ssyncset.done $0x0  }
0x18: {  	s5 =	simm.s32 $0x200;
	s6 =	simm.s32 $0x2000;
	[sflag:s4] =	ssyncadd.s32 $0xFFFFE000  }
0x19: {  	[tilespmem:s6], [sflag:$0x1] =	stream.indirect.gather [hbm4b:s2+s5], $0x40, s3, s5, $0xb8;
	[tilespmem:$0x12000] =	vst v63  }
0x1a: {  	s7 =	simm.s32 $0xA000;
	s8 =	simm.s32 $0x1  }
0x1b: {  	[tilespmem:s7], [sflag:$0x2] =	stream.indirect.gather [hbm4b:s2+s5], $0x40, s5, s5, $0xb8;
	[tilespmem:$0x12000] =	vst v63  }
0x1c: {  	_ =	swait.ge [sflag:s8], $0x8000  }
0x1d: {  	[sflag:s8] =	ssyncset.done $0x0  }
0x1e: {  	s9 =	simm.s32 $0x3;
	s10 =	rddreg [dreg:$0x4];
	[sflag:s8] =	ssyncadd.s32 $0xFFFF8000  }
0x1f: {  	[hbm4b:s10+s3] =	stream.linear.scatter [tilespmem:s6], [sflag:$0x3], $0x8000, $0x38;
	[tilespmem:$0x12000] =	vst v63  }
0x20: {  	_ =	swait.ge [sflag:s9], $0x8000  }
0x21: {  	[sflag:s9] =	ssyncset.done $0x0  }
0x22: {  	s11 =	simm.s32 $0x2;
	s10 =	simm.s32 $0x400;
	[sflag:s9] =	ssyncadd.s32 $0xFFFF8000  }
0x23: {  	[tilespmem:s6], [sflag:$0x1] =	stream.indirect.gather [hbm4b:s2+s5], $0x40, s10, s5, $0xb8;
	[tilespmem:$0x12000] =	vst v63  }
0x24: {  	_ =	swait.ge [sflag:s11], $0x8000  }
0x25: {  	[sflag:s11] =	ssyncset.done $0x0  }
0x26: {  	s12 =	simm.s32 $0x4;
	s13 =	rddreg [dreg:$0x5];
	[sflag:s11] =	ssyncadd.s32 $0xFFFF8000  }
0x27: {  	[hbm4b:s13+s3] =	stream.linear.scatter [tilespmem:s7], [sflag:$0x4], $0x8000, $0x38;
	[tilespmem:$0x12000] =	vst v63  }
0x28: {  	_ =	swait.ge [sflag:s12], $0x8000  }
0x29: {  	[sflag:s12] =	ssyncset.done $0x0  }
0x2a: {  	s13 =	simm.s32 $0x600;
	[sflag:s12] =	ssyncadd.s32 $0xFFFF8000  }
0x2b: {  	[tilespmem:s7], [sflag:$0x2] =	stream.indirect.gather [hbm4b:s2+s5], $0x40, s13, s5, $0xb8;
	[tilespmem:$0x12000] =	vst v63  }
0x2c: {  	_ =	swait.ge [sflag:s8], $0x8000  }
0x2d: {  	[sflag:s8] =	ssyncset.done $0x0  }
0x2e: {  	s14 =	rddreg [dreg:$0x6];
	[sflag:s8] =	ssyncadd.s32 $0xFFFF8000  }
0x2f: {  	[hbm4b:s14+s3] =	stream.linear.scatter [tilespmem:s6], [sflag:$0x3], $0x8000, $0x38;
	[tilespmem:$0x12000] =	vst v63  }
0x30: {  	_ =	swait.ge [sflag:s9], $0x8000  }
0x31: {  	[sflag:s9] =	ssyncset.done $0x0  }
0x32: {  	s14 =	simm.s32 $0x800;
	[sflag:s9] =	ssyncadd.s32 $0xFFFF8000  }
0x33: {  	[tilespmem:s6], [sflag:$0x1] =	stream.indirect.gather [hbm4b:s2+s5], $0x40, s14, s5, $0xb8;
	[tilespmem:$0x12000] =	vst v63  }
0x34: {  	_ =	swait.ge [sflag:s11], $0x8000  }
0x35: {  	[sflag:s11] =	ssyncset.done $0x0  }
0x36: {  	s15 =	rddreg [dreg:$0x7];
	[sflag:s11] =	ssyncadd.s32 $0xFFFF8000  }
0x37: {  	[hbm4b:s15+s3] =	stream.linear.scatter [tilespmem:s7], [sflag:$0x4], $0x8000, $0x38;
	[tilespmem:$0x12000] =	vst v63  }
0x38: {  	_ =	swait.ge [sflag:s12], $0x8000  }
0x39: {  	[sflag:s12] =	ssyncset.done $0x0  }
0x3a: {  	s15 =	simm.s32 $0xA00;
	[sflag:s12] =	ssyncadd.s32 $0xFFFF8000  }
0x3b: {  	[tilespmem:s7], [sflag:$0x2] =	stream.indirect.gather [hbm4b:s2+s5], $0x40, s15, s5, $0xb8;
	[tilespmem:$0x12000] =	vst v63  }
0x3c: {  	_ =	swait.ge [sflag:s8], $0x8000  }
0x3d: {  	[sflag:s8] =	ssyncset.done $0x0  }
0x3e: {  	s16 =	rddreg [dreg:$0x8];
	[sflag:s8] =	ssyncadd.s32 $0xFFFF8000  }
0x3f: {  	[hbm4b:s16+s3] =	stream.linear.scatter [tilespmem:s6], [sflag:$0x3], $0x8000, $0x38;
	[tilespmem:$0x12000] =	vst v63  }
0x40: {  	_ =	swait.ge [sflag:s9], $0x8000  }
0x41: {  	[sflag:s9] =	ssyncset.done $0x0  }
0x42: {  	s16 =	simm.s32 $0xC00;
	[sflag:s9] =	ssyncadd.s32 $0xFFFF8000  }
0x43: {  	[tilespmem:s6], [sflag:$0x1] =	stream.indirect.gather [hbm4b:s2+s5], $0x40, s16, s5, $0xb8;
	[tilespmem:$0x12000] =	vst v63  }
0x44: {  	_ =	swait.ge [sflag:s11], $0x8000  }
0x45: {  	[sflag:s11] =	ssyncset.done $0x0  }
0x46: {  	s17 =	rddreg [dreg:$0x9];
	[sflag:s11] =	ssyncadd.s32 $0xFFFF8000  }
0x47: {  	[hbm4b:s17+s3] =	stream.linear.scatter [tilespmem:s7], [sflag:$0x4], $0x8000, $0x38;
	[tilespmem:$0x12000] =	vst v63  }
0x48: {  	_ =	swait.ge [sflag:s12], $0x8000  }
0x49: {  	[sflag:s12] =	ssyncset.done $0x0  }
0x4a: {  	s17 =	simm.s32 $0xE00;
	[sflag:s12] =	ssyncadd.s32 $0xFFFF8000  }
0x4b: {  	[tilespmem:s7], [sflag:$0x2] =	stream.indirect.gather [hbm4b:s2+s5], $0x40, s17, s5, $0xb8;
	[tilespmem:$0x12000] =	vst v63  }
0x4c: {  	_ =	swait.ge [sflag:s8], $0x8000  }
0x4d: {  	[sflag:s8] =	ssyncset.done $0x0  }
0x4e: {  	s18 =	rddreg [dreg:$0xa];
	[sflag:s8] =	ssyncadd.s32 $0xFFFF8000  }
0x4f: {  	[hbm4b:s18+s3] =	stream.linear.scatter [tilespmem:s6], [sflag:$0x3], $0x8000, $0x38;
	[tilespmem:$0x12000] =	vst v63  }
0x50: {  	_ =	swait.ge [sflag:s9], $0x8000  }
0x51: {  	[sflag:s9] =	ssyncset.done $0x0  }
0x52: {  	s18 =	simm.s32 $0x1000;
	[sflag:s9] =	ssyncadd.s32 $0xFFFF8000  }
0x53: {  	[tilespmem:s6], [sflag:$0x1] =	stream.indirect.gather [hbm4b:s2+s5], $0x40, s18, s5, $0xb8;
	[tilespmem:$0x12000] =	vst v63  }
0x54: {  	_ =	swait.ge [sflag:s11], $0x8000  }
0x55: {  	[sflag:s11] =	ssyncset.done $0x0  }
0x56: {  	s19 =	rddreg [dreg:$0xb];
	[sflag:s11] =	ssyncadd.s32 $0xFFFF8000  }
0x57: {  	[hbm4b:s19+s3] =	stream.linear.scatter [tilespmem:s7], [sflag:$0x4], $0x8000, $0x38;
	[tilespmem:$0x12000] =	vst v63  }
0x58: {  	_ =	swait.ge [sflag:s12], $0x8000  }
0x59: {  	[sflag:s12] =	ssyncset.done $0x0  }
0x5a: {  	s19 =	simm.s32 $0x1200;
	[sflag:s12] =	ssyncadd.s32 $0xFFFF8000  }
0x5b: {  	[tilespmem:s7], [sflag:$0x2] =	stream.indirect.gather [hbm4b:s2+s5], $0x40, s19, s5, $0xb8;
	[tilespmem:$0x12000] =	vst v63  }
0x5c: {  	_ =	swait.ge [sflag:s8], $0x8000  }
0x5d: {  	[sflag:s8] =	ssyncset.done $0x0  }
0x5e: {  	s20 =	rddreg [dreg:$0xc];
	[sflag:s8] =	ssyncadd.s32 $0xFFFF8000  }
0x5f: {  	[hbm4b:s20+s3] =	stream.linear.scatter [tilespmem:s6], [sflag:$0x3], $0x8000, $0x38;
	[tilespmem:$0x12000] =	vst v63  }
0x60: {  	_ =	swait.ge [sflag:s9], $0x8000  }
0x61: {  	[sflag:s9] =	ssyncset.done $0x0  }
0x62: {  	s20 =	simm.s32 $0x1400;
	[sflag:s9] =	ssyncadd.s32 $0xFFFF8000  }
0x63: {  	[tilespmem:s6], [sflag:$0x1] =	stream.indirect.gather [hbm4b:s2+s5], $0x40, s20, s5, $0xb8;
	[tilespmem:$0x12000] =	vst v63  }
0x64: {  	_ =	swait.ge [sflag:s11], $0x8000  }
0x65: {  	[sflag:s11] =	ssyncset.done $0x0  }
0x66: {  	s21 =	rddreg [dreg:$0xd];
	[sflag:s11] =	ssyncadd.s32 $0xFFFF8000  }
0x67: {  	[hbm4b:s21+s3] =	stream.linear.scatter [tilespmem:s7], [sflag:$0x4], $0x8000, $0x38;
	[tilespmem:$0x12000] =	vst v63  }
0x68: {  	_ =	swait.ge [sflag:s12], $0x8000  }
0x69: {  	[sflag:s12] =	ssyncset.done $0x0  }
0x6a: {  	s21 =	simm.s32 $0x1600;
	[sflag:s12] =	ssyncadd.s32 $0xFFFF8000  }
0x6b: {  	[tilespmem:s7], [sflag:$0x2] =	stream.indirect.gather [hbm4b:s2+s5], $0x40, s21, s5, $0xb8;
	[tilespmem:$0x12000] =	vst v63  }
0x6c: {  	_ =	swait.ge [sflag:s8], $0x8000  }
0x6d: {  	[sflag:s8] =	ssyncset.done $0x0  }
0x6e: {  	s22 =	rddreg [dreg:$0xe];
	[sflag:s8] =	ssyncadd.s32 $0xFFFF8000  }
0x6f: {  	[hbm4b:s22+s3] =	stream.linear.scatter [tilespmem:s6], [sflag:$0x3], $0x8000, $0x38;
	[tilespmem:$0x12000] =	vst v63  }
0x70: {  	_ =	swait.ge [sflag:s9], $0x8000  }
0x71: {  	[sflag:s9] =	ssyncset.done $0x0  }
0x72: {  	s22 =	simm.s32 $0x1800;
	[sflag:s9] =	ssyncadd.s32 $0xFFFF8000  }
0x73: {  	[tilespmem:s6], [sflag:$0x1] =	stream.indirect.gather [hbm4b:s2+s5], $0x40, s22, s5, $0xb8;
	[tilespmem:$0x12000] =	vst v63  }
0x74: {  	_ =	swait.ge [sflag:s11], $0x8000  }
0x75: {  	[sflag:s11] =	ssyncset.done $0x0  }
0x76: {  	s23 =	sadd.s32 $0x14000, s31;
	[sflag:s11] =	ssyncadd.s32 $0xFFFF8000  }
0x77: {  	[hbm4b:s23+s3] =	stream.linear.scatter [tilespmem:s7], [sflag:$0x4], $0x8000, $0x38;
	[tilespmem:$0x12000] =	vst v63  }
0x78: {  	_ =	swait.ge [sflag:s12], $0x8000  }
0x79: {  	[sflag:s12] =	ssyncset.done $0x0  }
0x7a: {  	s24 =	simm.s32 $0x1A00;
	[sflag:s12] =	ssyncadd.s32 $0xFFFF8000  }
0x7b: {  	[tilespmem:s7], [sflag:$0x2] =	stream.indirect.gather [hbm4b:s2+s5], $0x40, s24, s5, $0xb8;
	[tilespmem:$0x12000] =	vst v63  }
0x7c: {  	_ =	swait.ge [sflag:s8], $0x8000  }
0x7d: {  	[sflag:s8] =	ssyncset.done $0x0  }
0x7e: {  	s25 =	sadd.s32 $0x15000, s31;
	[sflag:s8] =	ssyncadd.s32 $0xFFFF8000  }
0x7f: {  	[hbm4b:s25+s3] =	stream.linear.scatter [tilespmem:s6], [sflag:$0x3], $0x8000, $0x38;
	[tilespmem:$0x12000] =	vst v63  }
0x80: {  	_ =	swait.ge [sflag:s9], $0x8000  }
0x81: {  	[sflag:s9] =	ssyncset.done $0x0  }
0x82: {  	s26 =	simm.s32 $0x1C00;
	[sflag:s9] =	ssyncadd.s32 $0xFFFF8000  }
0x83: {  	[tilespmem:s6], [sflag:$0x1] =	stream.indirect.gather [hbm4b:s2+s5], $0x40, s26, s5, $0xb8;
	[tilespmem:$0x12000] =	vst v63  }
0x84: {  	_ =	swait.ge [sflag:s11], $0x8000  }
0x85: {  	[sflag:s11] =	ssyncset.done $0x0  }
0x86: {  	s28 =	sadd.s32 $0x16000, s31;
	[sflag:s11] =	ssyncadd.s32 $0xFFFF8000  }
0x87: {  	[hbm4b:s28+s3] =	stream.linear.scatter [tilespmem:s7], [sflag:$0x4], $0x8000, $0x38;
	[tilespmem:$0x12000] =	vst v63  }
0x88: {  	_ =	swait.ge [sflag:s12], $0x8000  }
0x89: {  	[sflag:s12] =	ssyncset.done $0x0  }
0x8a: {  	s29 =	simm.s32 $0x1E00;
	[sflag:s12] =	ssyncadd.s32 $0xFFFF8000  }
0x8b: {  	[tilespmem:s7], [sflag:$0x2] =	stream.indirect.gather [hbm4b:s2+s5], $0x40, s29, s5, $0xb8;
	[tilespmem:$0x12000] =	vst v63  }
0x8c: {  	_ =	swait.ge [sflag:s8], $0x8000  }
0x8d: {  	s1 =	ssub.s32 $0x2, s1;
	[sflag:s8] =	ssyncset.done $0x0  }
0x8e: {  	s0 =	sshrl.u32 s1, $0x1;
	s30 =	sadd.s32 $0x17000, s31;
	[sflag:s8] =	ssyncadd.s32 $0xFFFF8000  }
0x8f: {  	[hbm4b:s30+s3] =	stream.linear.scatter [tilespmem:s6], [sflag:$0x3], $0x8000, $0x38;
	[tilespmem:$0x12000] =	vst v63  }
0x90: {  	s0 =	ssub.s32 s1, s0;
	_ =	swait.ge [sflag:s9], $0x8000  }
0x91: {  	s0 =	smax.u32 s0, $0x1;
	[sflag:s9] =	ssyncset.done $0x0  }
0x92: {  	p0 =	sne.s32 s0, $0x1;
	[sflag:s9] =	ssyncadd.s32 $0xFFFF8000  }
.Ltmp0:
0x93: {  	_ =	swait.ge [sflag:s11], $0x8000;
	(pc) =	sbr.rel @!p0 .LBB2_2-.Ltmp0, $4  }
0x94: {  	[sflag:s11] =	ssyncset.done $0x0  }
0x95: {  	s31 =	sadd.s32 $0x18000, s31;
	[sflag:s11] =	ssyncadd.s32 $0xFFFF8000  }
0x96: {  	[hbm4b:s31+s3] =	stream.linear.scatter [tilespmem:s7], [sflag:$0x4], $0x8000, $0x38;
	[tilespmem:$0x12000] =	vst v63  }
0x97: {  	s1 =	sadd.s32 $0xFFFFFFFF, s0;
	_ =	swait.ge [sflag:s12], $0x8000  }
.LBB2_1:
0x98: {  	[sflag:s12] =	ssyncset.done $0x0  }
0x99: {  	s0 =	rddreg [dreg:$0x3];
	[sflag:s12] =	ssyncadd.s32 $0xFFFF8000  }
0x9a: {  	[tilespmem:s3], [sflag:$0x5] =	stream.linear.gather [hbm4b:s0+s3], $0x2000, $0x38;
	[tilespmem:$0x12000] =	vst v63  }
0x9b: {  	_ =	swait.ge [sflag:s4], $0x2000  }
0x9c: {  	[sflag:s4] =	ssyncset.done $0x0  }
0x9d: {  	[sflag:s4] =	ssyncadd.s32 $0xFFFFE000  }
0x9e: {  	[tilespmem:s6], [sflag:$0x1] =	stream.indirect.gather [hbm4b:s2+s5], $0x40, s3, s5, $0xb8;
	[tilespmem:$0x12000] =	vst v63  }
0x9f: {  	_ = 	snop  }
0xa0: {  	[tilespmem:s7], [sflag:$0x2] =	stream.indirect.gather [hbm4b:s2+s5], $0x40, s5, s5, $0xb8;
	[tilespmem:$0x12000] =	vst v63  }
0xa1: {  	_ =	swait.ge [sflag:s8], $0x8000  }
0xa2: {  	[sflag:s8] =	ssyncset.done $0x0  }
0xa3: {  	s0 =	rddreg [dreg:$0x4];
	[sflag:s8] =	ssyncadd.s32 $0xFFFF8000  }
0xa4: {  	[hbm4b:s0+s3] =	stream.linear.scatter [tilespmem:s6], [sflag:$0x3], $0x8000, $0x38;
	[tilespmem:$0x12000] =	vst v63  }
0xa5: {  	_ =	swait.ge [sflag:s9], $0x8000  }
0xa6: {  	[sflag:s9] =	ssyncset.done $0x0  }
0xa7: {  	[sflag:s9] =	ssyncadd.s32 $0xFFFF8000  }
0xa8: {  	[tilespmem:s6], [sflag:$0x1] =	stream.indirect.gather [hbm4b:s2+s5], $0x40, s10, s5, $0xb8;
	[tilespmem:$0x12000] =	vst v63  }
0xa9: {  	_ =	swait.ge [sflag:s11], $0x8000  }
0xaa: {  	[sflag:s11] =	ssyncset.done $0x0  }
0xab: {  	s0 =	rddreg [dreg:$0x5];
	[sflag:s11] =	ssyncadd.s32 $0xFFFF8000  }
0xac: {  	[hbm4b:s0+s3] =	stream.linear.scatter [tilespmem:s7], [sflag:$0x4], $0x8000, $0x38;
	[tilespmem:$0x12000] =	vst v63  }
0xad: {  	_ =	swait.ge [sflag:s12], $0x8000  }
0xae: {  	[sflag:s12] =	ssyncset.done $0x0  }
0xaf: {  	[sflag:s12] =	ssyncadd.s32 $0xFFFF8000  }
0xb0: {  	[tilespmem:s7], [sflag:$0x2] =	stream.indirect.gather [hbm4b:s2+s5], $0x40, s13, s5, $0xb8;
	[tilespmem:$0x12000] =	vst v63  }
0xb1: {  	_ =	swait.ge [sflag:s8], $0x8000  }
0xb2: {  	[sflag:s8] =	ssyncset.done $0x0  }
0xb3: {  	s0 =	rddreg [dreg:$0x6];
	[sflag:s8] =	ssyncadd.s32 $0xFFFF8000  }
0xb4: {  	[hbm4b:s0+s3] =	stream.linear.scatter [tilespmem:s6], [sflag:$0x3], $0x8000, $0x38;
	[tilespmem:$0x12000] =	vst v63  }
0xb5: {  	_ =	swait.ge [sflag:s9], $0x8000  }
0xb6: {  	[sflag:s9] =	ssyncset.done $0x0  }
0xb7: {  	[sflag:s9] =	ssyncadd.s32 $0xFFFF8000  }
0xb8: {  	[tilespmem:s6], [sflag:$0x1] =	stream.indirect.gather [hbm4b:s2+s5], $0x40, s14, s5, $0xb8;
	[tilespmem:$0x12000] =	vst v63  }
0xb9: {  	_ =	swait.ge [sflag:s11], $0x8000  }
0xba: {  	[sflag:s11] =	ssyncset.done $0x0  }
0xbb: {  	s0 =	rddreg [dreg:$0x7];
	[sflag:s11] =	ssyncadd.s32 $0xFFFF8000  }
0xbc: {  	[hbm4b:s0+s3] =	stream.linear.scatter [tilespmem:s7], [sflag:$0x4], $0x8000, $0x38;
	[tilespmem:$0x12000] =	vst v63  }
0xbd: {  	_ =	swait.ge [sflag:s12], $0x8000  }
0xbe: {  	[sflag:s12] =	ssyncset.done $0x0  }
0xbf: {  	[sflag:s12] =	ssyncadd.s32 $0xFFFF8000  }
0xc0: {  	[tilespmem:s7], [sflag:$0x2] =	stream.indirect.gather [hbm4b:s2+s5], $0x40, s15, s5, $0xb8;
	[tilespmem:$0x12000] =	vst v63  }
0xc1: {  	_ =	swait.ge [sflag:s8], $0x8000  }
0xc2: {  	[sflag:s8] =	ssyncset.done $0x0  }
0xc3: {  	s0 =	rddreg [dreg:$0x8];
	[sflag:s8] =	ssyncadd.s32 $0xFFFF8000  }
0xc4: {  	[hbm4b:s0+s3] =	stream.linear.scatter [tilespmem:s6], [sflag:$0x3], $0x8000, $0x38;
	[tilespmem:$0x12000] =	vst v63  }
0xc5: {  	_ =	swait.ge [sflag:s9], $0x8000  }
0xc6: {  	[sflag:s9] =	ssyncset.done $0x0  }
0xc7: {  	[sflag:s9] =	ssyncadd.s32 $0xFFFF8000  }
0xc8: {  	[tilespmem:s6], [sflag:$0x1] =	stream.indirect.gather [hbm4b:s2+s5], $0x40, s16, s5, $0xb8;
	[tilespmem:$0x12000] =	vst v63  }
0xc9: {  	_ =	swait.ge [sflag:s11], $0x8000  }
0xca: {  	[sflag:s11] =	ssyncset.done $0x0  }
0xcb: {  	s0 =	rddreg [dreg:$0x9];
	[sflag:s11] =	ssyncadd.s32 $0xFFFF8000  }
0xcc: {  	[hbm4b:s0+s3] =	stream.linear.scatter [tilespmem:s7], [sflag:$0x4], $0x8000, $0x38;
	[tilespmem:$0x12000] =	vst v63  }
0xcd: {  	_ =	swait.ge [sflag:s12], $0x8000  }
0xce: {  	[sflag:s12] =	ssyncset.done $0x0  }
0xcf: {  	[sflag:s12] =	ssyncadd.s32 $0xFFFF8000  }
0xd0: {  	[tilespmem:s7], [sflag:$0x2] =	stream.indirect.gather [hbm4b:s2+s5], $0x40, s17, s5, $0xb8;
	[tilespmem:$0x12000] =	vst v63  }
0xd1: {  	_ =	swait.ge [sflag:s8], $0x8000  }
0xd2: {  	[sflag:s8] =	ssyncset.done $0x0  }
0xd3: {  	s0 =	rddreg [dreg:$0xa];
	[sflag:s8] =	ssyncadd.s32 $0xFFFF8000  }
0xd4: {  	[hbm4b:s0+s3] =	stream.linear.scatter [tilespmem:s6], [sflag:$0x3], $0x8000, $0x38;
	[tilespmem:$0x12000] =	vst v63  }
0xd5: {  	_ =	swait.ge [sflag:s9], $0x8000  }
0xd6: {  	[sflag:s9] =	ssyncset.done $0x0  }
0xd7: {  	[sflag:s9] =	ssyncadd.s32 $0xFFFF8000  }
0xd8: {  	[tilespmem:s6], [sflag:$0x1] =	stream.indirect.gather [hbm4b:s2+s5], $0x40, s18, s5, $0xb8;
	[tilespmem:$0x12000] =	vst v63  }
0xd9: {  	_ =	swait.ge [sflag:s11], $0x8000  }
0xda: {  	[sflag:s11] =	ssyncset.done $0x0  }
0xdb: {  	s0 =	rddreg [dreg:$0xb];
	[sflag:s11] =	ssyncadd.s32 $0xFFFF8000  }
0xdc: {  	[hbm4b:s0+s3] =	stream.linear.scatter [tilespmem:s7], [sflag:$0x4], $0x8000, $0x38;
	[tilespmem:$0x12000] =	vst v63  }
0xdd: {  	_ =	swait.ge [sflag:s12], $0x8000  }
0xde: {  	[sflag:s12] =	ssyncset.done $0x0  }
0xdf: {  	[sflag:s12] =	ssyncadd.s32 $0xFFFF8000  }
0xe0: {  	[tilespmem:s7], [sflag:$0x2] =	stream.indirect.gather [hbm4b:s2+s5], $0x40, s19, s5, $0xb8;
	[tilespmem:$0x12000] =	vst v63  }
0xe1: {  	_ =	swait.ge [sflag:s8], $0x8000  }
0xe2: {  	[sflag:s8] =	ssyncset.done $0x0  }
0xe3: {  	s0 =	rddreg [dreg:$0xc];
	[sflag:s8] =	ssyncadd.s32 $0xFFFF8000  }
0xe4: {  	[hbm4b:s0+s3] =	stream.linear.scatter [tilespmem:s6], [sflag:$0x3], $0x8000, $0x38;
	[tilespmem:$0x12000] =	vst v63  }
0xe5: {  	_ =	swait.ge [sflag:s9], $0x8000  }
0xe6: {  	[sflag:s9] =	ssyncset.done $0x0  }
0xe7: {  	[sflag:s9] =	ssyncadd.s32 $0xFFFF8000  }
0xe8: {  	[tilespmem:s6], [sflag:$0x1] =	stream.indirect.gather [hbm4b:s2+s5], $0x40, s20, s5, $0xb8;
	[tilespmem:$0x12000] =	vst v63  }
0xe9: {  	_ =	swait.ge [sflag:s11], $0x8000  }
0xea: {  	[sflag:s11] =	ssyncset.done $0x0  }
0xeb: {  	s0 =	rddreg [dreg:$0xd];
	[sflag:s11] =	ssyncadd.s32 $0xFFFF8000  }
0xec: {  	[hbm4b:s0+s3] =	stream.linear.scatter [tilespmem:s7], [sflag:$0x4], $0x8000, $0x38;
	[tilespmem:$0x12000] =	vst v63  }
0xed: {  	_ =	swait.ge [sflag:s12], $0x8000  }
0xee: {  	[sflag:s12] =	ssyncset.done $0x0  }
0xef: {  	[sflag:s12] =	ssyncadd.s32 $0xFFFF8000  }
0xf0: {  	[tilespmem:s7], [sflag:$0x2] =	stream.indirect.gather [hbm4b:s2+s5], $0x40, s21, s5, $0xb8;
	[tilespmem:$0x12000] =	vst v63  }
0xf1: {  	_ =	swait.ge [sflag:s8], $0x8000  }
0xf2: {  	[sflag:s8] =	ssyncset.done $0x0  }
0xf3: {  	s0 =	rddreg [dreg:$0xe];
	[sflag:s8] =	ssyncadd.s32 $0xFFFF8000  }
0xf4: {  	[hbm4b:s0+s3] =	stream.linear.scatter [tilespmem:s6], [sflag:$0x3], $0x8000, $0x38;
	[tilespmem:$0x12000] =	vst v63  }
0xf5: {  	_ =	swait.ge [sflag:s9], $0x8000  }
0xf6: {  	[sflag:s9] =	ssyncset.done $0x0  }
0xf7: {  	[sflag:s9] =	ssyncadd.s32 $0xFFFF8000  }
0xf8: {  	[tilespmem:s6], [sflag:$0x1] =	stream.indirect.gather [hbm4b:s2+s5], $0x40, s22, s5, $0xb8;
	[tilespmem:$0x12000] =	vst v63  }
0xf9: {  	_ =	swait.ge [sflag:s11], $0x8000  }
0xfa: {  	[sflag:s11] =	ssyncset.done $0x0  }
0xfb: {  	[sflag:s11] =	ssyncadd.s32 $0xFFFF8000  }
0xfc: {  	[hbm4b:s23+s3] =	stream.linear.scatter [tilespmem:s7], [sflag:$0x4], $0x8000, $0x38;
	[tilespmem:$0x12000] =	vst v63  }
0xfd: {  	_ =	swait.ge [sflag:s12], $0x8000  }
0xfe: {  	[sflag:s12] =	ssyncset.done $0x0  }
0xff: {  	[sflag:s12] =	ssyncadd.s32 $0xFFFF8000  }
0x100: {  	[tilespmem:s7], [sflag:$0x2] =	stream.indirect.gather [hbm4b:s2+s5], $0x40, s24, s5, $0xb8;
	[tilespmem:$0x12000] =	vst v63  }
0x101: {  	_ =	swait.ge [sflag:s8], $0x8000  }
0x102: {  	[sflag:s8] =	ssyncset.done $0x0  }
0x103: {  	[sflag:s8] =	ssyncadd.s32 $0xFFFF8000  }
0x104: {  	[hbm4b:s25+s3] =	stream.linear.scatter [tilespmem:s6], [sflag:$0x3], $0x8000, $0x38;
	[tilespmem:$0x12000] =	vst v63  }
0x105: {  	_ =	swait.ge [sflag:s9], $0x8000  }
0x106: {  	[sflag:s9] =	ssyncset.done $0x0  }
0x107: {  	[sflag:s9] =	ssyncadd.s32 $0xFFFF8000  }
0x108: {  	[tilespmem:s6], [sflag:$0x1] =	stream.indirect.gather [hbm4b:s2+s5], $0x40, s26, s5, $0xb8;
	[tilespmem:$0x12000] =	vst v63  }
0x109: {  	_ =	swait.ge [sflag:s11], $0x8000  }
0x10a: {  	[sflag:s11] =	ssyncset.done $0x0  }
0x10b: {  	[sflag:s11] =	ssyncadd.s32 $0xFFFF8000  }
0x10c: {  	[hbm4b:s28+s3] =	stream.linear.scatter [tilespmem:s7], [sflag:$0x4], $0x8000, $0x38;
	[tilespmem:$0x12000] =	vst v63  }
0x10d: {  	_ =	swait.ge [sflag:s12], $0x8000  }
0x10e: {  	[sflag:s12] =	ssyncset.done $0x0  }
0x10f: {  	[sflag:s12] =	ssyncadd.s32 $0xFFFF8000  }
0x110: {  	[tilespmem:s7], [sflag:$0x2] =	stream.indirect.gather [hbm4b:s2+s5], $0x40, s29, s5, $0xb8;
	[tilespmem:$0x12000] =	vst v63  }
0x111: {  	_ =	swait.ge [sflag:s8], $0x8000  }
0x112: {  	[sflag:s8] =	ssyncset.done $0x0  }
0x113: {  	[sflag:s8] =	ssyncadd.s32 $0xFFFF8000  }
0x114: {  	[hbm4b:s30+s3] =	stream.linear.scatter [tilespmem:s6], [sflag:$0x3], $0x8000, $0x38;
	[tilespmem:$0x12000] =	vst v63  }
0x115: {  	_ =	swait.ge [sflag:s9], $0x8000  }
0x116: {  	[sflag:s9] =	ssyncset.done $0x0  }
0x117: {  	p0 =	sne.s32 s1, $0x1;
	[sflag:s9] =	ssyncadd.s32 $0xFFFF8000  }
.Ltmp1:
0x118: {  	_ =	swait.ge [sflag:s11], $0x8000;
	(pc) =	sbr.rel @p0 .LBB2_1-.Ltmp1, $4  }
0x119: {  	[sflag:s11] =	ssyncset.done $0x0  }
0x11a: {  	[sflag:s11] =	ssyncadd.s32 $0xFFFF8000  }
0x11b: {  	[hbm4b:s31+s3] =	stream.linear.scatter [tilespmem:s7], [sflag:$0x4], $0x8000, $0x38;
	[tilespmem:$0x12000] =	vst v63  }
0x11c: {  	s1 =	sadd.s32 $0xFFFFFFFF, s1;
	_ =	swait.ge [sflag:s12], $0x8000  }
.LBB2_2:
0x11d: {  	[sflag:s12] =	ssyncset.done $0x0  }
0x11e: {  	[sflag:s12] =	ssyncadd.s32 $0xFFFF8000  }
0x11f: {  	_ =	sfence.sel $0x180000  }
0x120: {  	[bflag:$0x0] =	sbarrier.arrive $0xFFFF  }
0x121: {  	_ =	strace $0x90000047  }
0x122: {  	s0 =	stileid.u32;
	[bflag:$0x2] =	sbarrier.arrive $0xFFFF  }
0x123: {  	p0 =	sne.s32 s0, $0x0;
	s0 =	rddreg [dreg:$0x2]  }
0x124: {  	s0 =	sadd.s32 @!p0 $0x100000, s0  }
0x125: {  	[sflag:s0] =	ssyncadd.tile.s32 @!p0 $0x1;
	_ =	shalt  }
.Lfunc_end2:
_tile_overlayer_lowered:
.L_overlay_start_2:
0x126: {  	(tag) =	ssettag $0x2  }
0x127: {  	s0 =	rddreg [dreg:$0x0];
	s2 =	stileid.u32  }
0x128: {  	s1 =	rddreg [dreg:$0x1];
	p0 =	sne.s32 s2, $0x0  }
0x129: {  	s3 =	rddreg [dreg:$0x2];
	[bflag:$0x3] =	sbarrier.arrive $0xFFFF;
	s2 =	simm.s32 @!p0 $0x1C05  }
0x12a: {  	[timem:s3], [sflag:s2] =	dma.local @!p0 [hbm:s0], s1  }
0x12b: {  	s0 =	simm.s32 @!p0 $0x5  }
0x12c: {  	_ =	swait.ge @!p0 [sflag:s0], s1  }
0x12d: {  	s1 =	ssub.s32 @!p0 $0x0, s1;
	[sflag:s0] =	ssyncset.done @!p0 $0x0  }
0x12e: {  	[sflag:s0] =	ssyncadd.s32 @!p0 s1  }
0x12f: {  	[bflag:$0x3] =	sbarrier.arrive $0xFFFF  }
0x130: {  	_ =	shalt  }

</sc_bundles>
